<compile_context>
chip_gen: v7x
topology: tpu7x:2x2x1
jax: 0.10.2.dev20260603
libtpu: 0.0.44.dev20260713+nightly
codegen_flags: <defaults>
</compile_context>

<pallas_src>
import functools

import jax
import jax.numpy as jnp
from jax import lax
from jax.experimental import pallas as pl
from jax.experimental.pallas import tpu as pltpu
from jax.experimental.pallas import tpu_sc as plsc

N = 10000
F = 128
K = 3
L = 2

NPAD = 10240
BN = 1024
NBLK = NPAD // BN
CH = 128
FH = F // 2
NB = 4
NW = 32
ROWS_PER_TILE = NPAD // 16

def _mesh():
    return plsc.VectorSubcoreMesh(core_axis_name="c", subcore_axis_name="s")



def _sc_degree(epad):
    epw = epad // NW

    @functools.partial(
        pl.kernel,
        mesh=_mesh(),
        out_type=jax.ShapeDtypeStruct((NW, NPAD), jnp.float32),
        scratch_types=[
            pltpu.VMEM((epw,), jnp.int32),
            pltpu.VMEM((NPAD,), jnp.float32),
        ],
        compiler_params=pltpu.CompilerParams(use_tc_tiling_on_sc=False, needs_layout_passes=False),
    )
    def deg(col_hbm, out_hbm, colv, dpart):
        c = lax.axis_index("c")
        s = lax.axis_index("s")
        wid = c * 16 + s
        pltpu.sync_copy(col_hbm.at[pl.ds(wid * epw, epw)], colv)

        def zero(j, _):
            dpart[pl.ds(j * 16, 16)] = jnp.zeros((16,), jnp.float32)
            return 0

        lax.fori_loop(0, NPAD // 16, zero, 0)
        ones = jnp.ones((16,), jnp.float32)

        def body(j, _):
            idx = colv[pl.ds(j * 16, 16)]
            plsc.addupdate_scatter(dpart, [idx], ones)
            return 0

        lax.fori_loop(0, epw // 16, body, 0)
        pltpu.sync_copy(dpart, out_hbm.at[wid])

    return deg


def _sc_scatter(epad):
    ept = epad // 16
    nch = ept // CH
    assert nch % NB == 0

    @functools.partial(
        pl.kernel,
        mesh=_mesh(),
        out_type=jax.ShapeDtypeStruct((2, NPAD, FH), jnp.float32),
        scratch_types=[
            pltpu.VMEM((nch, CH), jnp.int32),
            pltpu.VMEM((nch, CH), jnp.int32),
            [pltpu.VMEM((CH, FH), jnp.float32) for _ in range(NB)],
            pltpu.VMEM_SHARED((NPAD, FH), jnp.float32),
            [pltpu.SemaphoreType.DMA for _ in range(NB)],
            [pltpu.SemaphoreType.DMA for _ in range(NB)],
        ],
        compiler_params=pltpu.CompilerParams(use_tc_tiling_on_sc=False),
    )
    def scat(hsf_hbm, row_hbm, col_hbm, zh_hbm, out_hbm,
             rowv, colv, rows, acc, sg, ss):
        c = lax.axis_index("c")
        s = lax.axis_index("s")
        rpt = ROWS_PER_TILE
        pltpu.sync_copy(zh_hbm.at[pl.ds(s * rpt, rpt)], acc.at[pl.ds(s * rpt, rpt)])
        pltpu.sync_copy(row_hbm.at[c, s], rowv)
        pltpu.sync_copy(col_hbm.at[s], colv)
        plsc.subcore_barrier()

        for b in range(NB):
            pltpu.async_copy(hsf_hbm.at[rowv.at[b]], rows[b], sg[b])

        nt = nch // NB

        def body(t, _):
            j = NB * t
            for b in range(NB):
                pltpu.make_async_copy(hsf_hbm.at[rowv.at[j + b]], rows[b], sg[b]).wait()
                pltpu.async_copy(rows[b], acc.at[colv.at[j + b]], ss[b], add=True)
            for b in range(NB):
                @pl.when(t + 1 < nt)
                def _(b=b, j=j):
                    pltpu.make_async_copy(rows[b], acc.at[colv.at[j + b]], ss[b]).wait()
                    pltpu.async_copy(hsf_hbm.at[rowv.at[j + NB + b]], rows[b], sg[b])
            return 0

        lax.fori_loop(0, nt, body, 0)
        for b in range(NB):
            pltpu.make_async_copy(rows[b], acc.at[colv.at[nch - NB + b]], ss[b]).wait()
        plsc.subcore_barrier()
        pltpu.sync_copy(acc.at[pl.ds(s * rpt, rpt)],
                        out_hbm.at[c, pl.ds(s * rpt, rpt)])

    return scat



def _dn_from_parts(d):
    dn = jnp.where(d > 0.0, lax.rsqrt(jnp.maximum(d, 1e-30)), 0.0)
    return dn[:, 0:1]


def _pre_body(x_ref, w_ref, b_ref, dp_ref, h_ref, hs_ref, gs_ref):
    pid = pl.program_id(0)
    h = jnp.maximum(jnp.dot(x_ref[...], w_ref[...],
                            preferred_element_type=jnp.float32) + b_ref[...], 0.0)
    r = pid * BN + lax.broadcasted_iota(jnp.int32, (BN, 1), 0)
    h = jnp.where(r < N, h, 0.0)
    dn = _dn_from_parts(dp_ref[...])
    h_ref[...] = h
    hs = h * dn
    hs_ref[0] = hs[:, :FH]
    hs_ref[1] = hs[:, FH:]

    @pl.when(pid == 0)
    def _():
        gs_ref[...] = jnp.zeros_like(gs_ref)

    gs_ref[...] += jnp.sum(h, axis=0, keepdims=True)


def _tc_pre(xp, w_in, b_in, dparts):
    return pl.pallas_call(
        _pre_body,
        grid=(NBLK,),
        in_specs=[
            pl.BlockSpec((BN, F), lambda b: (b, 0)),
            pl.BlockSpec((F, F), lambda b: (0, 0)),
            pl.BlockSpec((1, F), lambda b: (0, 0)),
            pl.BlockSpec((BN, 16), lambda b: (b, 0)),
        ],
        out_specs=[
            pl.BlockSpec((BN, F), lambda b: (b, 0)),
            pl.BlockSpec((2, BN, FH), lambda b: (0, b, 0)),
            pl.BlockSpec((1, F), lambda b: (0, 0)),
        ],
        out_shape=[
            jax.ShapeDtypeStruct((NPAD, F), jnp.float32),
            jax.ShapeDtypeStruct((2, NPAD, FH), jnp.float32),
            jax.ShapeDtypeStruct((1, F), jnp.float32),
        ],
    )(xp, w_in, b_in, dparts)


def _mix_body(last, acc_ref, dp_ref, h_ref, gs_ref, wl_ref, w1_ref, b1_ref,
              w2_ref, b2_ref, al_ref, fcw_ref, fcb_ref, cw_ref, wo_ref, bo_ref,
              *out_refs):
    pid = pl.program_id(0)
    dn = _dn_from_parts(dp_ref[...])
    acc = acc_ref[...]
    hi = dn * jnp.concatenate([acc[0], acc[1]], axis=1)
    h = h_ref[...]

    gp = gs_ref[...] * (1.0 / N)
    ge = jnp.maximum(jnp.dot(gp, w1_ref[...], preferred_element_type=jnp.float32)
                     + b1_ref[...], 0.0)
    ge = jnp.dot(ge, w2_ref[...], preferred_element_type=jnp.float32) + b2_ref[...]
    wgt = jax.nn.sigmoid(al_ref[...])

    local = jnp.dot(hi, wl_ref[...], preferred_element_type=jnp.float32)
    comb = wgt * local + (1.0 - wgt) * ge
    logits = jnp.dot(comb, fcw_ref[...], preferred_element_type=jnp.float32) + fcb_ref[...]
    m = jnp.max(logits, axis=1, keepdims=True)
    ee = jnp.exp(logits - m)
    e = ee / jnp.sum(ee, axis=1, keepdims=True)

    cw = cw_ref[...]
    out = h
    for k in range(K):
        ok = (jnp.dot(hi, cw[k, :F, :], preferred_element_type=jnp.float32)
              + jnp.dot(h, cw[k, F:, :], preferred_element_type=jnp.float32))
        out = out + e[:, k:k + 1] * ok
    hn = jnp.maximum(out, 0.0)

    if last:
        y_ref, = out_refs
        y_ref[...] = jnp.dot(hn, wo_ref[...], preferred_element_type=jnp.float32) + bo_ref[...]
    else:
        h_out, hs_out, gs_out = out_refs
        h_out[...] = hn
        hs = hn * dn
        hs_out[0] = hs[:, :FH]
        hs_out[1] = hs[:, FH:]

        @pl.when(pid == 0)
        def _():
            gs_out[...] = jnp.zeros_like(gs_out)

        gs_out[...] += jnp.sum(hn, axis=0, keepdims=True)


def _tc_mix(last, accs, dparts, h, gsum, wl, w1, b1, w2, b2, al, fcw, fcb, cw, wo, bo):
    if last:
        out_specs = [pl.BlockSpec((BN, F), lambda b: (b, 0))]
        out_shape = [jax.ShapeDtypeStruct((NPAD, F), jnp.float32)]
    else:
        out_specs = [
            pl.BlockSpec((BN, F), lambda b: (b, 0)),
            pl.BlockSpec((2, BN, FH), lambda b: (0, b, 0)),
            pl.BlockSpec((1, F), lambda b: (0, 0)),
        ]
        out_shape = [
            jax.ShapeDtypeStruct((NPAD, F), jnp.float32),
            jax.ShapeDtypeStruct((2, NPAD, FH), jnp.float32),
            jax.ShapeDtypeStruct((1, F), jnp.float32),
        ]
    return pl.pallas_call(
        functools.partial(_mix_body, last),
        grid=(NBLK,),
        in_specs=[
            pl.BlockSpec((2, BN, FH), lambda b: (0, b, 0)),
            pl.BlockSpec((BN, 16), lambda b: (b, 0)),
            pl.BlockSpec((BN, F), lambda b: (b, 0)),
            pl.BlockSpec((1, F), lambda b: (0, 0)),
            pl.BlockSpec((F, F), lambda b: (0, 0)),
            pl.BlockSpec((F, F), lambda b: (0, 0)),
            pl.BlockSpec((1, F), lambda b: (0, 0)),
            pl.BlockSpec((F, F), lambda b: (0, 0)),
            pl.BlockSpec((1, F), lambda b: (0, 0)),
            pl.BlockSpec((1, F), lambda b: (0, 0)),
            pl.BlockSpec((F, F), lambda b: (0, 0)),
            pl.BlockSpec((1, F), lambda b: (0, 0)),
            pl.BlockSpec((K, 2 * F, F), lambda b: (0, 0, 0)),
            pl.BlockSpec((F, F), lambda b: (0, 0)),
            pl.BlockSpec((1, F), lambda b: (0, 0)),
        ],
        out_specs=out_specs,
        out_shape=out_shape,
    )(accs, dparts, h, gsum, wl, w1, b1, w2, b2, al, fcw, fcb, cw, wo, bo)



def kernel(x, edge_index, W_in, b_in, conv_w, env_Wlocal, env_mlp_w1, env_mlp_b1,
           env_mlp_w2, env_mlp_b2, env_alpha, env_fc_w, env_fc_b, W_out, b_out):
    ei = edge_index.astype(jnp.int32)
    E = ei.shape[1]
    grp = 16 * CH * NB
    epad = ((E + grp - 1) // grp) * grp
    pad = epad - E
    rowp = jnp.concatenate([ei[0], jnp.full((pad,), N, jnp.int32)])
    colp = jnp.concatenate([ei[1], jnp.full((pad,), N, jnp.int32)])

    xp = jnp.zeros((NPAD, F), jnp.float32).at[:N].set(x)
    zh = jnp.zeros((NPAD, FH), jnp.float32)

    dparts = _sc_degree(epad)(colp)
    d16 = jnp.broadcast_to(jnp.sum(dparts, axis=0)[:, None], (NPAD, 16))

    b_in2 = b_in.reshape(1, F)
    h, hs2, gsum = _tc_pre(xp, W_in, b_in2, d16)

    fcw_p = jnp.zeros((L, F, F), jnp.float32).at[:, :, :K].set(env_fc_w)
    fcb_p = jnp.full((L, 1, F), -1e30, jnp.float32).at[:, 0, :K].set(env_fc_b)
    bo2 = b_out.reshape(1, F)

    nch = epad // (16 * CH)
    r16 = rowp.reshape(16, nch, CH)
    row2 = jnp.stack([r16, r16 + NPAD])
    col3 = colp.reshape(16, nch, CH)
    scat = _sc_scatter(epad)
    for l in range(L):
        accs = scat(hs2.reshape(2 * NPAD, FH), row2, col3, zh)
        al = jnp.full((1, F), env_alpha[l])
        outs = _tc_mix(l == L - 1, accs, d16, h, gsum,
                       env_Wlocal[l], env_mlp_w1[l], env_mlp_b1[l].reshape(1, F),
                       env_mlp_w2[l], env_mlp_b2[l].reshape(1, F), al,
                       fcw_p[l], fcb_p[l], conv_w[l], W_out, bo2)
        if l == L - 1:
            y, = outs
        else:
            h, hs2, gsum = outs
    return y[:N]

# --- scband reference (transcript-rebuilt; emitter-appended) ---
"""Pipeline reference for scband-ca-net-2602750181783 (READ-ONLY COPY).

The authoritative reference and input builder live on the scoring server;
editing this copy changes nothing except your own understanding.
"""

import jax, jax.numpy as jnp
import numpy as np

N = 10000
E = 320000
F = 128
K = 3
L = 2


def gcn_conv(x, edge_index):
    n = x.shape[0]
    row, col = edge_index[0], edge_index[1]
    d = jnp.zeros((n,), x.dtype).at[col].add(1.0)
    d_norm_in = 1.0 / jnp.sqrt(d[col])
    d_norm_out = 1.0 / jnp.sqrt(d[row])
    val = jnp.nan_to_num(d_norm_in * d_norm_out, nan=0.0, posinf=0.0, neginf=0.0)
    # SparseTensor(row=col, col=row) @ x  ==  scatter-add val * x[row] into col
    return jnp.zeros_like(x).at[col].add(val[:, None] * x[row])


def setup_inputs(seed: int = 0) -> dict:
    key = jax.random.key(seed)
    ks = jax.random.split(key, 16)
    stdv_conv = 1.0 / np.sqrt(F)
    inp = {
        "x": jax.random.normal(ks[0], (N, F), dtype=jnp.float32),
        "edge_index": jax.random.randint(ks[1], (2, E), 0, N, dtype=jnp.int64),
        "W_in": jax.random.normal(ks[2], (F, F), dtype=jnp.float32) * 0.05,
        "b_in": jnp.zeros((F,), dtype=jnp.float32),
        "conv_w": jax.random.uniform(ks[3], (L, K, 2 * F, F), dtype=jnp.float32, minval=-stdv_conv, maxval=stdv_conv),
        "env_Wlocal": jax.random.uniform(ks[4], (L, F, F), dtype=jnp.float32, minval=-stdv_conv, maxval=stdv_conv),
        "env_mlp_w1": jax.random.normal(ks[5], (L, F, F), dtype=jnp.float32) * 0.05,
        "env_mlp_b1": jnp.zeros((L, F), dtype=jnp.float32),
        "env_mlp_w2": jax.random.normal(ks[6], (L, F, F), dtype=jnp.float32) * 0.05,
        "env_mlp_b2": jnp.zeros((L, F), dtype=jnp.float32),
        "env_alpha": jnp.zeros((L,), dtype=jnp.float32),
        "env_fc_w": jax.random.normal(ks[7], (L, F, K), dtype=jnp.float32) * 0.05,
        "env_fc_b": jnp.zeros((L, K), dtype=jnp.float32),
        "W_out": jax.random.normal(ks[8], (F, F), dtype=jnp.float32) * 0.05,
        "b_out": jnp.zeros((F,), dtype=jnp.float32),
    }
    return inp


def reference(x, edge_index, W_in, b_in, conv_w, env_Wlocal, env_mlp_w1, env_mlp_b1,
              env_mlp_w2, env_mlp_b2, env_alpha, env_fc_w, env_fc_b, W_out, b_out):
    h = jax.nn.relu(x @ W_in + b_in)
    for l in range(L):
        hi = gcn_conv(h, edge_index)
        # CombinedVirtualNodeEnvEncoder -> per-node env logits [N, K]
        local_embed = hi @ env_Wlocal[l]
        gp = jnp.mean(h, axis=0, keepdims=True)
        ge = jax.nn.relu(gp @ env_mlp_w1[l] + env_mlp_b1[l]) @ env_mlp_w2[l] + env_mlp_b2[l]
        wgt = jax.nn.sigmoid(env_alpha[l])
        combined = wgt * local_embed + (1.0 - wgt) * jnp.broadcast_to(ge, local_embed.shape)
        e = jax.nn.softmax(combined @ env_fc_w[l] + env_fc_b[l], axis=1)  # [N, K]
        # CaNetConv (gcn backbone): hi = gcn_conv(h); cat([hi, h]); K expert matmuls; mix by e; residual
        hcat = jnp.concatenate([hi, h], axis=1)  # [N, 2F]
        outs = jnp.einsum('nf,kfo->nko', hcat, conv_w[l])  # [N, K, F]
        out = jnp.sum(e[:, :, None] * outs, axis=1) + h
        h = jax.nn.relu(out)
    return h @ W_out + b_out

if __name__ == "__main__":
    import jax
    _d = setup_inputs()
    print(jax.jit(kernel)(*tuple(_d.values())))

</pallas_src>

<mosaic_0001>
#map = affine_map<(d0, d1) -> (0)>
#map1 = affine_map<(d0, d1) -> (0, 0)>
module attributes {stable_mosaic.version = 14 : i64} {
  func.func @deg(%arg0: i32, %arg1: i32, %arg2: memref<327680xi32, #tpu.memory_space<hbm>>, %arg3: memref<32x10240xf32, #tpu.memory_space<hbm>>, %arg4: memref<10240xi32, #tpu.memory_space<vmem>>, %arg5: memref<10240xf32, #tpu.memory_space<vmem>>) attributes {dimension_semantics = [#tpu.dimension_semantics<core_parallel>, #tpu.dimension_semantics<subcore_parallel>], iteration_bounds = array<i64: 2, 16>, scalar_prefetch = 0 : i64, scratch_operands = 2 : i64, tpu.core_type = #tpu.core_type<sc_vector_subcore>, window_params = [{transform_indices = #map}, {transform_indices = #map1}]} {
    %mul3A = arith.constant 16 : i32
    %mul3A_0 = arith.muli %arg0, %mul3A : i32
    %add3A = arith.addi %mul3A_0, %arg1 : i32
    %mul3A_1 = arith.constant 10240 : i32
    %mul3A_2 = arith.muli %add3A, %mul3A_1 : i32
    "tpu.region"() ({
      %run_scoped3A = tpu.sem_alloc : memref<!tpu.dma_semaphore, #tpu.memory_space<semaphore_mem>>
      %dma_start3A = tpu.memref_slice %arg2[%mul3A_2] : memref<327680xi32, #tpu.memory_space<hbm>> -> memref<10240xi32, #tpu.memory_space<hbm>>
      %dma_start3A_17 = tpu.memref_slice %arg2[%mul3A_2] : memref<327680xi32, #tpu.memory_space<hbm>> -> memref<10240xi32, #tpu.memory_space<hbm>>
      tpu.enqueue_dma source(%dma_start3A_17 : memref<10240xi32, #tpu.memory_space<hbm>>) target(%arg4 : memref<10240xi32, #tpu.memory_space<vmem>>) target_semaphore(%run_scoped3A : memref<!tpu.dma_semaphore, #tpu.memory_space<semaphore_mem>>)
      %dma_wait3A = tpu.memref_slice %arg2[%mul3A_2] : memref<327680xi32, #tpu.memory_space<hbm>> -> memref<10240xi32, #tpu.memory_space<hbm>>
      %dma_wait3A_18 = tpu.memref_slice %arg2[%mul3A_2] : memref<327680xi32, #tpu.memory_space<hbm>> -> memref<10240xi32, #tpu.memory_space<hbm>>
      tpu.wait_dma2 semaphore(%run_scoped3A : memref<!tpu.dma_semaphore, #tpu.memory_space<semaphore_mem>>) src(%dma_wait3A_18 : memref<10240xi32, #tpu.memory_space<hbm>>) dst(%arg4 : memref<10240xi32, #tpu.memory_space<vmem>>)
      tpu.yield
    }) : () -> ()
    %scan3A = arith.constant 0 : i32
    %scan3A_3 = arith.constant 0 : i32
    %scan3A_4 = arith.constant 640 : i32
    %scan3A_5 = arith.addi %scan3A_3, %scan3A_4 : i32
    %scan3A_6 = arith.constant 1 : i32
    %scan3A_7 = scf.for %scan3A_17 = %scan3A_3 to %scan3A_5 step %scan3A_6 iter_args(%scan3A_18 = %scan3A) -> (i32)  : i32 {
      %broadcast_in_dim3A_19 = arith.constant 0.000000e+00 : f32
      %broadcast_in_dim3A_20 = vector.broadcast %broadcast_in_dim3A_19 : f32 to vector<16xf32>
      %mul3A_21 = arith.constant 16 : i32
      %mul3A_22 = arith.muli %scan3A_17, %mul3A_21 : i32
      %swap3A = arith.index_cast %mul3A_22 : i32 to index
      %swap3A_23 = tpu.vector_load %arg5[%swap3A] {strides = array<i32>} : memref<10240xf32, #tpu.memory_space<vmem>>, vector<16xf32>,
      tpu.vector_store %arg5[%swap3A], %broadcast_in_dim3A_20 {strides = array<i32>} : memref<10240xf32, #tpu.memory_space<vmem>>, vector<16xf32>,
      %scan3A_24 = arith.constant 0 : i32
      scf.yield %scan3A_24 : i32
    }
    %scan3A_8 = arith.constant 640 : i32
    %broadcast_in_dim3A = arith.constant 1.000000e+00 : f32
    %broadcast_in_dim3A_9 = vector.broadcast %broadcast_in_dim3A : f32 to vector<16xf32>
    %scan3A_10 = arith.constant 0 : i32
    %scan3A_11 = arith.constant 0 : i32
    %scan3A_12 = arith.constant 640 : i32
    %scan3A_13 = arith.addi %scan3A_11, %scan3A_12 : i32
    %scan3A_14 = arith.constant 1 : i32
    %scan3A_15 = scf.for %scan3A_17 = %scan3A_11 to %scan3A_13 step %scan3A_14 iter_args(%scan3A_18 = %scan3A_10) -> (i32)  : i32 {
      %mul3A_19 = arith.constant 16 : i32
      %mul3A_20 = arith.muli %scan3A_17, %mul3A_19 : i32
      %get3A = arith.index_cast %mul3A_20 : i32 to index
      %get3A_21 = tpu.vector_load %arg4[%get3A] {strides = array<i32>} : memref<10240xi32, #tpu.memory_space<vmem>>, vector<16xi32>,
      tpu.vector_store_idx %arg5[%get3A_21], %broadcast_in_dim3A_9 {add = true} : memref<10240xf32, #tpu.memory_space<vmem>>[vector<16xi32>], vector<16xf32>,
      %scan3A_22 = arith.constant 0 : i32
      scf.yield %scan3A_22 : i32
    }
    %scan3A_16 = arith.constant 640 : i32
    "tpu.region"() ({
      %run_scoped3A = tpu.sem_alloc : memref<!tpu.dma_semaphore, #tpu.memory_space<semaphore_mem>>
      %dma_start3A = arith.constant 0 : i32
      %dma_start3A_17 = tpu.memref_slice %arg3[%add3A, %dma_start3A] : memref<32x10240xf32, #tpu.memory_space<hbm>> -> memref<1x10240xf32, #tpu.memory_space<hbm>>
      %dma_start3A_18 = tpu.memref_squeeze %dma_start3A_17 : memref<1x10240xf32, #tpu.memory_space<hbm>> -> memref<10240xf32, #tpu.memory_space<hbm>>
      %dma_start3A_19 = arith.constant 0 : i32
      %dma_start3A_20 = tpu.memref_slice %arg3[%add3A, %dma_start3A_19] : memref<32x10240xf32, #tpu.memory_space<hbm>> -> memref<1x10240xf32, #tpu.memory_space<hbm>>
      %dma_start3A_21 = tpu.memref_squeeze %dma_start3A_20 : memref<1x10240xf32, #tpu.memory_space<hbm>> -> memref<10240xf32, #tpu.memory_space<hbm>>
      tpu.enqueue_dma source(%arg5 : memref<10240xf32, #tpu.memory_space<vmem>>) target(%dma_start3A_21 : memref<10240xf32, #tpu.memory_space<hbm>>) target_semaphore(%run_scoped3A : memref<!tpu.dma_semaphore, #tpu.memory_space<semaphore_mem>>)
      %dma_wait3A = arith.constant 0 : i32
      %dma_wait3A_22 = tpu.memref_slice %arg3[%add3A, %dma_wait3A] : memref<32x10240xf32, #tpu.memory_space<hbm>> -> memref<1x10240xf32, #tpu.memory_space<hbm>>
      %dma_wait3A_23 = tpu.memref_squeeze %dma_wait3A_22 : memref<1x10240xf32, #tpu.memory_space<hbm>> -> memref<10240xf32, #tpu.memory_space<hbm>>
      %dma_wait3A_24 = arith.constant 0 : i32
      %dma_wait3A_25 = tpu.memref_slice %arg3[%add3A, %dma_wait3A_24] : memref<32x10240xf32, #tpu.memory_space<hbm>> -> memref<1x10240xf32, #tpu.memory_space<hbm>>
      %dma_wait3A_26 = tpu.memref_squeeze %dma_wait3A_25 : memref<1x10240xf32, #tpu.memory_space<hbm>> -> memref<10240xf32, #tpu.memory_space<hbm>>
      tpu.wait_dma2 semaphore(%run_scoped3A : memref<!tpu.dma_semaphore, #tpu.memory_space<semaphore_mem>>) src(%arg5 : memref<10240xf32, #tpu.memory_space<vmem>>) dst(%dma_wait3A_26 : memref<10240xf32, #tpu.memory_space<hbm>>)
      tpu.yield
    }) : () -> ()
    return
  }
}

#map = affine_map<(d0, d1) -> (0, 0)>
#map1 = affine_map<(d0, d1) -> (0, 0, 0, 0)>
#map2 = affine_map<(d0, d1) -> (0, 0, 0)>
module attributes {stable_mosaic.version = 14 : i64} {
  func.func @scat(%arg0: i32, %arg1: i32, %arg2: memref<20480x64xf32, #tpu.memory_space<hbm>>, %arg3: memref<2x16x160x128xi32, #tpu.memory_space<hbm>>, %arg4: memref<16x160x128xi32, #tpu.memory_space<hbm>>, %arg5: memref<10240x64xf32, #tpu.memory_space<hbm>>, %arg6: memref<2x10240x64xf32, #tpu.memory_space<hbm>>, %arg7: memref<160x128xi32, #tpu.memory_space<vmem>>, %arg8: memref<160x128xi32, #tpu.memory_space<vmem>>, %arg9: memref<128x64xf32, #tpu.memory_space<vmem>>, %arg10: memref<128x64xf32, #tpu.memory_space<vmem>>, %arg11: memref<128x64xf32, #tpu.memory_space<vmem>>, %arg12: memref<128x64xf32, #tpu.memory_space<vmem>>, %arg13: memref<10240x64xf32, #tpu.memory_space<vmem_shared>>, %arg14: memref<!tpu.dma_semaphore, #tpu.memory_space<semaphore_mem>>, %arg15: memref<!tpu.dma_semaphore, #tpu.memory_space<semaphore_mem>>, %arg16: memref<!tpu.dma_semaphore, #tpu.memory_space<semaphore_mem>>, %arg17: memref<!tpu.dma_semaphore, #tpu.memory_space<semaphore_mem>>, %arg18: memref<!tpu.dma_semaphore, #tpu.memory_space<semaphore_mem>>, %arg19: memref<!tpu.dma_semaphore, #tpu.memory_space<semaphore_mem>>, %arg20: memref<!tpu.dma_semaphore, #tpu.memory_space<semaphore_mem>>, %arg21: memref<!tpu.dma_semaphore, #tpu.memory_space<semaphore_mem>>) attributes {dimension_semantics = [#tpu.dimension_semantics<core_parallel>, #tpu.dimension_semantics<subcore_parallel>], iteration_bounds = array<i64: 2, 16>, scalar_prefetch = 0 : i64, scratch_operands = 15 : i64, tpu.core_type = #tpu.core_type<sc_vector_subcore>, window_params = [{transform_indices = #map}, {transform_indices = #map1}, {transform_indices = #map2}, {transform_indices = #map}, {transform_indices = #map2}]} {
    %mul3A = arith.constant 640 : i32
    %mul3A_0 = arith.muli %arg1, %mul3A : i32
    %mul3A_1 = arith.constant 640 : i32
    %mul3A_2 = arith.muli %arg1, %mul3A_1 : i32
    "tpu.region"() ({
      %run_scoped3A = tpu.sem_alloc : memref<!tpu.dma_semaphore, #tpu.memory_space<semaphore_mem>>
      %dma_start3A_68 = arith.constant 0 : i32
      %dma_start3A_69 = tpu.memref_slice %arg13[%mul3A_2, %dma_start3A_68] : memref<10240x64xf32, #tpu.memory_space<vmem_shared>> -> memref<640x64xf32, #tpu.memory_space<vmem_shared>>
      %dma_start3A_70 = arith.constant 0 : i32
      %dma_start3A_71 = tpu.memref_slice %arg5[%mul3A_0, %dma_start3A_70] : memref<10240x64xf32, #tpu.memory_space<hbm>> -> memref<640x64xf32, #tpu.memory_space<hbm>>
      tpu.enqueue_dma source(%dma_start3A_71 : memref<640x64xf32, #tpu.memory_space<hbm>>) target(%dma_start3A_69 : memref<640x64xf32, #tpu.memory_space<vmem_shared>>) target_semaphore(%run_scoped3A : memref<!tpu.dma_semaphore, #tpu.memory_space<semaphore_mem>>)
      %dma_wait3A_72 = arith.constant 0 : i32
      %dma_wait3A_73 = tpu.memref_slice %arg13[%mul3A_2, %dma_wait3A_72] : memref<10240x64xf32, #tpu.memory_space<vmem_shared>> -> memref<640x64xf32, #tpu.memory_space<vmem_shared>>
      %dma_wait3A_74 = arith.constant 0 : i32
      %dma_wait3A_75 = tpu.memref_slice %arg5[%mul3A_0, %dma_wait3A_74] : memref<10240x64xf32, #tpu.memory_space<hbm>> -> memref<640x64xf32, #tpu.memory_space<hbm>>
      tpu.wait_dma2 semaphore(%run_scoped3A : memref<!tpu.dma_semaphore, #tpu.memory_space<semaphore_mem>>) src(%dma_wait3A_75 : memref<640x64xf32, #tpu.memory_space<hbm>>) dst(%dma_wait3A_73 : memref<640x64xf32, #tpu.memory_space<vmem_shared>>)
      tpu.yield
    }) : () -> ()
    "tpu.region"() ({
      %run_scoped3A = tpu.sem_alloc : memref<!tpu.dma_semaphore, #tpu.memory_space<semaphore_mem>>
      %dma_start3A_68 = arith.constant 0 : i32
      %dma_start3A_69 = arith.constant 0 : i32
      %dma_start3A_70 = tpu.memref_slice %arg3[%arg0, %arg1, %dma_start3A_68, %dma_start3A_69] : memref<2x16x160x128xi32, #tpu.memory_space<hbm>> -> memref<1x1x160x128xi32, #tpu.memory_space<hbm>>
      %dma_start3A_71 = tpu.memref_squeeze %dma_start3A_70 : memref<1x1x160x128xi32, #tpu.memory_space<hbm>> -> memref<160x128xi32, #tpu.memory_space<hbm>>
      %dma_start3A_72 = arith.constant 0 : i32
      %dma_start3A_73 = arith.constant 0 : i32
      %dma_start3A_74 = tpu.memref_slice %arg3[%arg0, %arg1, %dma_start3A_72, %dma_start3A_73] : memref<2x16x160x128xi32, #tpu.memory_space<hbm>> -> memref<1x1x160x128xi32, #tpu.memory_space<hbm>>
      %dma_start3A_75 = tpu.memref_squeeze %dma_start3A_74 : memref<1x1x160x128xi32, #tpu.memory_space<hbm>> -> memref<160x128xi32, #tpu.memory_space<hbm>>
      tpu.enqueue_dma source(%dma_start3A_75 : memref<160x128xi32, #tpu.memory_space<hbm>>) target(%arg7 : memref<160x128xi32, #tpu.memory_space<vmem>>) target_semaphore(%run_scoped3A : memref<!tpu.dma_semaphore, #tpu.memory_space<semaphore_mem>>)
      %dma_wait3A_76 = arith.constant 0 : i32
      %dma_wait3A_77 = arith.constant 0 : i32
      %dma_wait3A_78 = tpu.memref_slice %arg3[%arg0, %arg1, %dma_wait3A_76, %dma_wait3A_77] : memref<2x16x160x128xi32, #tpu.memory_space<hbm>> -> memref<1x1x160x128xi32, #tpu.memory_space<hbm>>
      %dma_wait3A_79 = tpu.memref_squeeze %dma_wait3A_78 : memref<1x1x160x128xi32, #tpu.memory_space<hbm>> -> memref<160x128xi32, #tpu.memory_space<hbm>>
      %dma_wait3A_80 = arith.constant 0 : i32
      %dma_wait3A_81 = arith.constant 0 : i32
      %dma_wait3A_82 = tpu.memref_slice %arg3[%arg0, %arg1, %dma_wait3A_80, %dma_wait3A_81] : memref<2x16x160x128xi32, #tpu.memory_space<hbm>> -> memref<1x1x160x128xi32, #tpu.memory_space<hbm>>
      %dma_wait3A_83 = tpu.memref_squeeze %dma_wait3A_82 : memref<1x1x160x128xi32, #tpu.memory_space<hbm>> -> memref<160x128xi32, #tpu.memory_space<hbm>>
      tpu.wait_dma2 semaphore(%run_scoped3A : memref<!tpu.dma_semaphore, #tpu.memory_space<semaphore_mem>>) src(%dma_wait3A_83 : memref<160x128xi32, #tpu.memory_space<hbm>>) dst(%arg7 : memref<160x128xi32, #tpu.memory_space<vmem>>)
      tpu.yield
    }) : () -> ()
    "tpu.region"() ({
      %run_scoped3A = tpu.sem_alloc : memref<!tpu.dma_semaphore, #tpu.memory_space<semaphore_mem>>
      %dma_start3A_68 = arith.constant 0 : i32
      %dma_start3A_69 = arith.constant 0 : i32
      %dma_start3A_70 = tpu.memref_slice %arg4[%arg1, %dma_start3A_68, %dma_start3A_69] : memref<16x160x128xi32, #tpu.memory_space<hbm>> -> memref<1x160x128xi32, #tpu.memory_space<hbm>>
      %dma_start3A_71 = tpu.memref_squeeze %dma_start3A_70 : memref<1x160x128xi32, #tpu.memory_space<hbm>> -> memref<160x128xi32, #tpu.memory_space<hbm>>
      %dma_start3A_72 = arith.constant 0 : i32
      %dma_start3A_73 = arith.constant 0 : i32
      %dma_start3A_74 = tpu.memref_slice %arg4[%arg1, %dma_start3A_72, %dma_start3A_73] : memref<16x160x128xi32, #tpu.memory_space<hbm>> -> memref<1x160x128xi32, #tpu.memory_space<hbm>>
      %dma_start3A_75 = tpu.memref_squeeze %dma_start3A_74 : memref<1x160x128xi32, #tpu.memory_space<hbm>> -> memref<160x128xi32, #tpu.memory_space<hbm>>
      tpu.enqueue_dma source(%dma_start3A_75 : memref<160x128xi32, #tpu.memory_space<hbm>>) target(%arg8 : memref<160x128xi32, #tpu.memory_space<vmem>>) target_semaphore(%run_scoped3A : memref<!tpu.dma_semaphore, #tpu.memory_space<semaphore_mem>>)
      %dma_wait3A_76 = arith.constant 0 : i32
      %dma_wait3A_77 = arith.constant 0 : i32
      %dma_wait3A_78 = tpu.memref_slice %arg4[%arg1, %dma_wait3A_76, %dma_wait3A_77] : memref<16x160x128xi32, #tpu.memory_space<hbm>> -> memref<1x160x128xi32, #tpu.memory_space<hbm>>
      %dma_wait3A_79 = tpu.memref_squeeze %dma_wait3A_78 : memref<1x160x128xi32, #tpu.memory_space<hbm>> -> memref<160x128xi32, #tpu.memory_space<hbm>>
      %dma_wait3A_80 = arith.constant 0 : i32
      %dma_wait3A_81 = arith.constant 0 : i32
      %dma_wait3A_82 = tpu.memref_slice %arg4[%arg1, %dma_wait3A_80, %dma_wait3A_81] : memref<16x160x128xi32, #tpu.memory_space<hbm>> -> memref<1x160x128xi32, #tpu.memory_space<hbm>>
      %dma_wait3A_83 = tpu.memref_squeeze %dma_wait3A_82 : memref<1x160x128xi32, #tpu.memory_space<hbm>> -> memref<160x128xi32, #tpu.memory_space<hbm>>
      tpu.wait_dma2 semaphore(%run_scoped3A : memref<!tpu.dma_semaphore, #tpu.memory_space<semaphore_mem>>) src(%dma_wait3A_83 : memref<160x128xi32, #tpu.memory_space<hbm>>) dst(%arg8 : memref<160x128xi32, #tpu.memory_space<vmem>>)
      tpu.yield
    }) : () -> ()
    %barrier3A = arith.constant 0 : index
    tpu.barrier barrier_id(%barrier3A)
    %dma_start3A = arith.constant 0 : i32
    %dma_start3A_3 = arith.constant 0 : i32
    %dma_start3A_4 = tpu.memref_slice %arg7[%dma_start3A, %dma_start3A_3] : memref<160x128xi32, #tpu.memory_space<vmem>> -> memref<1x128xi32, #tpu.memory_space<vmem>>
    %dma_start3A_5 = tpu.memref_squeeze %dma_start3A_4 : memref<1x128xi32, #tpu.memory_space<vmem>> -> memref<128xi32, #tpu.memory_space<vmem>>
    %dma_start3A_6 = arith.constant 0 : i32
    %dma_start3A_7 = arith.constant 0 : i32
    %dma_start3A_8 = tpu.memref_slice %arg2[%dma_start3A_6, %dma_start3A_7] : memref<20480x64xf32, #tpu.memory_space<hbm>> -> memref<20480x64xf32, #tpu.memory_space<hbm>>
    tpu.enqueue_indirect_dma source(%dma_start3A_8 : memref<20480x64xf32, #tpu.memory_space<hbm>>) target(%arg9 : memref<128x64xf32, #tpu.memory_space<vmem>>) offsets(%dma_start3A_5 : memref<128xi32, #tpu.memory_space<vmem>>) semaphore(%arg14 : memref<!tpu.dma_semaphore, #tpu.memory_space<semaphore_mem>>)
    %dma_start3A_9 = arith.constant 1 : i32
    %dma_start3A_10 = arith.constant 0 : i32
    %dma_start3A_11 = tpu.memref_slice %arg7[%dma_start3A_9, %dma_start3A_10] : memref<160x128xi32, #tpu.memory_space<vmem>> -> memref<1x128xi32, #tpu.memory_space<vmem>>
    %dma_start3A_12 = tpu.memref_squeeze %dma_start3A_11 : memref<1x128xi32, #tpu.memory_space<vmem>> -> memref<128xi32, #tpu.memory_space<vmem>>
    %dma_start3A_13 = arith.constant 0 : i32
    %dma_start3A_14 = arith.constant 0 : i32
    %dma_start3A_15 = tpu.memref_slice %arg2[%dma_start3A_13, %dma_start3A_14] : memref<20480x64xf32, #tpu.memory_space<hbm>> -> memref<20480x64xf32, #tpu.memory_space<hbm>>
    tpu.enqueue_indirect_dma source(%dma_start3A_15 : memref<20480x64xf32, #tpu.memory_space<hbm>>) target(%arg10 : memref<128x64xf32, #tpu.memory_space<vmem>>) offsets(%dma_start3A_12 : memref<128xi32, #tpu.memory_space<vmem>>) semaphore(%arg15 : memref<!tpu.dma_semaphore, #tpu.memory_space<semaphore_mem>>)
    %dma_start3A_16 = arith.constant 2 : i32
    %dma_start3A_17 = arith.constant 0 : i32
    %dma_start3A_18 = tpu.memref_slice %arg7[%dma_start3A_16, %dma_start3A_17] : memref<160x128xi32, #tpu.memory_space<vmem>> -> memref<1x128xi32, #tpu.memory_space<vmem>>
    %dma_start3A_19 = tpu.memref_squeeze %dma_start3A_18 : memref<1x128xi32, #tpu.memory_space<vmem>> -> memref<128xi32, #tpu.memory_space<vmem>>
    %dma_start3A_20 = arith.constant 0 : i32
    %dma_start3A_21 = arith.constant 0 : i32
    %dma_start3A_22 = tpu.memref_slice %arg2[%dma_start3A_20, %dma_start3A_21] : memref<20480x64xf32, #tpu.memory_space<hbm>> -> memref<20480x64xf32, #tpu.memory_space<hbm>>
    tpu.enqueue_indirect_dma source(%dma_start3A_22 : memref<20480x64xf32, #tpu.memory_space<hbm>>) target(%arg11 : memref<128x64xf32, #tpu.memory_space<vmem>>) offsets(%dma_start3A_19 : memref<128xi32, #tpu.memory_space<vmem>>) semaphore(%arg16 : memref<!tpu.dma_semaphore, #tpu.memory_space<semaphore_mem>>)
    %dma_start3A_23 = arith.constant 3 : i32
    %dma_start3A_24 = arith.constant 0 : i32
    %dma_start3A_25 = tpu.memref_slice %arg7[%dma_start3A_23, %dma_start3A_24] : memref<160x128xi32, #tpu.memory_space<vmem>> -> memref<1x128xi32, #tpu.memory_space<vmem>>
    %dma_start3A_26 = tpu.memref_squeeze %dma_start3A_25 : memref<1x128xi32, #tpu.memory_space<vmem>> -> memref<128xi32, #tpu.memory_space<vmem>>
    %dma_start3A_27 = arith.constant 0 : i32
    %dma_start3A_28 = arith.constant 0 : i32
    %dma_start3A_29 = tpu.memref_slice %arg2[%dma_start3A_27, %dma_start3A_28] : memref<20480x64xf32, #tpu.memory_space<hbm>> -> memref<20480x64xf32, #tpu.memory_space<hbm>>
    tpu.enqueue_indirect_dma source(%dma_start3A_29 : memref<20480x64xf32, #tpu.memory_space<hbm>>) target(%arg12 : memref<128x64xf32, #tpu.memory_space<vmem>>) offsets(%dma_start3A_26 : memref<128xi32, #tpu.memory_space<vmem>>) semaphore(%arg17 : memref<!tpu.dma_semaphore, #tpu.memory_space<semaphore_mem>>)
    %scan3A = arith.constant 0 : i32
    %scan3A_30 = arith.constant 0 : i32
    %scan3A_31 = arith.constant 40 : i32
    %scan3A_32 = arith.addi %scan3A_30, %scan3A_31 : i32
    %scan3A_33 = arith.constant 1 : i32
    %scan3A_34 = scf.for %scan3A_68 = %scan3A_30 to %scan3A_32 step %scan3A_33 iter_args(%scan3A_69 = %scan3A) -> (i32)  : i32 {
      %mul3A_70 = arith.constant 4 : i32
      %mul3A_71 = arith.muli %mul3A_70, %scan3A_68 : i32
      %add3A = arith.constant 0 : i32
      %add3A_72 = arith.addi %mul3A_71, %add3A : i32
      %dma_wait3A_73 = arith.constant 0 : i32
      %dma_wait3A_74 = tpu.memref_slice %arg7[%add3A_72, %dma_wait3A_73] : memref<160x128xi32, #tpu.memory_space<vmem>> -> memref<1x128xi32, #tpu.memory_space<vmem>>
      %dma_wait3A_75 = tpu.memref_squeeze %dma_wait3A_74 : memref<1x128xi32, #tpu.memory_space<vmem>> -> memref<128xi32, #tpu.memory_space<vmem>>
      %dma_wait3A_76 = arith.constant 0 : i32
      %dma_wait3A_77 = arith.constant 0 : i32
      %dma_wait3A_78 = tpu.memref_slice %arg2[%dma_wait3A_76, %dma_wait3A_77] : memref<20480x64xf32, #tpu.memory_space<hbm>> -> memref<20480x64xf32, #tpu.memory_space<hbm>>
      tpu.wait_indirect_dma semaphore(%arg14 : memref<!tpu.dma_semaphore, #tpu.memory_space<semaphore_mem>>) src(%dma_wait3A_78 : memref<20480x64xf32, #tpu.memory_space<hbm>>) dst(%arg9 : memref<128x64xf32, #tpu.memory_space<vmem>>)
      %add3A_79 = arith.constant 0 : i32
      %add3A_80 = arith.addi %mul3A_71, %add3A_79 : i32
      %dma_start3A_81 = arith.constant 0 : i32
      %dma_start3A_82 = tpu.memref_slice %arg8[%add3A_80, %dma_start3A_81] : memref<160x128xi32, #tpu.memory_space<vmem>> -> memref<1x128xi32, #tpu.memory_space<vmem>>
      %dma_start3A_83 = tpu.memref_squeeze %dma_start3A_82 : memref<1x128xi32, #tpu.memory_space<vmem>> -> memref<128xi32, #tpu.memory_space<vmem>>
      %dma_start3A_84 = arith.constant 0 : i32
      %dma_start3A_85 = arith.constant 0 : i32
      %dma_start3A_86 = tpu.memref_slice %arg13[%dma_start3A_84, %dma_start3A_85] : memref<10240x64xf32, #tpu.memory_space<vmem_shared>> -> memref<10240x64xf32, #tpu.memory_space<vmem_shared>>
      tpu.enqueue_indirect_dma source(%arg9 : memref<128x64xf32, #tpu.memory_space<vmem>>) target(%dma_start3A_86 : memref<10240x64xf32, #tpu.memory_space<vmem_shared>>) offsets(%dma_start3A_83 : memref<128xi32, #tpu.memory_space<vmem>>) semaphore(%arg18 : memref<!tpu.dma_semaphore, #tpu.memory_space<semaphore_mem>>) {add = true}
      %add3A_87 = arith.constant 1 : i32
      %add3A_88 = arith.addi %mul3A_71, %add3A_87 : i32
      %dma_wait3A_89 = arith.constant 0 : i32
      %dma_wait3A_90 = tpu.memref_slice %arg7[%add3A_88, %dma_wait3A_89] : memref<160x128xi32, #tpu.memory_space<vmem>> -> memref<1x128xi32, #tpu.memory_space<vmem>>
      %dma_wait3A_91 = tpu.memref_squeeze %dma_wait3A_90 : memref<1x128xi32, #tpu.memory_space<vmem>> -> memref<128xi32, #tpu.memory_space<vmem>>
      %dma_wait3A_92 = arith.constant 0 : i32
      %dma_wait3A_93 = arith.constant 0 : i32
      %dma_wait3A_94 = tpu.memref_slice %arg2[%dma_wait3A_92, %dma_wait3A_93] : memref<20480x64xf32, #tpu.memory_space<hbm>> -> memref<20480x64xf32, #tpu.memory_space<hbm>>
      tpu.wait_indirect_dma semaphore(%arg15 : memref<!tpu.dma_semaphore, #tpu.memory_space<semaphore_mem>>) src(%dma_wait3A_94 : memref<20480x64xf32, #tpu.memory_space<hbm>>) dst(%arg10 : memref<128x64xf32, #tpu.memory_space<vmem>>)
      %add3A_95 = arith.constant 1 : i32
      %add3A_96 = arith.addi %mul3A_71, %add3A_95 : i32
      %dma_start3A_97 = arith.constant 0 : i32
      %dma_start3A_98 = tpu.memref_slice %arg8[%add3A_96, %dma_start3A_97] : memref<160x128xi32, #tpu.memory_space<vmem>> -> memref<1x128xi32, #tpu.memory_space<vmem>>
      %dma_start3A_99 = tpu.memref_squeeze %dma_start3A_98 : memref<1x128xi32, #tpu.memory_space<vmem>> -> memref<128xi32, #tpu.memory_space<vmem>>
      %dma_start3A_100 = arith.constant 0 : i32
      %dma_start3A_101 = arith.constant 0 : i32
      %dma_start3A_102 = tpu.memref_slice %arg13[%dma_start3A_100, %dma_start3A_101] : memref<10240x64xf32, #tpu.memory_space<vmem_shared>> -> memref<10240x64xf32, #tpu.memory_space<vmem_shared>>
      tpu.enqueue_indirect_dma source(%arg10 : memref<128x64xf32, #tpu.memory_space<vmem>>) target(%dma_start3A_102 : memref<10240x64xf32, #tpu.memory_space<vmem_shared>>) offsets(%dma_start3A_99 : memref<128xi32, #tpu.memory_space<vmem>>) semaphore(%arg19 : memref<!tpu.dma_semaphore, #tpu.memory_space<semaphore_mem>>) {add = true}
      %add3A_103 = arith.constant 2 : i32
      %add3A_104 = arith.addi %mul3A_71, %add3A_103 : i32
      %dma_wait3A_105 = arith.constant 0 : i32
      %dma_wait3A_106 = tpu.memref_slice %arg7[%add3A_104, %dma_wait3A_105] : memref<160x128xi32, #tpu.memory_space<vmem>> -> memref<1x128xi32, #tpu.memory_space<vmem>>
      %dma_wait3A_107 = tpu.memref_squeeze %dma_wait3A_106 : memref<1x128xi32, #tpu.memory_space<vmem>> -> memref<128xi32, #tpu.memory_space<vmem>>
      %dma_wait3A_108 = arith.constant 0 : i32
      %dma_wait3A_109 = arith.constant 0 : i32
      %dma_wait3A_110 = tpu.memref_slice %arg2[%dma_wait3A_108, %dma_wait3A_109] : memref<20480x64xf32, #tpu.memory_space<hbm>> -> memref<20480x64xf32, #tpu.memory_space<hbm>>
      tpu.wait_indirect_dma semaphore(%arg16 : memref<!tpu.dma_semaphore, #tpu.memory_space<semaphore_mem>>) src(%dma_wait3A_110 : memref<20480x64xf32, #tpu.memory_space<hbm>>) dst(%arg11 : memref<128x64xf32, #tpu.memory_space<vmem>>)
      %add3A_111 = arith.constant 2 : i32
      %add3A_112 = arith.addi %mul3A_71, %add3A_111 : i32
      %dma_start3A_113 = arith.constant 0 : i32
      %dma_start3A_114 = tpu.memref_slice %arg8[%add3A_112, %dma_start3A_113] : memref<160x128xi32, #tpu.memory_space<vmem>> -> memref<1x128xi32, #tpu.memory_space<vmem>>
      %dma_start3A_115 = tpu.memref_squeeze %dma_start3A_114 : memref<1x128xi32, #tpu.memory_space<vmem>> -> memref<128xi32, #tpu.memory_space<vmem>>
      %dma_start3A_116 = arith.constant 0 : i32
      %dma_start3A_117 = arith.constant 0 : i32
      %dma_start3A_118 = tpu.memref_slice %arg13[%dma_start3A_116, %dma_start3A_117] : memref<10240x64xf32, #tpu.memory_space<vmem_shared>> -> memref<10240x64xf32, #tpu.memory_space<vmem_shared>>
      tpu.enqueue_indirect_dma source(%arg11 : memref<128x64xf32, #tpu.memory_space<vmem>>) target(%dma_start3A_118 : memref<10240x64xf32, #tpu.memory_space<vmem_shared>>) offsets(%dma_start3A_115 : memref<128xi32, #tpu.memory_space<vmem>>) semaphore(%arg20 : memref<!tpu.dma_semaphore, #tpu.memory_space<semaphore_mem>>) {add = true}
      %add3A_119 = arith.constant 3 : i32
      %add3A_120 = arith.addi %mul3A_71, %add3A_119 : i32
      %dma_wait3A_121 = arith.constant 0 : i32
      %dma_wait3A_122 = tpu.memref_slice %arg7[%add3A_120, %dma_wait3A_121] : memref<160x128xi32, #tpu.memory_space<vmem>> -> memref<1x128xi32, #tpu.memory_space<vmem>>
      %dma_wait3A_123 = tpu.memref_squeeze %dma_wait3A_122 : memref<1x128xi32, #tpu.memory_space<vmem>> -> memref<128xi32, #tpu.memory_space<vmem>>
      %dma_wait3A_124 = arith.constant 0 : i32
      %dma_wait3A_125 = arith.constant 0 : i32
      %dma_wait3A_126 = tpu.memref_slice %arg2[%dma_wait3A_124, %dma_wait3A_125] : memref<20480x64xf32, #tpu.memory_space<hbm>> -> memref<20480x64xf32, #tpu.memory_space<hbm>>
      tpu.wait_indirect_dma semaphore(%arg17 : memref<!tpu.dma_semaphore, #tpu.memory_space<semaphore_mem>>) src(%dma_wait3A_126 : memref<20480x64xf32, #tpu.memory_space<hbm>>) dst(%arg12 : memref<128x64xf32, #tpu.memory_space<vmem>>)
      %add3A_127 = arith.constant 3 : i32
      %add3A_128 = arith.addi %mul3A_71, %add3A_127 : i32
      %dma_start3A_129 = arith.constant 0 : i32
      %dma_start3A_130 = tpu.memref_slice %arg8[%add3A_128, %dma_start3A_129] : memref<160x128xi32, #tpu.memory_space<vmem>> -> memref<1x128xi32, #tpu.memory_space<vmem>>
      %dma_start3A_131 = tpu.memref_squeeze %dma_start3A_130 : memref<1x128xi32, #tpu.memory_space<vmem>> -> memref<128xi32, #tpu.memory_space<vmem>>
      %dma_start3A_132 = arith.constant 0 : i32
      %dma_start3A_133 = arith.constant 0 : i32
      %dma_start3A_134 = tpu.memref_slice %arg13[%dma_start3A_132, %dma_start3A_133] : memref<10240x64xf32, #tpu.memory_space<vmem_shared>> -> memref<10240x64xf32, #tpu.memory_space<vmem_shared>>
      tpu.enqueue_indirect_dma source(%arg12 : memref<128x64xf32, #tpu.memory_space<vmem>>) target(%dma_start3A_134 : memref<10240x64xf32, #tpu.memory_space<vmem_shared>>) offsets(%dma_start3A_131 : memref<128xi32, #tpu.memory_space<vmem>>) semaphore(%arg21 : memref<!tpu.dma_semaphore, #tpu.memory_space<semaphore_mem>>) {add = true}
      %add3A_135 = arith.constant 1 : i32
      %add3A_136 = arith.addi %scan3A_68, %add3A_135 : i32
      %lt3A = arith.constant 40 : i32
      %lt3A_137 = arith.cmpi slt, %add3A_136, %lt3A : i32
      %convert_element_type3A = arith.extui %lt3A_137 : i1 to i32
      %cond3A = arith.constant 0 : i32
      %cond3A_138 = arith.cmpi ne, %convert_element_type3A, %cond3A : i32
      scf.if %cond3A_138 {
        %add3A_161 = arith.constant 0 : i32
        %add3A_162 = arith.addi %mul3A_71, %add3A_161 : i32
        %dma_wait3A_163 = arith.constant 0 : i32
        %dma_wait3A_164 = tpu.memref_slice %arg8[%add3A_162, %dma_wait3A_163] : memref<160x128xi32, #tpu.memory_space<vmem>> -> memref<1x128xi32, #tpu.memory_space<vmem>>
        %dma_wait3A_165 = tpu.memref_squeeze %dma_wait3A_164 : memref<1x128xi32, #tpu.memory_space<vmem>> -> memref<128xi32, #tpu.memory_space<vmem>>
        %dma_wait3A_166 = arith.constant 0 : i32
        %dma_wait3A_167 = arith.constant 0 : i32
        %dma_wait3A_168 = tpu.memref_slice %arg13[%dma_wait3A_166, %dma_wait3A_167] : memref<10240x64xf32, #tpu.memory_space<vmem_shared>> -> memref<10240x64xf32, #tpu.memory_space<vmem_shared>>
        tpu.wait_indirect_dma semaphore(%arg18 : memref<!tpu.dma_semaphore, #tpu.memory_space<semaphore_mem>>) src(%arg9 : memref<128x64xf32, #tpu.memory_space<vmem>>) dst(%dma_wait3A_168 : memref<10240x64xf32, #tpu.memory_space<vmem_shared>>)
        %add3A_169 = arith.constant 4 : i32
        %add3A_170 = arith.addi %mul3A_71, %add3A_169 : i32
        %add3A_171 = arith.constant 0 : i32
        %add3A_172 = arith.addi %add3A_170, %add3A_171 : i32
        %dma_start3A_173 = arith.constant 0 : i32
        %dma_start3A_174 = tpu.memref_slice %arg7[%add3A_172, %dma_start3A_173] : memref<160x128xi32, #tpu.memory_space<vmem>> -> memref<1x128xi32, #tpu.memory_space<vmem>>
        %dma_start3A_175 = tpu.memref_squeeze %dma_start3A_174 : memref<1x128xi32, #tpu.memory_space<vmem>> -> memref<128xi32, #tpu.memory_space<vmem>>
        %dma_start3A_176 = arith.constant 0 : i32
        %dma_start3A_177 = arith.constant 0 : i32
        %dma_start3A_178 = tpu.memref_slice %arg2[%dma_start3A_176, %dma_start3A_177] : memref<20480x64xf32, #tpu.memory_space<hbm>> -> memref<20480x64xf32, #tpu.memory_space<hbm>>
        tpu.enqueue_indirect_dma source(%dma_start3A_178 : memref<20480x64xf32, #tpu.memory_space<hbm>>) target(%arg9 : memref<128x64xf32, #tpu.memory_space<vmem>>) offsets(%dma_start3A_175 : memref<128xi32, #tpu.memory_space<vmem>>) semaphore(%arg14 : memref<!tpu.dma_semaphore, #tpu.memory_space<semaphore_mem>>)
      } else {
      }
      %add3A_139 = arith.constant 1 : i32
      %add3A_140 = arith.addi %scan3A_68, %add3A_139 : i32
      %lt3A_141 = arith.constant 40 : i32
      %lt3A_142 = arith.cmpi slt, %add3A_140, %lt3A_141 : i32
      %convert_element_type3A_143 = arith.extui %lt3A_142 : i1 to i32
      %cond3A_144 = arith.constant 0 : i32
      %cond3A_145 = arith.cmpi ne, %convert_element_type3A_143, %cond3A_144 : i32
      scf.if %cond3A_145 {
        %add3A_161 = arith.constant 1 : i32
        %add3A_162 = arith.addi %mul3A_71, %add3A_161 : i32
        %dma_wait3A_163 = arith.constant 0 : i32
        %dma_wait3A_164 = tpu.memref_slice %arg8[%add3A_162, %dma_wait3A_163] : memref<160x128xi32, #tpu.memory_space<vmem>> -> memref<1x128xi32, #tpu.memory_space<vmem>>
        %dma_wait3A_165 = tpu.memref_squeeze %dma_wait3A_164 : memref<1x128xi32, #tpu.memory_space<vmem>> -> memref<128xi32, #tpu.memory_space<vmem>>
        %dma_wait3A_166 = arith.constant 0 : i32
        %dma_wait3A_167 = arith.constant 0 : i32
        %dma_wait3A_168 = tpu.memref_slice %arg13[%dma_wait3A_166, %dma_wait3A_167] : memref<10240x64xf32, #tpu.memory_space<vmem_shared>> -> memref<10240x64xf32, #tpu.memory_space<vmem_shared>>
        tpu.wait_indirect_dma semaphore(%arg19 : memref<!tpu.dma_semaphore, #tpu.memory_space<semaphore_mem>>) src(%arg10 : memref<128x64xf32, #tpu.memory_space<vmem>>) dst(%dma_wait3A_168 : memref<10240x64xf32, #tpu.memory_space<vmem_shared>>)
        %add3A_169 = arith.constant 4 : i32
        %add3A_170 = arith.addi %mul3A_71, %add3A_169 : i32
        %add3A_171 = arith.constant 1 : i32
        %add3A_172 = arith.addi %add3A_170, %add3A_171 : i32
        %dma_start3A_173 = arith.constant 0 : i32
        %dma_start3A_174 = tpu.memref_slice %arg7[%add3A_172, %dma_start3A_173] : memref<160x128xi32, #tpu.memory_space<vmem>> -> memref<1x128xi32, #tpu.memory_space<vmem>>
        %dma_start3A_175 = tpu.memref_squeeze %dma_start3A_174 : memref<1x128xi32, #tpu.memory_space<vmem>> -> memref<128xi32, #tpu.memory_space<vmem>>
        %dma_start3A_176 = arith.constant 0 : i32
        %dma_start3A_177 = arith.constant 0 : i32
        %dma_start3A_178 = tpu.memref_slice %arg2[%dma_start3A_176, %dma_start3A_177] : memref<20480x64xf32, #tpu.memory_space<hbm>> -> memref<20480x64xf32, #tpu.memory_space<hbm>>
        tpu.enqueue_indirect_dma source(%dma_start3A_178 : memref<20480x64xf32, #tpu.memory_space<hbm>>) target(%arg10 : memref<128x64xf32, #tpu.memory_space<vmem>>) offsets(%dma_start3A_175 : memref<128xi32, #tpu.memory_space<vmem>>) semaphore(%arg15 : memref<!tpu.dma_semaphore, #tpu.memory_space<semaphore_mem>>)
      } else {
      }
      %add3A_146 = arith.constant 1 : i32
      %add3A_147 = arith.addi %scan3A_68, %add3A_146 : i32
      %lt3A_148 = arith.constant 40 : i32
      %lt3A_149 = arith.cmpi slt, %add3A_147, %lt3A_148 : i32
      %convert_element_type3A_150 = arith.extui %lt3A_149 : i1 to i32
      %cond3A_151 = arith.constant 0 : i32
      %cond3A_152 = arith.cmpi ne, %convert_element_type3A_150, %cond3A_151 : i32
      scf.if %cond3A_152 {
        %add3A_161 = arith.constant 2 : i32
        %add3A_162 = arith.addi %mul3A_71, %add3A_161 : i32
        %dma_wait3A_163 = arith.constant 0 : i32
        %dma_wait3A_164 = tpu.memref_slice %arg8[%add3A_162, %dma_wait3A_163] : memref<160x128xi32, #tpu.memory_space<vmem>> -> memref<1x128xi32, #tpu.memory_space<vmem>>
        %dma_wait3A_165 = tpu.memref_squeeze %dma_wait3A_164 : memref<1x128xi32, #tpu.memory_space<vmem>> -> memref<128xi32, #tpu.memory_space<vmem>>
        %dma_wait3A_166 = arith.constant 0 : i32
        %dma_wait3A_167 = arith.constant 0 : i32
        %dma_wait3A_168 = tpu.memref_slice %arg13[%dma_wait3A_166, %dma_wait3A_167] : memref<10240x64xf32, #tpu.memory_space<vmem_shared>> -> memref<10240x64xf32, #tpu.memory_space<vmem_shared>>
        tpu.wait_indirect_dma semaphore(%arg20 : memref<!tpu.dma_semaphore, #tpu.memory_space<semaphore_mem>>) src(%arg11 : memref<128x64xf32, #tpu.memory_space<vmem>>) dst(%dma_wait3A_168 : memref<10240x64xf32, #tpu.memory_space<vmem_shared>>)
        %add3A_169 = arith.constant 4 : i32
        %add3A_170 = arith.addi %mul3A_71, %add3A_169 : i32
        %add3A_171 = arith.constant 2 : i32
        %add3A_172 = arith.addi %add3A_170, %add3A_171 : i32
        %dma_start3A_173 = arith.constant 0 : i32
        %dma_start3A_174 = tpu.memref_slice %arg7[%add3A_172, %dma_start3A_173] : memref<160x128xi32, #tpu.memory_space<vmem>> -> memref<1x128xi32, #tpu.memory_space<vmem>>
        %dma_start3A_175 = tpu.memref_squeeze %dma_start3A_174 : memref<1x128xi32, #tpu.memory_space<vmem>> -> memref<128xi32, #tpu.memory_space<vmem>>
        %dma_start3A_176 = arith.constant 0 : i32
        %dma_start3A_177 = arith.constant 0 : i32
        %dma_start3A_178 = tpu.memref_slice %arg2[%dma_start3A_176, %dma_start3A_177] : memref<20480x64xf32, #tpu.memory_space<hbm>> -> memref<20480x64xf32, #tpu.memory_space<hbm>>
        tpu.enqueue_indirect_dma source(%dma_start3A_178 : memref<20480x64xf32, #tpu.memory_space<hbm>>) target(%arg11 : memref<128x64xf32, #tpu.memory_space<vmem>>) offsets(%dma_start3A_175 : memref<128xi32, #tpu.memory_space<vmem>>) semaphore(%arg16 : memref<!tpu.dma_semaphore, #tpu.memory_space<semaphore_mem>>)
      } else {
      }
      %add3A_153 = arith.constant 1 : i32
      %add3A_154 = arith.addi %scan3A_68, %add3A_153 : i32
      %lt3A_155 = arith.constant 40 : i32
      %lt3A_156 = arith.cmpi slt, %add3A_154, %lt3A_155 : i32
      %convert_element_type3A_157 = arith.extui %lt3A_156 : i1 to i32
      %cond3A_158 = arith.constant 0 : i32
      %cond3A_159 = arith.cmpi ne, %convert_element_type3A_157, %cond3A_158 : i32
      scf.if %cond3A_159 {
        %add3A_161 = arith.constant 3 : i32
        %add3A_162 = arith.addi %mul3A_71, %add3A_161 : i32
        %dma_wait3A_163 = arith.constant 0 : i32
        %dma_wait3A_164 = tpu.memref_slice %arg8[%add3A_162, %dma_wait3A_163] : memref<160x128xi32, #tpu.memory_space<vmem>> -> memref<1x128xi32, #tpu.memory_space<vmem>>
        %dma_wait3A_165 = tpu.memref_squeeze %dma_wait3A_164 : memref<1x128xi32, #tpu.memory_space<vmem>> -> memref<128xi32, #tpu.memory_space<vmem>>
        %dma_wait3A_166 = arith.constant 0 : i32
        %dma_wait3A_167 = arith.constant 0 : i32
        %dma_wait3A_168 = tpu.memref_slice %arg13[%dma_wait3A_166, %dma_wait3A_167] : memref<10240x64xf32, #tpu.memory_space<vmem_shared>> -> memref<10240x64xf32, #tpu.memory_space<vmem_shared>>
        tpu.wait_indirect_dma semaphore(%arg21 : memref<!tpu.dma_semaphore, #tpu.memory_space<semaphore_mem>>) src(%arg12 : memref<128x64xf32, #tpu.memory_space<vmem>>) dst(%dma_wait3A_168 : memref<10240x64xf32, #tpu.memory_space<vmem_shared>>)
        %add3A_169 = arith.constant 4 : i32
        %add3A_170 = arith.addi %mul3A_71, %add3A_169 : i32
        %add3A_171 = arith.constant 3 : i32
        %add3A_172 = arith.addi %add3A_170, %add3A_171 : i32
        %dma_start3A_173 = arith.constant 0 : i32
        %dma_start3A_174 = tpu.memref_slice %arg7[%add3A_172, %dma_start3A_173] : memref<160x128xi32, #tpu.memory_space<vmem>> -> memref<1x128xi32, #tpu.memory_space<vmem>>
        %dma_start3A_175 = tpu.memref_squeeze %dma_start3A_174 : memref<1x128xi32, #tpu.memory_space<vmem>> -> memref<128xi32, #tpu.memory_space<vmem>>
        %dma_start3A_176 = arith.constant 0 : i32
        %dma_start3A_177 = arith.constant 0 : i32
        %dma_start3A_178 = tpu.memref_slice %arg2[%dma_start3A_176, %dma_start3A_177] : memref<20480x64xf32, #tpu.memory_space<hbm>> -> memref<20480x64xf32, #tpu.memory_space<hbm>>
        tpu.enqueue_indirect_dma source(%dma_start3A_178 : memref<20480x64xf32, #tpu.memory_space<hbm>>) target(%arg12 : memref<128x64xf32, #tpu.memory_space<vmem>>) offsets(%dma_start3A_175 : memref<128xi32, #tpu.memory_space<vmem>>) semaphore(%arg17 : memref<!tpu.dma_semaphore, #tpu.memory_space<semaphore_mem>>)
      } else {
      }
      %scan3A_160 = arith.constant 0 : i32
      scf.yield %scan3A_160 : i32
    }
    %scan3A_35 = arith.constant 40 : i32
    %dma_wait3A = arith.constant 156 : i32
    %dma_wait3A_36 = arith.constant 0 : i32
    %dma_wait3A_37 = tpu.memref_slice %arg8[%dma_wait3A, %dma_wait3A_36] : memref<160x128xi32, #tpu.memory_space<vmem>> -> memref<1x128xi32, #tpu.memory_space<vmem>>
    %dma_wait3A_38 = tpu.memref_squeeze %dma_wait3A_37 : memref<1x128xi32, #tpu.memory_space<vmem>> -> memref<128xi32, #tpu.memory_space<vmem>>
    %dma_wait3A_39 = arith.constant 0 : i32
    %dma_wait3A_40 = arith.constant 0 : i32
    %dma_wait3A_41 = tpu.memref_slice %arg13[%dma_wait3A_39, %dma_wait3A_40] : memref<10240x64xf32, #tpu.memory_space<vmem_shared>> -> memref<10240x64xf32, #tpu.memory_space<vmem_shared>>
    tpu.wait_indirect_dma semaphore(%arg18 : memref<!tpu.dma_semaphore, #tpu.memory_space<semaphore_mem>>) src(%arg9 : memref<128x64xf32, #tpu.memory_space<vmem>>) dst(%dma_wait3A_41 : memref<10240x64xf32, #tpu.memory_space<vmem_shared>>)
    %dma_wait3A_42 = arith.constant 157 : i32
    %dma_wait3A_43 = arith.constant 0 : i32
    %dma_wait3A_44 = tpu.memref_slice %arg8[%dma_wait3A_42, %dma_wait3A_43] : memref<160x128xi32, #tpu.memory_space<vmem>> -> memref<1x128xi32, #tpu.memory_space<vmem>>
    %dma_wait3A_45 = tpu.memref_squeeze %dma_wait3A_44 : memref<1x128xi32, #tpu.memory_space<vmem>> -> memref<128xi32, #tpu.memory_space<vmem>>
    %dma_wait3A_46 = arith.constant 0 : i32
    %dma_wait3A_47 = arith.constant 0 : i32
    %dma_wait3A_48 = tpu.memref_slice %arg13[%dma_wait3A_46, %dma_wait3A_47] : memref<10240x64xf32, #tpu.memory_space<vmem_shared>> -> memref<10240x64xf32, #tpu.memory_space<vmem_shared>>
    tpu.wait_indirect_dma semaphore(%arg19 : memref<!tpu.dma_semaphore, #tpu.memory_space<semaphore_mem>>) src(%arg10 : memref<128x64xf32, #tpu.memory_space<vmem>>) dst(%dma_wait3A_48 : memref<10240x64xf32, #tpu.memory_space<vmem_shared>>)
    %dma_wait3A_49 = arith.constant 158 : i32
    %dma_wait3A_50 = arith.constant 0 : i32
    %dma_wait3A_51 = tpu.memref_slice %arg8[%dma_wait3A_49, %dma_wait3A_50] : memref<160x128xi32, #tpu.memory_space<vmem>> -> memref<1x128xi32, #tpu.memory_space<vmem>>
    %dma_wait3A_52 = tpu.memref_squeeze %dma_wait3A_51 : memref<1x128xi32, #tpu.memory_space<vmem>> -> memref<128xi32, #tpu.memory_space<vmem>>
    %dma_wait3A_53 = arith.constant 0 : i32
    %dma_wait3A_54 = arith.constant 0 : i32
    %dma_wait3A_55 = tpu.memref_slice %arg13[%dma_wait3A_53, %dma_wait3A_54] : memref<10240x64xf32, #tpu.memory_space<vmem_shared>> -> memref<10240x64xf32, #tpu.memory_space<vmem_shared>>
    tpu.wait_indirect_dma semaphore(%arg20 : memref<!tpu.dma_semaphore, #tpu.memory_space<semaphore_mem>>) src(%arg11 : memref<128x64xf32, #tpu.memory_space<vmem>>) dst(%dma_wait3A_55 : memref<10240x64xf32, #tpu.memory_space<vmem_shared>>)
    %dma_wait3A_56 = arith.constant 159 : i32
    %dma_wait3A_57 = arith.constant 0 : i32
    %dma_wait3A_58 = tpu.memref_slice %arg8[%dma_wait3A_56, %dma_wait3A_57] : memref<160x128xi32, #tpu.memory_space<vmem>> -> memref<1x128xi32, #tpu.memory_space<vmem>>
    %dma_wait3A_59 = tpu.memref_squeeze %dma_wait3A_58 : memref<1x128xi32, #tpu.memory_space<vmem>> -> memref<128xi32, #tpu.memory_space<vmem>>
    %dma_wait3A_60 = arith.constant 0 : i32
    %dma_wait3A_61 = arith.constant 0 : i32
    %dma_wait3A_62 = tpu.memref_slice %arg13[%dma_wait3A_60, %dma_wait3A_61] : memref<10240x64xf32, #tpu.memory_space<vmem_shared>> -> memref<10240x64xf32, #tpu.memory_space<vmem_shared>>
    tpu.wait_indirect_dma semaphore(%arg21 : memref<!tpu.dma_semaphore, #tpu.memory_space<semaphore_mem>>) src(%arg12 : memref<128x64xf32, #tpu.memory_space<vmem>>) dst(%dma_wait3A_62 : memref<10240x64xf32, #tpu.memory_space<vmem_shared>>)
    %barrier3A_63 = arith.constant 0 : index
    tpu.barrier barrier_id(%barrier3A_63)
    %mul3A_64 = arith.constant 640 : i32
    %mul3A_65 = arith.muli %arg1, %mul3A_64 : i32
    %mul3A_66 = arith.constant 640 : i32
    %mul3A_67 = arith.muli %arg1, %mul3A_66 : i32
    "tpu.region"() ({
      %run_scoped3A = tpu.sem_alloc : memref<!tpu.dma_semaphore, #tpu.memory_space<semaphore_mem>>
      %dma_start3A_68 = arith.constant 0 : i32
      %dma_start3A_69 = tpu.memref_slice %arg6[%arg0, %mul3A_67, %dma_start3A_68] : memref<2x10240x64xf32, #tpu.memory_space<hbm>> -> memref<1x640x64xf32, #tpu.memory_space<hbm>>
      %dma_start3A_70 = tpu.memref_squeeze %dma_start3A_69 : memref<1x640x64xf32, #tpu.memory_space<hbm>> -> memref<640x64xf32, #tpu.memory_space<hbm>>
      %dma_start3A_71 = arith.constant 0 : i32
      %dma_start3A_72 = tpu.memref_slice %arg13[%mul3A_65, %dma_start3A_71] : memref<10240x64xf32, #tpu.memory_space<vmem_shared>> -> memref<640x64xf32, #tpu.memory_space<vmem_shared>>
      tpu.enqueue_dma source(%dma_start3A_72 : memref<640x64xf32, #tpu.memory_space<vmem_shared>>) target(%dma_start3A_70 : memref<640x64xf32, #tpu.memory_space<hbm>>) target_semaphore(%run_scoped3A : memref<!tpu.dma_semaphore, #tpu.memory_space<semaphore_mem>>)
      %dma_wait3A_73 = arith.constant 0 : i32
      %dma_wait3A_74 = tpu.memref_slice %arg6[%arg0, %mul3A_67, %dma_wait3A_73] : memref<2x10240x64xf32, #tpu.memory_space<hbm>> -> memref<1x640x64xf32, #tpu.memory_space<hbm>>
      %dma_wait3A_75 = tpu.memref_squeeze %dma_wait3A_74 : memref<1x640x64xf32, #tpu.memory_space<hbm>> -> memref<640x64xf32, #tpu.memory_space<hbm>>
      %dma_wait3A_76 = arith.constant 0 : i32
      %dma_wait3A_77 = tpu.memref_slice %arg13[%mul3A_65, %dma_wait3A_76] : memref<10240x64xf32, #tpu.memory_space<vmem_shared>> -> memref<640x64xf32, #tpu.memory_space<vmem_shared>>
      tpu.wait_dma2 semaphore(%run_scoped3A : memref<!tpu.dma_semaphore, #tpu.memory_space<semaphore_mem>>) src(%dma_wait3A_77 : memref<640x64xf32, #tpu.memory_space<vmem_shared>>) dst(%dma_wait3A_75 : memref<640x64xf32, #tpu.memory_space<hbm>>)
      tpu.yield
    }) : () -> ()
    return
  }
}

#map = affine_map<(d0, d1) -> (0, 0)>
#map1 = affine_map<(d0, d1) -> (0, 0, 0, 0)>
#map2 = affine_map<(d0, d1) -> (0, 0, 0)>
module attributes {stable_mosaic.version = 14 : i64} {
  func.func @scat(%arg0: i32, %arg1: i32, %arg2: memref<20480x64xf32, #tpu.memory_space<hbm>>, %arg3: memref<2x16x160x128xi32, #tpu.memory_space<hbm>>, %arg4: memref<16x160x128xi32, #tpu.memory_space<hbm>>, %arg5: memref<10240x64xf32, #tpu.memory_space<hbm>>, %arg6: memref<2x10240x64xf32, #tpu.memory_space<hbm>>, %arg7: memref<160x128xi32, #tpu.memory_space<vmem>>, %arg8: memref<160x128xi32, #tpu.memory_space<vmem>>, %arg9: memref<128x64xf32, #tpu.memory_space<vmem>>, %arg10: memref<128x64xf32, #tpu.memory_space<vmem>>, %arg11: memref<128x64xf32, #tpu.memory_space<vmem>>, %arg12: memref<128x64xf32, #tpu.memory_space<vmem>>, %arg13: memref<10240x64xf32, #tpu.memory_space<vmem_shared>>, %arg14: memref<!tpu.dma_semaphore, #tpu.memory_space<semaphore_mem>>, %arg15: memref<!tpu.dma_semaphore, #tpu.memory_space<semaphore_mem>>, %arg16: memref<!tpu.dma_semaphore, #tpu.memory_space<semaphore_mem>>, %arg17: memref<!tpu.dma_semaphore, #tpu.memory_space<semaphore_mem>>, %arg18: memref<!tpu.dma_semaphore, #tpu.memory_space<semaphore_mem>>, %arg19: memref<!tpu.dma_semaphore, #tpu.memory_space<semaphore_mem>>, %arg20: memref<!tpu.dma_semaphore, #tpu.memory_space<semaphore_mem>>, %arg21: memref<!tpu.dma_semaphore, #tpu.memory_space<semaphore_mem>>) attributes {dimension_semantics = [#tpu.dimension_semantics<core_parallel>, #tpu.dimension_semantics<subcore_parallel>], iteration_bounds = array<i64: 2, 16>, scalar_prefetch = 0 : i64, scratch_operands = 15 : i64, tpu.core_type = #tpu.core_type<sc_vector_subcore>, window_params = [{transform_indices = #map}, {transform_indices = #map1}, {transform_indices = #map2}, {transform_indices = #map}, {transform_indices = #map2}]} {
    %mul3A = arith.constant 640 : i32
    %mul3A_0 = arith.muli %arg1, %mul3A : i32
    %mul3A_1 = arith.constant 640 : i32
    %mul3A_2 = arith.muli %arg1, %mul3A_1 : i32
    "tpu.region"() ({
      %run_scoped3A = tpu.sem_alloc : memref<!tpu.dma_semaphore, #tpu.memory_space<semaphore_mem>>
      %dma_start3A_68 = arith.constant 0 : i32
      %dma_start3A_69 = tpu.memref_slice %arg13[%mul3A_2, %dma_start3A_68] : memref<10240x64xf32, #tpu.memory_space<vmem_shared>> -> memref<640x64xf32, #tpu.memory_space<vmem_shared>>
      %dma_start3A_70 = arith.constant 0 : i32
      %dma_start3A_71 = tpu.memref_slice %arg5[%mul3A_0, %dma_start3A_70] : memref<10240x64xf32, #tpu.memory_space<hbm>> -> memref<640x64xf32, #tpu.memory_space<hbm>>
      tpu.enqueue_dma source(%dma_start3A_71 : memref<640x64xf32, #tpu.memory_space<hbm>>) target(%dma_start3A_69 : memref<640x64xf32, #tpu.memory_space<vmem_shared>>) target_semaphore(%run_scoped3A : memref<!tpu.dma_semaphore, #tpu.memory_space<semaphore_mem>>)
      %dma_wait3A_72 = arith.constant 0 : i32
      %dma_wait3A_73 = tpu.memref_slice %arg13[%mul3A_2, %dma_wait3A_72] : memref<10240x64xf32, #tpu.memory_space<vmem_shared>> -> memref<640x64xf32, #tpu.memory_space<vmem_shared>>
      %dma_wait3A_74 = arith.constant 0 : i32
      %dma_wait3A_75 = tpu.memref_slice %arg5[%mul3A_0, %dma_wait3A_74] : memref<10240x64xf32, #tpu.memory_space<hbm>> -> memref<640x64xf32, #tpu.memory_space<hbm>>
      tpu.wait_dma2 semaphore(%run_scoped3A : memref<!tpu.dma_semaphore, #tpu.memory_space<semaphore_mem>>) src(%dma_wait3A_75 : memref<640x64xf32, #tpu.memory_space<hbm>>) dst(%dma_wait3A_73 : memref<640x64xf32, #tpu.memory_space<vmem_shared>>)
      tpu.yield
    }) : () -> ()
    "tpu.region"() ({
      %run_scoped3A = tpu.sem_alloc : memref<!tpu.dma_semaphore, #tpu.memory_space<semaphore_mem>>
      %dma_start3A_68 = arith.constant 0 : i32
      %dma_start3A_69 = arith.constant 0 : i32
      %dma_start3A_70 = tpu.memref_slice %arg3[%arg0, %arg1, %dma_start3A_68, %dma_start3A_69] : memref<2x16x160x128xi32, #tpu.memory_space<hbm>> -> memref<1x1x160x128xi32, #tpu.memory_space<hbm>>
      %dma_start3A_71 = tpu.memref_squeeze %dma_start3A_70 : memref<1x1x160x128xi32, #tpu.memory_space<hbm>> -> memref<160x128xi32, #tpu.memory_space<hbm>>
      %dma_start3A_72 = arith.constant 0 : i32
      %dma_start3A_73 = arith.constant 0 : i32
      %dma_start3A_74 = tpu.memref_slice %arg3[%arg0, %arg1, %dma_start3A_72, %dma_start3A_73] : memref<2x16x160x128xi32, #tpu.memory_space<hbm>> -> memref<1x1x160x128xi32, #tpu.memory_space<hbm>>
      %dma_start3A_75 = tpu.memref_squeeze %dma_start3A_74 : memref<1x1x160x128xi32, #tpu.memory_space<hbm>> -> memref<160x128xi32, #tpu.memory_space<hbm>>
      tpu.enqueue_dma source(%dma_start3A_75 : memref<160x128xi32, #tpu.memory_space<hbm>>) target(%arg7 : memref<160x128xi32, #tpu.memory_space<vmem>>) target_semaphore(%run_scoped3A : memref<!tpu.dma_semaphore, #tpu.memory_space<semaphore_mem>>)
      %dma_wait3A_76 = arith.constant 0 : i32
      %dma_wait3A_77 = arith.constant 0 : i32
      %dma_wait3A_78 = tpu.memref_slice %arg3[%arg0, %arg1, %dma_wait3A_76, %dma_wait3A_77] : memref<2x16x160x128xi32, #tpu.memory_space<hbm>> -> memref<1x1x160x128xi32, #tpu.memory_space<hbm>>
      %dma_wait3A_79 = tpu.memref_squeeze %dma_wait3A_78 : memref<1x1x160x128xi32, #tpu.memory_space<hbm>> -> memref<160x128xi32, #tpu.memory_space<hbm>>
      %dma_wait3A_80 = arith.constant 0 : i32
      %dma_wait3A_81 = arith.constant 0 : i32
      %dma_wait3A_82 = tpu.memref_slice %arg3[%arg0, %arg1, %dma_wait3A_80, %dma_wait3A_81] : memref<2x16x160x128xi32, #tpu.memory_space<hbm>> -> memref<1x1x160x128xi32, #tpu.memory_space<hbm>>
      %dma_wait3A_83 = tpu.memref_squeeze %dma_wait3A_82 : memref<1x1x160x128xi32, #tpu.memory_space<hbm>> -> memref<160x128xi32, #tpu.memory_space<hbm>>
      tpu.wait_dma2 semaphore(%run_scoped3A : memref<!tpu.dma_semaphore, #tpu.memory_space<semaphore_mem>>) src(%dma_wait3A_83 : memref<160x128xi32, #tpu.memory_space<hbm>>) dst(%arg7 : memref<160x128xi32, #tpu.memory_space<vmem>>)
      tpu.yield
    }) : () -> ()
    "tpu.region"() ({
      %run_scoped3A = tpu.sem_alloc : memref<!tpu.dma_semaphore, #tpu.memory_space<semaphore_mem>>
      %dma_start3A_68 = arith.constant 0 : i32
      %dma_start3A_69 = arith.constant 0 : i32
      %dma_start3A_70 = tpu.memref_slice %arg4[%arg1, %dma_start3A_68, %dma_start3A_69] : memref<16x160x128xi32, #tpu.memory_space<hbm>> -> memref<1x160x128xi32, #tpu.memory_space<hbm>>
      %dma_start3A_71 = tpu.memref_squeeze %dma_start3A_70 : memref<1x160x128xi32, #tpu.memory_space<hbm>> -> memref<160x128xi32, #tpu.memory_space<hbm>>
      %dma_start3A_72 = arith.constant 0 : i32
      %dma_start3A_73 = arith.constant 0 : i32
      %dma_start3A_74 = tpu.memref_slice %arg4[%arg1, %dma_start3A_72, %dma_start3A_73] : memref<16x160x128xi32, #tpu.memory_space<hbm>> -> memref<1x160x128xi32, #tpu.memory_space<hbm>>
      %dma_start3A_75 = tpu.memref_squeeze %dma_start3A_74 : memref<1x160x128xi32, #tpu.memory_space<hbm>> -> memref<160x128xi32, #tpu.memory_space<hbm>>
      tpu.enqueue_dma source(%dma_start3A_75 : memref<160x128xi32, #tpu.memory_space<hbm>>) target(%arg8 : memref<160x128xi32, #tpu.memory_space<vmem>>) target_semaphore(%run_scoped3A : memref<!tpu.dma_semaphore, #tpu.memory_space<semaphore_mem>>)
      %dma_wait3A_76 = arith.constant 0 : i32
      %dma_wait3A_77 = arith.constant 0 : i32
      %dma_wait3A_78 = tpu.memref_slice %arg4[%arg1, %dma_wait3A_76, %dma_wait3A_77] : memref<16x160x128xi32, #tpu.memory_space<hbm>> -> memref<1x160x128xi32, #tpu.memory_space<hbm>>
      %dma_wait3A_79 = tpu.memref_squeeze %dma_wait3A_78 : memref<1x160x128xi32, #tpu.memory_space<hbm>> -> memref<160x128xi32, #tpu.memory_space<hbm>>
      %dma_wait3A_80 = arith.constant 0 : i32
      %dma_wait3A_81 = arith.constant 0 : i32
      %dma_wait3A_82 = tpu.memref_slice %arg4[%arg1, %dma_wait3A_80, %dma_wait3A_81] : memref<16x160x128xi32, #tpu.memory_space<hbm>> -> memref<1x160x128xi32, #tpu.memory_space<hbm>>
      %dma_wait3A_83 = tpu.memref_squeeze %dma_wait3A_82 : memref<1x160x128xi32, #tpu.memory_space<hbm>> -> memref<160x128xi32, #tpu.memory_space<hbm>>
      tpu.wait_dma2 semaphore(%run_scoped3A : memref<!tpu.dma_semaphore, #tpu.memory_space<semaphore_mem>>) src(%dma_wait3A_83 : memref<160x128xi32, #tpu.memory_space<hbm>>) dst(%arg8 : memref<160x128xi32, #tpu.memory_space<vmem>>)
      tpu.yield
    }) : () -> ()
    %barrier3A = arith.constant 0 : index
    tpu.barrier barrier_id(%barrier3A)
    %dma_start3A = arith.constant 0 : i32
    %dma_start3A_3 = arith.constant 0 : i32
    %dma_start3A_4 = tpu.memref_slice %arg7[%dma_start3A, %dma_start3A_3] : memref<160x128xi32, #tpu.memory_space<vmem>> -> memref<1x128xi32, #tpu.memory_space<vmem>>
    %dma_start3A_5 = tpu.memref_squeeze %dma_start3A_4 : memref<1x128xi32, #tpu.memory_space<vmem>> -> memref<128xi32, #tpu.memory_space<vmem>>
    %dma_start3A_6 = arith.constant 0 : i32
    %dma_start3A_7 = arith.constant 0 : i32
    %dma_start3A_8 = tpu.memref_slice %arg2[%dma_start3A_6, %dma_start3A_7] : memref<20480x64xf32, #tpu.memory_space<hbm>> -> memref<20480x64xf32, #tpu.memory_space<hbm>>
    tpu.enqueue_indirect_dma source(%dma_start3A_8 : memref<20480x64xf32, #tpu.memory_space<hbm>>) target(%arg9 : memref<128x64xf32, #tpu.memory_space<vmem>>) offsets(%dma_start3A_5 : memref<128xi32, #tpu.memory_space<vmem>>) semaphore(%arg14 : memref<!tpu.dma_semaphore, #tpu.memory_space<semaphore_mem>>)
    %dma_start3A_9 = arith.constant 1 : i32
    %dma_start3A_10 = arith.constant 0 : i32
    %dma_start3A_11 = tpu.memref_slice %arg7[%dma_start3A_9, %dma_start3A_10] : memref<160x128xi32, #tpu.memory_space<vmem>> -> memref<1x128xi32, #tpu.memory_space<vmem>>
    %dma_start3A_12 = tpu.memref_squeeze %dma_start3A_11 : memref<1x128xi32, #tpu.memory_space<vmem>> -> memref<128xi32, #tpu.memory_space<vmem>>
    %dma_start3A_13 = arith.constant 0 : i32
    %dma_start3A_14 = arith.constant 0 : i32
    %dma_start3A_15 = tpu.memref_slice %arg2[%dma_start3A_13, %dma_start3A_14] : memref<20480x64xf32, #tpu.memory_space<hbm>> -> memref<20480x64xf32, #tpu.memory_space<hbm>>
    tpu.enqueue_indirect_dma source(%dma_start3A_15 : memref<20480x64xf32, #tpu.memory_space<hbm>>) target(%arg10 : memref<128x64xf32, #tpu.memory_space<vmem>>) offsets(%dma_start3A_12 : memref<128xi32, #tpu.memory_space<vmem>>) semaphore(%arg15 : memref<!tpu.dma_semaphore, #tpu.memory_space<semaphore_mem>>)
    %dma_start3A_16 = arith.constant 2 : i32
    %dma_start3A_17 = arith.constant 0 : i32
    %dma_start3A_18 = tpu.memref_slice %arg7[%dma_start3A_16, %dma_start3A_17] : memref<160x128xi32, #tpu.memory_space<vmem>> -> memref<1x128xi32, #tpu.memory_space<vmem>>
    %dma_start3A_19 = tpu.memref_squeeze %dma_start3A_18 : memref<1x128xi32, #tpu.memory_space<vmem>> -> memref<128xi32, #tpu.memory_space<vmem>>
    %dma_start3A_20 = arith.constant 0 : i32
    %dma_start3A_21 = arith.constant 0 : i32
    %dma_start3A_22 = tpu.memref_slice %arg2[%dma_start3A_20, %dma_start3A_21] : memref<20480x64xf32, #tpu.memory_space<hbm>> -> memref<20480x64xf32, #tpu.memory_space<hbm>>
    tpu.enqueue_indirect_dma source(%dma_start3A_22 : memref<20480x64xf32, #tpu.memory_space<hbm>>) target(%arg11 : memref<128x64xf32, #tpu.memory_space<vmem>>) offsets(%dma_start3A_19 : memref<128xi32, #tpu.memory_space<vmem>>) semaphore(%arg16 : memref<!tpu.dma_semaphore, #tpu.memory_space<semaphore_mem>>)
    %dma_start3A_23 = arith.constant 3 : i32
    %dma_start3A_24 = arith.constant 0 : i32
    %dma_start3A_25 = tpu.memref_slice %arg7[%dma_start3A_23, %dma_start3A_24] : memref<160x128xi32, #tpu.memory_space<vmem>> -> memref<1x128xi32, #tpu.memory_space<vmem>>
    %dma_start3A_26 = tpu.memref_squeeze %dma_start3A_25 : memref<1x128xi32, #tpu.memory_space<vmem>> -> memref<128xi32, #tpu.memory_space<vmem>>
    %dma_start3A_27 = arith.constant 0 : i32
    %dma_start3A_28 = arith.constant 0 : i32
    %dma_start3A_29 = tpu.memref_slice %arg2[%dma_start3A_27, %dma_start3A_28] : memref<20480x64xf32, #tpu.memory_space<hbm>> -> memref<20480x64xf32, #tpu.memory_space<hbm>>
    tpu.enqueue_indirect_dma source(%dma_start3A_29 : memref<20480x64xf32, #tpu.memory_space<hbm>>) target(%arg12 : memref<128x64xf32, #tpu.memory_space<vmem>>) offsets(%dma_start3A_26 : memref<128xi32, #tpu.memory_space<vmem>>) semaphore(%arg17 : memref<!tpu.dma_semaphore, #tpu.memory_space<semaphore_mem>>)
    %scan3A = arith.constant 0 : i32
    %scan3A_30 = arith.constant 0 : i32
    %scan3A_31 = arith.constant 40 : i32
    %scan3A_32 = arith.addi %scan3A_30, %scan3A_31 : i32
    %scan3A_33 = arith.constant 1 : i32
    %scan3A_34 = scf.for %scan3A_68 = %scan3A_30 to %scan3A_32 step %scan3A_33 iter_args(%scan3A_69 = %scan3A) -> (i32)  : i32 {
      %mul3A_70 = arith.constant 4 : i32
      %mul3A_71 = arith.muli %mul3A_70, %scan3A_68 : i32
      %add3A = arith.constant 0 : i32
      %add3A_72 = arith.addi %mul3A_71, %add3A : i32
      %dma_wait3A_73 = arith.constant 0 : i32
      %dma_wait3A_74 = tpu.memref_slice %arg7[%add3A_72, %dma_wait3A_73] : memref<160x128xi32, #tpu.memory_space<vmem>> -> memref<1x128xi32, #tpu.memory_space<vmem>>
      %dma_wait3A_75 = tpu.memref_squeeze %dma_wait3A_74 : memref<1x128xi32, #tpu.memory_space<vmem>> -> memref<128xi32, #tpu.memory_space<vmem>>
      %dma_wait3A_76 = arith.constant 0 : i32
      %dma_wait3A_77 = arith.constant 0 : i32
      %dma_wait3A_78 = tpu.memref_slice %arg2[%dma_wait3A_76, %dma_wait3A_77] : memref<20480x64xf32, #tpu.memory_space<hbm>> -> memref<20480x64xf32, #tpu.memory_space<hbm>>
      tpu.wait_indirect_dma semaphore(%arg14 : memref<!tpu.dma_semaphore, #tpu.memory_space<semaphore_mem>>) src(%dma_wait3A_78 : memref<20480x64xf32, #tpu.memory_space<hbm>>) dst(%arg9 : memref<128x64xf32, #tpu.memory_space<vmem>>)
      %add3A_79 = arith.constant 0 : i32
      %add3A_80 = arith.addi %mul3A_71, %add3A_79 : i32
      %dma_start3A_81 = arith.constant 0 : i32
      %dma_start3A_82 = tpu.memref_slice %arg8[%add3A_80, %dma_start3A_81] : memref<160x128xi32, #tpu.memory_space<vmem>> -> memref<1x128xi32, #tpu.memory_space<vmem>>
      %dma_start3A_83 = tpu.memref_squeeze %dma_start3A_82 : memref<1x128xi32, #tpu.memory_space<vmem>> -> memref<128xi32, #tpu.memory_space<vmem>>
      %dma_start3A_84 = arith.constant 0 : i32
      %dma_start3A_85 = arith.constant 0 : i32
      %dma_start3A_86 = tpu.memref_slice %arg13[%dma_start3A_84, %dma_start3A_85] : memref<10240x64xf32, #tpu.memory_space<vmem_shared>> -> memref<10240x64xf32, #tpu.memory_space<vmem_shared>>
      tpu.enqueue_indirect_dma source(%arg9 : memref<128x64xf32, #tpu.memory_space<vmem>>) target(%dma_start3A_86 : memref<10240x64xf32, #tpu.memory_space<vmem_shared>>) offsets(%dma_start3A_83 : memref<128xi32, #tpu.memory_space<vmem>>) semaphore(%arg18 : memref<!tpu.dma_semaphore, #tpu.memory_space<semaphore_mem>>) {add = true}
      %add3A_87 = arith.constant 1 : i32
      %add3A_88 = arith.addi %mul3A_71, %add3A_87 : i32
      %dma_wait3A_89 = arith.constant 0 : i32
      %dma_wait3A_90 = tpu.memref_slice %arg7[%add3A_88, %dma_wait3A_89] : memref<160x128xi32, #tpu.memory_space<vmem>> -> memref<1x128xi32, #tpu.memory_space<vmem>>
      %dma_wait3A_91 = tpu.memref_squeeze %dma_wait3A_90 : memref<1x128xi32, #tpu.memory_space<vmem>> -> memref<128xi32, #tpu.memory_space<vmem>>
      %dma_wait3A_92 = arith.constant 0 : i32
      %dma_wait3A_93 = arith.constant 0 : i32
      %dma_wait3A_94 = tpu.memref_slice %arg2[%dma_wait3A_92, %dma_wait3A_93] : memref<20480x64xf32, #tpu.memory_space<hbm>> -> memref<20480x64xf32, #tpu.memory_space<hbm>>
      tpu.wait_indirect_dma semaphore(%arg15 : memref<!tpu.dma_semaphore, #tpu.memory_space<semaphore_mem>>) src(%dma_wait3A_94 : memref<20480x64xf32, #tpu.memory_space<hbm>>) dst(%arg10 : memref<128x64xf32, #tpu.memory_space<vmem>>)
      %add3A_95 = arith.constant 1 : i32
      %add3A_96 = arith.addi %mul3A_71, %add3A_95 : i32
      %dma_start3A_97 = arith.constant 0 : i32
      %dma_start3A_98 = tpu.memref_slice %arg8[%add3A_96, %dma_start3A_97] : memref<160x128xi32, #tpu.memory_space<vmem>> -> memref<1x128xi32, #tpu.memory_space<vmem>>
      %dma_start3A_99 = tpu.memref_squeeze %dma_start3A_98 : memref<1x128xi32, #tpu.memory_space<vmem>> -> memref<128xi32, #tpu.memory_space<vmem>>
      %dma_start3A_100 = arith.constant 0 : i32
      %dma_start3A_101 = arith.constant 0 : i32
      %dma_start3A_102 = tpu.memref_slice %arg13[%dma_start3A_100, %dma_start3A_101] : memref<10240x64xf32, #tpu.memory_space<vmem_shared>> -> memref<10240x64xf32, #tpu.memory_space<vmem_shared>>
      tpu.enqueue_indirect_dma source(%arg10 : memref<128x64xf32, #tpu.memory_space<vmem>>) target(%dma_start3A_102 : memref<10240x64xf32, #tpu.memory_space<vmem_shared>>) offsets(%dma_start3A_99 : memref<128xi32, #tpu.memory_space<vmem>>) semaphore(%arg19 : memref<!tpu.dma_semaphore, #tpu.memory_space<semaphore_mem>>) {add = true}
      %add3A_103 = arith.constant 2 : i32
      %add3A_104 = arith.addi %mul3A_71, %add3A_103 : i32
      %dma_wait3A_105 = arith.constant 0 : i32
      %dma_wait3A_106 = tpu.memref_slice %arg7[%add3A_104, %dma_wait3A_105] : memref<160x128xi32, #tpu.memory_space<vmem>> -> memref<1x128xi32, #tpu.memory_space<vmem>>
      %dma_wait3A_107 = tpu.memref_squeeze %dma_wait3A_106 : memref<1x128xi32, #tpu.memory_space<vmem>> -> memref<128xi32, #tpu.memory_space<vmem>>
      %dma_wait3A_108 = arith.constant 0 : i32
      %dma_wait3A_109 = arith.constant 0 : i32
      %dma_wait3A_110 = tpu.memref_slice %arg2[%dma_wait3A_108, %dma_wait3A_109] : memref<20480x64xf32, #tpu.memory_space<hbm>> -> memref<20480x64xf32, #tpu.memory_space<hbm>>
      tpu.wait_indirect_dma semaphore(%arg16 : memref<!tpu.dma_semaphore, #tpu.memory_space<semaphore_mem>>) src(%dma_wait3A_110 : memref<20480x64xf32, #tpu.memory_space<hbm>>) dst(%arg11 : memref<128x64xf32, #tpu.memory_space<vmem>>)
      %add3A_111 = arith.constant 2 : i32
      %add3A_112 = arith.addi %mul3A_71, %add3A_111 : i32
      %dma_start3A_113 = arith.constant 0 : i32
      %dma_start3A_114 = tpu.memref_slice %arg8[%add3A_112, %dma_start3A_113] : memref<160x128xi32, #tpu.memory_space<vmem>> -> memref<1x128xi32, #tpu.memory_space<vmem>>
      %dma_start3A_115 = tpu.memref_squeeze %dma_start3A_114 : memref<1x128xi32, #tpu.memory_space<vmem>> -> memref<128xi32, #tpu.memory_space<vmem>>
      %dma_start3A_116 = arith.constant 0 : i32
      %dma_start3A_117 = arith.constant 0 : i32
      %dma_start3A_118 = tpu.memref_slice %arg13[%dma_start3A_116, %dma_start3A_117] : memref<10240x64xf32, #tpu.memory_space<vmem_shared>> -> memref<10240x64xf32, #tpu.memory_space<vmem_shared>>
      tpu.enqueue_indirect_dma source(%arg11 : memref<128x64xf32, #tpu.memory_space<vmem>>) target(%dma_start3A_118 : memref<10240x64xf32, #tpu.memory_space<vmem_shared>>) offsets(%dma_start3A_115 : memref<128xi32, #tpu.memory_space<vmem>>) semaphore(%arg20 : memref<!tpu.dma_semaphore, #tpu.memory_space<semaphore_mem>>) {add = true}
      %add3A_119 = arith.constant 3 : i32
      %add3A_120 = arith.addi %mul3A_71, %add3A_119 : i32
      %dma_wait3A_121 = arith.constant 0 : i32
      %dma_wait3A_122 = tpu.memref_slice %arg7[%add3A_120, %dma_wait3A_121] : memref<160x128xi32, #tpu.memory_space<vmem>> -> memref<1x128xi32, #tpu.memory_space<vmem>>
      %dma_wait3A_123 = tpu.memref_squeeze %dma_wait3A_122 : memref<1x128xi32, #tpu.memory_space<vmem>> -> memref<128xi32, #tpu.memory_space<vmem>>
      %dma_wait3A_124 = arith.constant 0 : i32
      %dma_wait3A_125 = arith.constant 0 : i32
      %dma_wait3A_126 = tpu.memref_slice %arg2[%dma_wait3A_124, %dma_wait3A_125] : memref<20480x64xf32, #tpu.memory_space<hbm>> -> memref<20480x64xf32, #tpu.memory_space<hbm>>
      tpu.wait_indirect_dma semaphore(%arg17 : memref<!tpu.dma_semaphore, #tpu.memory_space<semaphore_mem>>) src(%dma_wait3A_126 : memref<20480x64xf32, #tpu.memory_space<hbm>>) dst(%arg12 : memref<128x64xf32, #tpu.memory_space<vmem>>)
      %add3A_127 = arith.constant 3 : i32
      %add3A_128 = arith.addi %mul3A_71, %add3A_127 : i32
      %dma_start3A_129 = arith.constant 0 : i32
      %dma_start3A_130 = tpu.memref_slice %arg8[%add3A_128, %dma_start3A_129] : memref<160x128xi32, #tpu.memory_space<vmem>> -> memref<1x128xi32, #tpu.memory_space<vmem>>
      %dma_start3A_131 = tpu.memref_squeeze %dma_start3A_130 : memref<1x128xi32, #tpu.memory_space<vmem>> -> memref<128xi32, #tpu.memory_space<vmem>>
      %dma_start3A_132 = arith.constant 0 : i32
      %dma_start3A_133 = arith.constant 0 : i32
      %dma_start3A_134 = tpu.memref_slice %arg13[%dma_start3A_132, %dma_start3A_133] : memref<10240x64xf32, #tpu.memory_space<vmem_shared>> -> memref<10240x64xf32, #tpu.memory_space<vmem_shared>>
      tpu.enqueue_indirect_dma source(%arg12 : memref<128x64xf32, #tpu.memory_space<vmem>>) target(%dma_start3A_134 : memref<10240x64xf32, #tpu.memory_space<vmem_shared>>) offsets(%dma_start3A_131 : memref<128xi32, #tpu.memory_space<vmem>>) semaphore(%arg21 : memref<!tpu.dma_semaphore, #tpu.memory_space<semaphore_mem>>) {add = true}
      %add3A_135 = arith.constant 1 : i32
      %add3A_136 = arith.addi %scan3A_68, %add3A_135 : i32
      %lt3A = arith.constant 40 : i32
      %lt3A_137 = arith.cmpi slt, %add3A_136, %lt3A : i32
      %convert_element_type3A = arith.extui %lt3A_137 : i1 to i32
      %cond3A = arith.constant 0 : i32
      %cond3A_138 = arith.cmpi ne, %convert_element_type3A, %cond3A : i32
      scf.if %cond3A_138 {
        %add3A_161 = arith.constant 0 : i32
        %add3A_162 = arith.addi %mul3A_71, %add3A_161 : i32
        %dma_wait3A_163 = arith.constant 0 : i32
        %dma_wait3A_164 = tpu.memref_slice %arg8[%add3A_162, %dma_wait3A_163] : memref<160x128xi32, #tpu.memory_space<vmem>> -> memref<1x128xi32, #tpu.memory_space<vmem>>
        %dma_wait3A_165 = tpu.memref_squeeze %dma_wait3A_164 : memref<1x128xi32, #tpu.memory_space<vmem>> -> memref<128xi32, #tpu.memory_space<vmem>>
        %dma_wait3A_166 = arith.constant 0 : i32
        %dma_wait3A_167 = arith.constant 0 : i32
        %dma_wait3A_168 = tpu.memref_slice %arg13[%dma_wait3A_166, %dma_wait3A_167] : memref<10240x64xf32, #tpu.memory_space<vmem_shared>> -> memref<10240x64xf32, #tpu.memory_space<vmem_shared>>
        tpu.wait_indirect_dma semaphore(%arg18 : memref<!tpu.dma_semaphore, #tpu.memory_space<semaphore_mem>>) src(%arg9 : memref<128x64xf32, #tpu.memory_space<vmem>>) dst(%dma_wait3A_168 : memref<10240x64xf32, #tpu.memory_space<vmem_shared>>)
        %add3A_169 = arith.constant 4 : i32
        %add3A_170 = arith.addi %mul3A_71, %add3A_169 : i32
        %add3A_171 = arith.constant 0 : i32
        %add3A_172 = arith.addi %add3A_170, %add3A_171 : i32
        %dma_start3A_173 = arith.constant 0 : i32
        %dma_start3A_174 = tpu.memref_slice %arg7[%add3A_172, %dma_start3A_173] : memref<160x128xi32, #tpu.memory_space<vmem>> -> memref<1x128xi32, #tpu.memory_space<vmem>>
        %dma_start3A_175 = tpu.memref_squeeze %dma_start3A_174 : memref<1x128xi32, #tpu.memory_space<vmem>> -> memref<128xi32, #tpu.memory_space<vmem>>
        %dma_start3A_176 = arith.constant 0 : i32
        %dma_start3A_177 = arith.constant 0 : i32
        %dma_start3A_178 = tpu.memref_slice %arg2[%dma_start3A_176, %dma_start3A_177] : memref<20480x64xf32, #tpu.memory_space<hbm>> -> memref<20480x64xf32, #tpu.memory_space<hbm>>
        tpu.enqueue_indirect_dma source(%dma_start3A_178 : memref<20480x64xf32, #tpu.memory_space<hbm>>) target(%arg9 : memref<128x64xf32, #tpu.memory_space<vmem>>) offsets(%dma_start3A_175 : memref<128xi32, #tpu.memory_space<vmem>>) semaphore(%arg14 : memref<!tpu.dma_semaphore, #tpu.memory_space<semaphore_mem>>)
      } else {
      }
      %add3A_139 = arith.constant 1 : i32
      %add3A_140 = arith.addi %scan3A_68, %add3A_139 : i32
      %lt3A_141 = arith.constant 40 : i32
      %lt3A_142 = arith.cmpi slt, %add3A_140, %lt3A_141 : i32
      %convert_element_type3A_143 = arith.extui %lt3A_142 : i1 to i32
      %cond3A_144 = arith.constant 0 : i32
      %cond3A_145 = arith.cmpi ne, %convert_element_type3A_143, %cond3A_144 : i32
      scf.if %cond3A_145 {
        %add3A_161 = arith.constant 1 : i32
        %add3A_162 = arith.addi %mul3A_71, %add3A_161 : i32
        %dma_wait3A_163 = arith.constant 0 : i32
        %dma_wait3A_164 = tpu.memref_slice %arg8[%add3A_162, %dma_wait3A_163] : memref<160x128xi32, #tpu.memory_space<vmem>> -> memref<1x128xi32, #tpu.memory_space<vmem>>
        %dma_wait3A_165 = tpu.memref_squeeze %dma_wait3A_164 : memref<1x128xi32, #tpu.memory_space<vmem>> -> memref<128xi32, #tpu.memory_space<vmem>>
        %dma_wait3A_166 = arith.constant 0 : i32
        %dma_wait3A_167 = arith.constant 0 : i32
        %dma_wait3A_168 = tpu.memref_slice %arg13[%dma_wait3A_166, %dma_wait3A_167] : memref<10240x64xf32, #tpu.memory_space<vmem_shared>> -> memref<10240x64xf32, #tpu.memory_space<vmem_shared>>
        tpu.wait_indirect_dma semaphore(%arg19 : memref<!tpu.dma_semaphore, #tpu.memory_space<semaphore_mem>>) src(%arg10 : memref<128x64xf32, #tpu.memory_space<vmem>>) dst(%dma_wait3A_168 : memref<10240x64xf32, #tpu.memory_space<vmem_shared>>)
        %add3A_169 = arith.constant 4 : i32
        %add3A_170 = arith.addi %mul3A_71, %add3A_169 : i32
        %add3A_171 = arith.constant 1 : i32
        %add3A_172 = arith.addi %add3A_170, %add3A_171 : i32
        %dma_start3A_173 = arith.constant 0 : i32
        %dma_start3A_174 = tpu.memref_slice %arg7[%add3A_172, %dma_start3A_173] : memref<160x128xi32, #tpu.memory_space<vmem>> -> memref<1x128xi32, #tpu.memory_space<vmem>>
        %dma_start3A_175 = tpu.memref_squeeze %dma_start3A_174 : memref<1x128xi32, #tpu.memory_space<vmem>> -> memref<128xi32, #tpu.memory_space<vmem>>
        %dma_start3A_176 = arith.constant 0 : i32
        %dma_start3A_177 = arith.constant 0 : i32
        %dma_start3A_178 = tpu.memref_slice %arg2[%dma_start3A_176, %dma_start3A_177] : memref<20480x64xf32, #tpu.memory_space<hbm>> -> memref<20480x64xf32, #tpu.memory_space<hbm>>
        tpu.enqueue_indirect_dma source(%dma_start3A_178 : memref<20480x64xf32, #tpu.memory_space<hbm>>) target(%arg10 : memref<128x64xf32, #tpu.memory_space<vmem>>) offsets(%dma_start3A_175 : memref<128xi32, #tpu.memory_space<vmem>>) semaphore(%arg15 : memref<!tpu.dma_semaphore, #tpu.memory_space<semaphore_mem>>)
      } else {
      }
      %add3A_146 = arith.constant 1 : i32
      %add3A_147 = arith.addi %scan3A_68, %add3A_146 : i32
      %lt3A_148 = arith.constant 40 : i32
      %lt3A_149 = arith.cmpi slt, %add3A_147, %lt3A_148 : i32
      %convert_element_type3A_150 = arith.extui %lt3A_149 : i1 to i32
      %cond3A_151 = arith.constant 0 : i32
      %cond3A_152 = arith.cmpi ne, %convert_element_type3A_150, %cond3A_151 : i32
      scf.if %cond3A_152 {
        %add3A_161 = arith.constant 2 : i32
        %add3A_162 = arith.addi %mul3A_71, %add3A_161 : i32
        %dma_wait3A_163 = arith.constant 0 : i32
        %dma_wait3A_164 = tpu.memref_slice %arg8[%add3A_162, %dma_wait3A_163] : memref<160x128xi32, #tpu.memory_space<vmem>> -> memref<1x128xi32, #tpu.memory_space<vmem>>
        %dma_wait3A_165 = tpu.memref_squeeze %dma_wait3A_164 : memref<1x128xi32, #tpu.memory_space<vmem>> -> memref<128xi32, #tpu.memory_space<vmem>>
        %dma_wait3A_166 = arith.constant 0 : i32
        %dma_wait3A_167 = arith.constant 0 : i32
        %dma_wait3A_168 = tpu.memref_slice %arg13[%dma_wait3A_166, %dma_wait3A_167] : memref<10240x64xf32, #tpu.memory_space<vmem_shared>> -> memref<10240x64xf32, #tpu.memory_space<vmem_shared>>
        tpu.wait_indirect_dma semaphore(%arg20 : memref<!tpu.dma_semaphore, #tpu.memory_space<semaphore_mem>>) src(%arg11 : memref<128x64xf32, #tpu.memory_space<vmem>>) dst(%dma_wait3A_168 : memref<10240x64xf32, #tpu.memory_space<vmem_shared>>)
        %add3A_169 = arith.constant 4 : i32
        %add3A_170 = arith.addi %mul3A_71, %add3A_169 : i32
        %add3A_171 = arith.constant 2 : i32
        %add3A_172 = arith.addi %add3A_170, %add3A_171 : i32
        %dma_start3A_173 = arith.constant 0 : i32
        %dma_start3A_174 = tpu.memref_slice %arg7[%add3A_172, %dma_start3A_173] : memref<160x128xi32, #tpu.memory_space<vmem>> -> memref<1x128xi32, #tpu.memory_space<vmem>>
        %dma_start3A_175 = tpu.memref_squeeze %dma_start3A_174 : memref<1x128xi32, #tpu.memory_space<vmem>> -> memref<128xi32, #tpu.memory_space<vmem>>
        %dma_start3A_176 = arith.constant 0 : i32
        %dma_start3A_177 = arith.constant 0 : i32
        %dma_start3A_178 = tpu.memref_slice %arg2[%dma_start3A_176, %dma_start3A_177] : memref<20480x64xf32, #tpu.memory_space<hbm>> -> memref<20480x64xf32, #tpu.memory_space<hbm>>
        tpu.enqueue_indirect_dma source(%dma_start3A_178 : memref<20480x64xf32, #tpu.memory_space<hbm>>) target(%arg11 : memref<128x64xf32, #tpu.memory_space<vmem>>) offsets(%dma_start3A_175 : memref<128xi32, #tpu.memory_space<vmem>>) semaphore(%arg16 : memref<!tpu.dma_semaphore, #tpu.memory_space<semaphore_mem>>)
      } else {
      }
      %add3A_153 = arith.constant 1 : i32
      %add3A_154 = arith.addi %scan3A_68, %add3A_153 : i32
      %lt3A_155 = arith.constant 40 : i32
      %lt3A_156 = arith.cmpi slt, %add3A_154, %lt3A_155 : i32
      %convert_element_type3A_157 = arith.extui %lt3A_156 : i1 to i32
      %cond3A_158 = arith.constant 0 : i32
      %cond3A_159 = arith.cmpi ne, %convert_element_type3A_157, %cond3A_158 : i32
      scf.if %cond3A_159 {
        %add3A_161 = arith.constant 3 : i32
        %add3A_162 = arith.addi %mul3A_71, %add3A_161 : i32
        %dma_wait3A_163 = arith.constant 0 : i32
        %dma_wait3A_164 = tpu.memref_slice %arg8[%add3A_162, %dma_wait3A_163] : memref<160x128xi32, #tpu.memory_space<vmem>> -> memref<1x128xi32, #tpu.memory_space<vmem>>
        %dma_wait3A_165 = tpu.memref_squeeze %dma_wait3A_164 : memref<1x128xi32, #tpu.memory_space<vmem>> -> memref<128xi32, #tpu.memory_space<vmem>>
        %dma_wait3A_166 = arith.constant 0 : i32
        %dma_wait3A_167 = arith.constant 0 : i32
        %dma_wait3A_168 = tpu.memref_slice %arg13[%dma_wait3A_166, %dma_wait3A_167] : memref<10240x64xf32, #tpu.memory_space<vmem_shared>> -> memref<10240x64xf32, #tpu.memory_space<vmem_shared>>
        tpu.wait_indirect_dma semaphore(%arg21 : memref<!tpu.dma_semaphore, #tpu.memory_space<semaphore_mem>>) src(%arg12 : memref<128x64xf32, #tpu.memory_space<vmem>>) dst(%dma_wait3A_168 : memref<10240x64xf32, #tpu.memory_space<vmem_shared>>)
        %add3A_169 = arith.constant 4 : i32
        %add3A_170 = arith.addi %mul3A_71, %add3A_169 : i32
        %add3A_171 = arith.constant 3 : i32
        %add3A_172 = arith.addi %add3A_170, %add3A_171 : i32
        %dma_start3A_173 = arith.constant 0 : i32
        %dma_start3A_174 = tpu.memref_slice %arg7[%add3A_172, %dma_start3A_173] : memref<160x128xi32, #tpu.memory_space<vmem>> -> memref<1x128xi32, #tpu.memory_space<vmem>>
        %dma_start3A_175 = tpu.memref_squeeze %dma_start3A_174 : memref<1x128xi32, #tpu.memory_space<vmem>> -> memref<128xi32, #tpu.memory_space<vmem>>
        %dma_start3A_176 = arith.constant 0 : i32
        %dma_start3A_177 = arith.constant 0 : i32
        %dma_start3A_178 = tpu.memref_slice %arg2[%dma_start3A_176, %dma_start3A_177] : memref<20480x64xf32, #tpu.memory_space<hbm>> -> memref<20480x64xf32, #tpu.memory_space<hbm>>
        tpu.enqueue_indirect_dma source(%dma_start3A_178 : memref<20480x64xf32, #tpu.memory_space<hbm>>) target(%arg12 : memref<128x64xf32, #tpu.memory_space<vmem>>) offsets(%dma_start3A_175 : memref<128xi32, #tpu.memory_space<vmem>>) semaphore(%arg17 : memref<!tpu.dma_semaphore, #tpu.memory_space<semaphore_mem>>)
      } else {
      }
      %scan3A_160 = arith.constant 0 : i32
      scf.yield %scan3A_160 : i32
    }
    %scan3A_35 = arith.constant 40 : i32
    %dma_wait3A = arith.constant 156 : i32
    %dma_wait3A_36 = arith.constant 0 : i32
    %dma_wait3A_37 = tpu.memref_slice %arg8[%dma_wait3A, %dma_wait3A_36] : memref<160x128xi32, #tpu.memory_space<vmem>> -> memref<1x128xi32, #tpu.memory_space<vmem>>
    %dma_wait3A_38 = tpu.memref_squeeze %dma_wait3A_37 : memref<1x128xi32, #tpu.memory_space<vmem>> -> memref<128xi32, #tpu.memory_space<vmem>>
    %dma_wait3A_39 = arith.constant 0 : i32
    %dma_wait3A_40 = arith.constant 0 : i32
    %dma_wait3A_41 = tpu.memref_slice %arg13[%dma_wait3A_39, %dma_wait3A_40] : memref<10240x64xf32, #tpu.memory_space<vmem_shared>> -> memref<10240x64xf32, #tpu.memory_space<vmem_shared>>
    tpu.wait_indirect_dma semaphore(%arg18 : memref<!tpu.dma_semaphore, #tpu.memory_space<semaphore_mem>>) src(%arg9 : memref<128x64xf32, #tpu.memory_space<vmem>>) dst(%dma_wait3A_41 : memref<10240x64xf32, #tpu.memory_space<vmem_shared>>)
    %dma_wait3A_42 = arith.constant 157 : i32
    %dma_wait3A_43 = arith.constant 0 : i32
    %dma_wait3A_44 = tpu.memref_slice %arg8[%dma_wait3A_42, %dma_wait3A_43] : memref<160x128xi32, #tpu.memory_space<vmem>> -> memref<1x128xi32, #tpu.memory_space<vmem>>
    %dma_wait3A_45 = tpu.memref_squeeze %dma_wait3A_44 : memref<1x128xi32, #tpu.memory_space<vmem>> -> memref<128xi32, #tpu.memory_space<vmem>>
    %dma_wait3A_46 = arith.constant 0 : i32
    %dma_wait3A_47 = arith.constant 0 : i32
    %dma_wait3A_48 = tpu.memref_slice %arg13[%dma_wait3A_46, %dma_wait3A_47] : memref<10240x64xf32, #tpu.memory_space<vmem_shared>> -> memref<10240x64xf32, #tpu.memory_space<vmem_shared>>
    tpu.wait_indirect_dma semaphore(%arg19 : memref<!tpu.dma_semaphore, #tpu.memory_space<semaphore_mem>>) src(%arg10 : memref<128x64xf32, #tpu.memory_space<vmem>>) dst(%dma_wait3A_48 : memref<10240x64xf32, #tpu.memory_space<vmem_shared>>)
    %dma_wait3A_49 = arith.constant 158 : i32
    %dma_wait3A_50 = arith.constant 0 : i32
    %dma_wait3A_51 = tpu.memref_slice %arg8[%dma_wait3A_49, %dma_wait3A_50] : memref<160x128xi32, #tpu.memory_space<vmem>> -> memref<1x128xi32, #tpu.memory_space<vmem>>
    %dma_wait3A_52 = tpu.memref_squeeze %dma_wait3A_51 : memref<1x128xi32, #tpu.memory_space<vmem>> -> memref<128xi32, #tpu.memory_space<vmem>>
    %dma_wait3A_53 = arith.constant 0 : i32
    %dma_wait3A_54 = arith.constant 0 : i32
    %dma_wait3A_55 = tpu.memref_slice %arg13[%dma_wait3A_53, %dma_wait3A_54] : memref<10240x64xf32, #tpu.memory_space<vmem_shared>> -> memref<10240x64xf32, #tpu.memory_space<vmem_shared>>
    tpu.wait_indirect_dma semaphore(%arg20 : memref<!tpu.dma_semaphore, #tpu.memory_space<semaphore_mem>>) src(%arg11 : memref<128x64xf32, #tpu.memory_space<vmem>>) dst(%dma_wait3A_55 : memref<10240x64xf32, #tpu.memory_space<vmem_shared>>)
    %dma_wait3A_56 = arith.constant 159 : i32
    %dma_wait3A_57 = arith.constant 0 : i32
    %dma_wait3A_58 = tpu.memref_slice %arg8[%dma_wait3A_56, %dma_wait3A_57] : memref<160x128xi32, #tpu.memory_space<vmem>> -> memref<1x128xi32, #tpu.memory_space<vmem>>
    %dma_wait3A_59 = tpu.memref_squeeze %dma_wait3A_58 : memref<1x128xi32, #tpu.memory_space<vmem>> -> memref<128xi32, #tpu.memory_space<vmem>>
    %dma_wait3A_60 = arith.constant 0 : i32
    %dma_wait3A_61 = arith.constant 0 : i32
    %dma_wait3A_62 = tpu.memref_slice %arg13[%dma_wait3A_60, %dma_wait3A_61] : memref<10240x64xf32, #tpu.memory_space<vmem_shared>> -> memref<10240x64xf32, #tpu.memory_space<vmem_shared>>
    tpu.wait_indirect_dma semaphore(%arg21 : memref<!tpu.dma_semaphore, #tpu.memory_space<semaphore_mem>>) src(%arg12 : memref<128x64xf32, #tpu.memory_space<vmem>>) dst(%dma_wait3A_62 : memref<10240x64xf32, #tpu.memory_space<vmem_shared>>)
    %barrier3A_63 = arith.constant 0 : index
    tpu.barrier barrier_id(%barrier3A_63)
    %mul3A_64 = arith.constant 640 : i32
    %mul3A_65 = arith.muli %arg1, %mul3A_64 : i32
    %mul3A_66 = arith.constant 640 : i32
    %mul3A_67 = arith.muli %arg1, %mul3A_66 : i32
    "tpu.region"() ({
      %run_scoped3A = tpu.sem_alloc : memref<!tpu.dma_semaphore, #tpu.memory_space<semaphore_mem>>
      %dma_start3A_68 = arith.constant 0 : i32
      %dma_start3A_69 = tpu.memref_slice %arg6[%arg0, %mul3A_67, %dma_start3A_68] : memref<2x10240x64xf32, #tpu.memory_space<hbm>> -> memref<1x640x64xf32, #tpu.memory_space<hbm>>
      %dma_start3A_70 = tpu.memref_squeeze %dma_start3A_69 : memref<1x640x64xf32, #tpu.memory_space<hbm>> -> memref<640x64xf32, #tpu.memory_space<hbm>>
      %dma_start3A_71 = arith.constant 0 : i32
      %dma_start3A_72 = tpu.memref_slice %arg13[%mul3A_65, %dma_start3A_71] : memref<10240x64xf32, #tpu.memory_space<vmem_shared>> -> memref<640x64xf32, #tpu.memory_space<vmem_shared>>
      tpu.enqueue_dma source(%dma_start3A_72 : memref<640x64xf32, #tpu.memory_space<vmem_shared>>) target(%dma_start3A_70 : memref<640x64xf32, #tpu.memory_space<hbm>>) target_semaphore(%run_scoped3A : memref<!tpu.dma_semaphore, #tpu.memory_space<semaphore_mem>>)
      %dma_wait3A_73 = arith.constant 0 : i32
      %dma_wait3A_74 = tpu.memref_slice %arg6[%arg0, %mul3A_67, %dma_wait3A_73] : memref<2x10240x64xf32, #tpu.memory_space<hbm>> -> memref<1x640x64xf32, #tpu.memory_space<hbm>>
      %dma_wait3A_75 = tpu.memref_squeeze %dma_wait3A_74 : memref<1x640x64xf32, #tpu.memory_space<hbm>> -> memref<640x64xf32, #tpu.memory_space<hbm>>
      %dma_wait3A_76 = arith.constant 0 : i32
      %dma_wait3A_77 = tpu.memref_slice %arg13[%mul3A_65, %dma_wait3A_76] : memref<10240x64xf32, #tpu.memory_space<vmem_shared>> -> memref<640x64xf32, #tpu.memory_space<vmem_shared>>
      tpu.wait_dma2 semaphore(%run_scoped3A : memref<!tpu.dma_semaphore, #tpu.memory_space<semaphore_mem>>) src(%dma_wait3A_77 : memref<640x64xf32, #tpu.memory_space<vmem_shared>>) dst(%dma_wait3A_75 : memref<640x64xf32, #tpu.memory_space<hbm>>)
      tpu.yield
    }) : () -> ()
    return
  }
}

module attributes {stable_mosaic.version = 14 : i64} {
  func.func @_pre_body(%arg0: i32, %arg1: memref<1024x128xf32, #tpu.memory_space<vmem>>, %arg2: memref<128x128xf32, #tpu.memory_space<vmem>>, %arg3: memref<1x128xf32, #tpu.memory_space<vmem>>, %arg4: memref<1024x16xf32, #tpu.memory_space<vmem>>, %arg5: memref<1024x128xf32, #tpu.memory_space<vmem>>, %arg6: memref<2x1024x64xf32, #tpu.memory_space<vmem>>, %arg7: memref<1x128xf32, #tpu.memory_space<vmem>>) attributes {dimension_semantics = [#tpu.dimension_semantics<arbitrary>], iteration_bounds = array<i64: 10>, scalar_prefetch = 0 : i64, scratch_operands = 0 : i64, tpu.core_type = #tpu.core_type<tc>, window_params = [{transform_indices = @transform_0, window_bounds = array<i64: 1024, 128>}, {pipeline_mode = #tpu.pipeline_mode<synchronous>, transform_indices = @transform_1, window_bounds = array<i64: 128, 128>}, {pipeline_mode = #tpu.pipeline_mode<synchronous>, transform_indices = @transform_2, window_bounds = array<i64: 1, 128>}, {transform_indices = @transform_3, window_bounds = array<i64: 1024, 16>}, {transform_indices = @transform_4, window_bounds = array<i64: 1024, 128>}, {transform_indices = @transform_5, window_bounds = array<i64: 2, 1024, 64>}, {pipeline_mode = #tpu.pipeline_mode<synchronous>, transform_indices = @transform_6, window_bounds = array<i64: 1, 128>}]} {
    %get3A = arith.constant 0 : index
    %get3A_0 = arith.constant 0 : index
    %get3A_1 = vector.load %arg1[%get3A, %get3A_0] : memref<1024x128xf32, #tpu.memory_space<vmem>>, vector<1024x128xf32>
    %get3A_2 = arith.constant 0 : index
    %get3A_3 = arith.constant 0 : index
    %get3A_4 = vector.load %arg2[%get3A_2, %get3A_3] : memref<128x128xf32, #tpu.memory_space<vmem>>, vector<128x128xf32>
    %dot_general3A = arith.constant dense<0.000000e+00> : vector<1024x128xf32>
    %dot_general3A_5 = tpu.matmul %get3A_1, %get3A_4, %dot_general3A {dimension_numbers = #tpu.dot_dimension_numbers<[1], [0], [0], [1], [0, 0, 1, 1], [], []>, transpose_lhs_hint = false} : vector<1024x128xf32>, vector<128x128xf32>, vector<1024x128xf32> -> vector<1024x128xf32>
    %get3A_6 = arith.constant 0 : index
    %get3A_7 = arith.constant 0 : index
    %get3A_8 = vector.load %arg3[%get3A_6, %get3A_7] : memref<1x128xf32, #tpu.memory_space<vmem>>, vector<1x128xf32>
    %add3A = vector.broadcast %get3A_8 : vector<1x128xf32> to vector<1024x128xf32>
    %add3A_9 = arith.addf %dot_general3A_5, %add3A : vector<1024x128xf32>
    %max3A = arith.constant 0.000000e+00 : f32
    %max3A_10 = vector.broadcast %max3A : f32 to vector<1024x128xf32>
    %max3A_11 = arith.maximumf %add3A_9, %max3A_10 : vector<1024x128xf32>
    %mul3A = arith.constant 1024 : i32
    %mul3A_12 = arith.muli %arg0, %mul3A : i32
    %iota3A = tpu.iota {dimensions = array<i32: 0>} : vector<1024x1xi32>
    %add3A_13 = vector.broadcast %mul3A_12 : i32 to vector<1024x1xi32>
    %add3A_14 = arith.addi %add3A_13, %iota3A : vector<1024x1xi32>
    %lt3A = arith.constant 10000 : i32
    %lt3A_15 = vector.broadcast %lt3A : i32 to vector<1024x1xi32>
    %lt3A_16 = arith.cmpi slt, %add3A_14, %lt3A_15 : vector<1024x1xi32>
    %jit3A = arith.constant 0.000000e+00 : f32
    %broadcast_in_dim3A = vector.shape_cast %lt3A_16 : vector<1024x1xi1> to vector<1024x1xi1>
    %broadcast_in_dim3A_17 = vector.broadcast %broadcast_in_dim3A : vector<1024x1xi1> to vector<1024x128xi1>
    %broadcast_in_dim3A_18 = vector.broadcast %jit3A : f32 to vector<1024x128xf32>
    %select_n3A = arith.select %broadcast_in_dim3A_17, %max3A_11, %broadcast_in_dim3A_18 : vector<1024x128xi1>, vector<1024x128xf32>
    %get3A_19 = arith.constant 0 : index
    %get3A_20 = arith.constant 0 : index
    %get3A_21 = vector.load %arg4[%get3A_19, %get3A_20] : memref<1024x16xf32, #tpu.memory_space<vmem>>, vector<1024x16xf32>
    %gt3A = arith.constant 0.000000e+00 : f32
    %gt3A_22 = vector.broadcast %gt3A : f32 to vector<1024x16xf32>
    %gt3A_23 = arith.cmpf ogt, %get3A_21, %gt3A_22 : vector<1024x16xf32>
    %max3A_24 = arith.constant 1.000000e-30 : f32
    %max3A_25 = vector.broadcast %max3A_24 : f32 to vector<1024x16xf32>
    %max3A_26 = arith.maximumf %get3A_21, %max3A_25 : vector<1024x16xf32>
    %rsqrt3A = math.rsqrt %max3A_26 : vector<1024x16xf32>
    %jit3A_27 = arith.constant 0.000000e+00 : f32
    %broadcast_in_dim3A_28 = vector.broadcast %jit3A_27 : f32 to vector<1024x16xf32>
    %select_n3A_29 = arith.select %gt3A_23, %rsqrt3A, %broadcast_in_dim3A_28 : vector<1024x16xi1>, vector<1024x16xf32>
    %slice3A = vector.extract_strided_slice %select_n3A_29 {offsets = [0, 0], sizes = [1024, 1], strides = [1, 1]} : vector<1024x16xf32> to vector<1024x1xf32>
    %swap3A = arith.constant 0 : index
    %swap3A_30 = arith.constant 0 : index
    %swap3A_31 = vector.load %arg5[%swap3A, %swap3A_30] : memref<1024x128xf32, #tpu.memory_space<vmem>>, vector<1024x128xf32>
    tpu.vector_store %arg5[%swap3A, %swap3A_30], %select_n3A {strides = array<i32>} : memref<1024x128xf32, #tpu.memory_space<vmem>>, vector<1024x128xf32>,
    %mul3A_32 = vector.broadcast %slice3A : vector<1024x1xf32> to vector<1024x128xf32>
    %mul3A_33 = arith.mulf %select_n3A, %mul3A_32 : vector<1024x128xf32>
    %slice3A_34 = vector.extract_strided_slice %mul3A_33 {offsets = [0, 0], sizes = [1024, 64], strides = [1, 1]} : vector<1024x128xf32> to vector<1024x64xf32>
    %swap3A_35 = arith.constant 0 : index
    %swap3A_36 = arith.constant 0 : index
    %swap3A_37 = arith.constant 0 : index
    %swap3A_38 = vector.load %arg6[%swap3A_35, %swap3A_36, %swap3A_37] : memref<2x1024x64xf32, #tpu.memory_space<vmem>>, vector<1x1024x64xf32>
    %swap3A_39 = vector.shape_cast %swap3A_38 : vector<1x1024x64xf32> to vector<1024x64xf32>
    %swap3A_40 = vector.shape_cast %slice3A_34 : vector<1024x64xf32> to vector<1x1024x64xf32>
    tpu.vector_store %arg6[%swap3A_35, %swap3A_36, %swap3A_37], %swap3A_40 {strides = array<i32>} : memref<2x1024x64xf32, #tpu.memory_space<vmem>>, vector<1x1024x64xf32>,
    %slice3A_41 = vector.extract_strided_slice %mul3A_33 {offsets = [0, 64], sizes = [1024, 64], strides = [1, 1]} : vector<1024x128xf32> to vector<1024x64xf32>
    %swap3A_42 = arith.constant 1 : index
    %swap3A_43 = arith.constant 0 : index
    %swap3A_44 = arith.constant 0 : index
    %swap3A_45 = vector.load %arg6[%swap3A_42, %swap3A_43, %swap3A_44] : memref<2x1024x64xf32, #tpu.memory_space<vmem>>, vector<1x1024x64xf32>
    %swap3A_46 = vector.shape_cast %swap3A_45 : vector<1x1024x64xf32> to vector<1024x64xf32>
    %swap3A_47 = vector.shape_cast %slice3A_41 : vector<1024x64xf32> to vector<1x1024x64xf32>
    tpu.vector_store %arg6[%swap3A_42, %swap3A_43, %swap3A_44], %swap3A_47 {strides = array<i32>} : memref<2x1024x64xf32, #tpu.memory_space<vmem>>, vector<1x1024x64xf32>,
    %eq3A = arith.constant 0 : i32
    %eq3A_48 = arith.cmpi eq, %arg0, %eq3A : i32
    %convert_element_type3A = arith.extui %eq3A_48 : i1 to i32
    %cond3A = arith.constant 0 : i32
    %cond3A_49 = arith.cmpi ne, %convert_element_type3A, %cond3A : i32
    scf.if %cond3A_49 {
      %broadcast_in_dim3A_59 = arith.constant 0.000000e+00 : f32
      %broadcast_in_dim3A_60 = vector.broadcast %broadcast_in_dim3A_59 : f32 to vector<1x128xf32>
      %swap3A_61 = arith.constant 0 : index
      %swap3A_62 = arith.constant 0 : index
      %swap3A_63 = vector.load %arg7[%swap3A_61, %swap3A_62] : memref<1x128xf32, #tpu.memory_space<vmem>>, vector<1x128xf32>
      tpu.vector_store %arg7[%swap3A_61, %swap3A_62], %broadcast_in_dim3A_60 {strides = array<i32>} : memref<1x128xf32, #tpu.memory_space<vmem>>, vector<1x128xf32>,
    } else {
    }
    %get3A_50 = arith.constant 0 : index
    %get3A_51 = arith.constant 0 : index
    %get3A_52 = vector.load %arg7[%get3A_50, %get3A_51] : memref<1x128xf32, #tpu.memory_space<vmem>>, vector<1x128xf32>
    %reduce_sum3A = arith.constant dense<0.000000e+00> : vector<128xf32>
    %reduce_sum3A_53 = vector.multi_reduction <add>, %select_n3A, %reduce_sum3A [0] : vector<1024x128xf32> to vector<128xf32>
    %broadcast_in_dim3A_54 = vector.shape_cast %reduce_sum3A_53 : vector<128xf32> to vector<1x128xf32>
    %add3A_55 = arith.addf %get3A_52, %broadcast_in_dim3A_54 : vector<1x128xf32>
    %swap3A_56 = arith.constant 0 : index
    %swap3A_57 = arith.constant 0 : index
    %swap3A_58 = vector.load %arg7[%swap3A_56, %swap3A_57] : memref<1x128xf32, #tpu.memory_space<vmem>>, vector<1x128xf32>
    tpu.vector_store %arg7[%swap3A_56, %swap3A_57], %add3A_55 {strides = array<i32>} : memref<1x128xf32, #tpu.memory_space<vmem>>, vector<1x128xf32>,
    return
  }
  func.func @transform_0(%arg0: i32) -> (i32, i32) {
    %c0_i32 = arith.constant 0 : i32
    %c0_i32_0 = arith.constant 0 : i32
    return %arg0, %c0_i32 : i32, i32
  }
  func.func @transform_1(%arg0: i32) -> (i32, i32) {
    %c0_i32 = arith.constant 0 : i32
    %c0_i32_0 = arith.constant 0 : i32
    %c0_i32_1 = arith.constant 0 : i32
    return %c0_i32, %c0_i32_0 : i32, i32
  }
  func.func @transform_2(%arg0: i32) -> (i32, i32) {
    %c0_i32 = arith.constant 0 : i32
    %c0_i32_0 = arith.constant 0 : i32
    %c0_i32_1 = arith.constant 0 : i32
    return %c0_i32, %c0_i32_0 : i32, i32
  }
  func.func @transform_3(%arg0: i32) -> (i32, i32) {
    %c0_i32 = arith.constant 0 : i32
    %c0_i32_0 = arith.constant 0 : i32
    return %arg0, %c0_i32 : i32, i32
  }
  func.func @transform_4(%arg0: i32) -> (i32, i32) {
    %c0_i32 = arith.constant 0 : i32
    %c0_i32_0 = arith.constant 0 : i32
    return %arg0, %c0_i32 : i32, i32
  }
  func.func @transform_5(%arg0: i32) -> (i32, i32, i32) {
    %c0_i32 = arith.constant 0 : i32
    %c0_i32_0 = arith.constant 0 : i32
    %c0_i32_1 = arith.constant 0 : i32
    return %c0_i32, %arg0, %c0_i32_0 : i32, i32, i32
  }
  func.func @transform_6(%arg0: i32) -> (i32, i32) {
    %c0_i32 = arith.constant 0 : i32
    %c0_i32_0 = arith.constant 0 : i32
    %c0_i32_1 = arith.constant 0 : i32
    return %c0_i32, %c0_i32_0 : i32, i32
  }
}

module attributes {stable_mosaic.version = 14 : i64} {
  func.func @_mix_body(%arg0: i32, %arg1: memref<2x1024x64xf32, #tpu.memory_space<vmem>>, %arg2: memref<1024x16xf32, #tpu.memory_space<vmem>>, %arg3: memref<1024x128xf32, #tpu.memory_space<vmem>>, %arg4: memref<1x128xf32, #tpu.memory_space<vmem>>, %arg5: memref<128x128xf32, #tpu.memory_space<vmem>>, %arg6: memref<128x128xf32, #tpu.memory_space<vmem>>, %arg7: memref<1x128xf32, #tpu.memory_space<vmem>>, %arg8: memref<128x128xf32, #tpu.memory_space<vmem>>, %arg9: memref<1x128xf32, #tpu.memory_space<vmem>>, %arg10: memref<1x128xf32, #tpu.memory_space<vmem>>, %arg11: memref<128x128xf32, #tpu.memory_space<vmem>>, %arg12: memref<1x128xf32, #tpu.memory_space<vmem>>, %arg13: memref<3x256x128xf32, #tpu.memory_space<vmem>>, %arg14: memref<128x128xf32, #tpu.memory_space<vmem>>, %arg15: memref<1x128xf32, #tpu.memory_space<vmem>>, %arg16: memref<1024x128xf32, #tpu.memory_space<vmem>>, %arg17: memref<2x1024x64xf32, #tpu.memory_space<vmem>>, %arg18: memref<1x128xf32, #tpu.memory_space<vmem>>) attributes {dimension_semantics = [#tpu.dimension_semantics<arbitrary>], iteration_bounds = array<i64: 10>, scalar_prefetch = 0 : i64, scratch_operands = 0 : i64, tpu.core_type = #tpu.core_type<tc>, window_params = [{transform_indices = @transform_0, window_bounds = array<i64: 2, 1024, 64>}, {transform_indices = @transform_1, window_bounds = array<i64: 1024, 16>}, {transform_indices = @transform_2, window_bounds = array<i64: 1024, 128>}, {pipeline_mode = #tpu.pipeline_mode<synchronous>, transform_indices = @transform_3, window_bounds = array<i64: 1, 128>}, {pipeline_mode = #tpu.pipeline_mode<synchronous>, transform_indices = @transform_4, window_bounds = array<i64: 128, 128>}, {pipeline_mode = #tpu.pipeline_mode<synchronous>, transform_indices = @transform_5, window_bounds = array<i64: 128, 128>}, {pipeline_mode = #tpu.pipeline_mode<synchronous>, transform_indices = @transform_6, window_bounds = array<i64: 1, 128>}, {pipeline_mode = #tpu.pipeline_mode<synchronous>, transform_indices = @transform_7, window_bounds = array<i64: 128, 128>}, {pipeline_mode = #tpu.pipeline_mode<synchronous>, transform_indices = @transform_8, window_bounds = array<i64: 1, 128>}, {pipeline_mode = #tpu.pipeline_mode<synchronous>, transform_indices = @transform_9, window_bounds = array<i64: 1, 128>}, {pipeline_mode = #tpu.pipeline_mode<synchronous>, transform_indices = @transform_10, window_bounds = array<i64: 128, 128>}, {pipeline_mode = #tpu.pipeline_mode<synchronous>, transform_indices = @transform_11, window_bounds = array<i64: 1, 128>}, {pipeline_mode = #tpu.pipeline_mode<synchronous>, transform_indices = @transform_12, window_bounds = array<i64: 3, 256, 128>}, {pipeline_mode = #tpu.pipeline_mode<synchronous>, transform_indices = @transform_13, window_bounds = array<i64: 128, 128>}, {pipeline_mode = #tpu.pipeline_mode<synchronous>, transform_indices = @transform_14, window_bounds = array<i64: 1, 128>}, {transform_indices = @transform_15, window_bounds = array<i64: 1024, 128>}, {transform_indices = @transform_16, window_bounds = array<i64: 2, 1024, 64>}, {pipeline_mode = #tpu.pipeline_mode<synchronous>, transform_indices = @transform_17, window_bounds = array<i64: 1, 128>}]} {
    %get3A = arith.constant 0 : index
    %get3A_0 = arith.constant 0 : index
    %get3A_1 = vector.load %arg2[%get3A, %get3A_0] : memref<1024x16xf32, #tpu.memory_space<vmem>>, vector<1024x16xf32>
    %gt3A = arith.constant 0.000000e+00 : f32
    %gt3A_2 = vector.broadcast %gt3A : f32 to vector<1024x16xf32>
    %gt3A_3 = arith.cmpf ogt, %get3A_1, %gt3A_2 : vector<1024x16xf32>
    %max3A = arith.constant 1.000000e-30 : f32
    %max3A_4 = vector.broadcast %max3A : f32 to vector<1024x16xf32>
    %max3A_5 = arith.maximumf %get3A_1, %max3A_4 : vector<1024x16xf32>
    %rsqrt3A = math.rsqrt %max3A_5 : vector<1024x16xf32>
    %jit3A = arith.constant 0.000000e+00 : f32
    %broadcast_in_dim3A = vector.broadcast %jit3A : f32 to vector<1024x16xf32>
    %select_n3A = arith.select %gt3A_3, %rsqrt3A, %broadcast_in_dim3A : vector<1024x16xi1>, vector<1024x16xf32>
    %slice3A = vector.extract_strided_slice %select_n3A {offsets = [0, 0], sizes = [1024, 1], strides = [1, 1]} : vector<1024x16xf32> to vector<1024x1xf32>
    %get3A_6 = arith.constant 0 : index
    %get3A_7 = arith.constant 0 : index
    %get3A_8 = arith.constant 0 : index
    %get3A_9 = vector.load %arg1[%get3A_6, %get3A_7, %get3A_8] : memref<2x1024x64xf32, #tpu.memory_space<vmem>>, vector<2x1024x64xf32>
    %slice3A_10 = vector.extract_strided_slice %get3A_9 {offsets = [0, 0, 0], sizes = [1, 1024, 64], strides = [1, 1, 1]} : vector<2x1024x64xf32> to vector<1x1024x64xf32>
    %squeeze3A = vector.shape_cast %slice3A_10 : vector<1x1024x64xf32> to vector<1024x64xf32>
    %slice3A_11 = vector.extract_strided_slice %get3A_9 {offsets = [1, 0, 0], sizes = [1, 1024, 64], strides = [1, 1, 1]} : vector<2x1024x64xf32> to vector<1x1024x64xf32>
    %squeeze3A_12 = vector.shape_cast %slice3A_11 : vector<1x1024x64xf32> to vector<1024x64xf32>
    %concatenate3A = tpu.concatenate %squeeze3A, %squeeze3A_12 in 1 : vector<1024x64xf32>, vector<1024x64xf32> -> vector<1024x128xf32>
    %mul3A = vector.broadcast %slice3A : vector<1024x1xf32> to vector<1024x128xf32>
    %mul3A_13 = arith.mulf %mul3A, %concatenate3A : vector<1024x128xf32>
    %get3A_14 = arith.constant 0 : index
    %get3A_15 = arith.constant 0 : index
    %get3A_16 = vector.load %arg3[%get3A_14, %get3A_15] : memref<1024x128xf32, #tpu.memory_space<vmem>>, vector<1024x128xf32>
    %get3A_17 = arith.constant 0 : index
    %get3A_18 = arith.constant 0 : index
    %get3A_19 = vector.load %arg4[%get3A_17, %get3A_18] : memref<1x128xf32, #tpu.memory_space<vmem>>, vector<1x128xf32>
    %mul3A_20 = arith.constant 9.99999974E-5 : f32
    %mul3A_21 = vector.broadcast %mul3A_20 : f32 to vector<1x128xf32>
    %mul3A_22 = arith.mulf %get3A_19, %mul3A_21 : vector<1x128xf32>
    %get3A_23 = arith.constant 0 : index
    %get3A_24 = arith.constant 0 : index
    %get3A_25 = vector.load %arg6[%get3A_23, %get3A_24] : memref<128x128xf32, #tpu.memory_space<vmem>>, vector<128x128xf32>
    %dot_general3A = arith.constant dense<0.000000e+00> : vector<1x128xf32>
    %dot_general3A_26 = tpu.matmul %mul3A_22, %get3A_25, %dot_general3A {dimension_numbers = #tpu.dot_dimension_numbers<[1], [0], [0], [1], [0, 0, 1, 1], [], []>, transpose_lhs_hint = false} : vector<1x128xf32>, vector<128x128xf32>, vector<1x128xf32> -> vector<1x128xf32>
    %get3A_27 = arith.constant 0 : index
    %get3A_28 = arith.constant 0 : index
    %get3A_29 = vector.load %arg7[%get3A_27, %get3A_28] : memref<1x128xf32, #tpu.memory_space<vmem>>, vector<1x128xf32>
    %add3A = arith.addf %dot_general3A_26, %get3A_29 : vector<1x128xf32>
    %max3A_30 = arith.constant 0.000000e+00 : f32
    %max3A_31 = vector.broadcast %max3A_30 : f32 to vector<1x128xf32>
    %max3A_32 = arith.maximumf %add3A, %max3A_31 : vector<1x128xf32>
    %get3A_33 = arith.constant 0 : index
    %get3A_34 = arith.constant 0 : index
    %get3A_35 = vector.load %arg8[%get3A_33, %get3A_34] : memref<128x128xf32, #tpu.memory_space<vmem>>, vector<128x128xf32>
    %dot_general3A_36 = arith.constant dense<0.000000e+00> : vector<1x128xf32>
    %dot_general3A_37 = tpu.matmul %max3A_32, %get3A_35, %dot_general3A_36 {dimension_numbers = #tpu.dot_dimension_numbers<[1], [0], [0], [1], [0, 0, 1, 1], [], []>, transpose_lhs_hint = false} : vector<1x128xf32>, vector<128x128xf32>, vector<1x128xf32> -> vector<1x128xf32>
    %get3A_38 = arith.constant 0 : index
    %get3A_39 = arith.constant 0 : index
    %get3A_40 = vector.load %arg9[%get3A_38, %get3A_39] : memref<1x128xf32, #tpu.memory_space<vmem>>, vector<1x128xf32>
    %add3A_41 = arith.addf %dot_general3A_37, %get3A_40 : vector<1x128xf32>
    %get3A_42 = arith.constant 0 : index
    %get3A_43 = arith.constant 0 : index
    %get3A_44 = vector.load %arg10[%get3A_42, %get3A_43] : memref<1x128xf32, #tpu.memory_space<vmem>>, vector<1x128xf32>
    %logistic3A = arith.negf %get3A_44 : vector<1x128xf32>
    %logistic3A_45 = math.exp %logistic3A : vector<1x128xf32>
    %logistic3A_46 = arith.constant 1.000000e+00 : f32
    %logistic3A_47 = vector.broadcast %logistic3A_46 : f32 to vector<1x128xf32>
    %logistic3A_48 = arith.addf %logistic3A_47, %logistic3A_45 : vector<1x128xf32>
    %logistic3A_49 = arith.divf %logistic3A_47, %logistic3A_48 : vector<1x128xf32>
    %get3A_50 = arith.constant 0 : index
    %get3A_51 = arith.constant 0 : index
    %get3A_52 = vector.load %arg5[%get3A_50, %get3A_51] : memref<128x128xf32, #tpu.memory_space<vmem>>, vector<128x128xf32>
    %dot_general3A_53 = arith.constant dense<0.000000e+00> : vector<1024x128xf32>
    %dot_general3A_54 = tpu.matmul %mul3A_13, %get3A_52, %dot_general3A_53 {dimension_numbers = #tpu.dot_dimension_numbers<[1], [0], [0], [1], [0, 0, 1, 1], [], []>, transpose_lhs_hint = false} : vector<1024x128xf32>, vector<128x128xf32>, vector<1024x128xf32> -> vector<1024x128xf32>
    %mul3A_55 = vector.broadcast %logistic3A_49 : vector<1x128xf32> to vector<1024x128xf32>
    %mul3A_56 = arith.mulf %mul3A_55, %dot_general3A_54 : vector<1024x128xf32>
    %sub3A = arith.constant 1.000000e+00 : f32
    %sub3A_57 = vector.broadcast %sub3A : f32 to vector<1x128xf32>
    %sub3A_58 = arith.subf %sub3A_57, %logistic3A_49 : vector<1x128xf32>
    %mul3A_59 = arith.mulf %sub3A_58, %add3A_41 : vector<1x128xf32>
    %add3A_60 = vector.broadcast %mul3A_59 : vector<1x128xf32> to vector<1024x128xf32>
    %add3A_61 = arith.addf %mul3A_56, %add3A_60 : vector<1024x128xf32>
    %get3A_62 = arith.constant 0 : index
    %get3A_63 = arith.constant 0 : index
    %get3A_64 = vector.load %arg11[%get3A_62, %get3A_63] : memref<128x128xf32, #tpu.memory_space<vmem>>, vector<128x128xf32>
    %dot_general3A_65 = arith.constant dense<0.000000e+00> : vector<1024x128xf32>
    %dot_general3A_66 = tpu.matmul %add3A_61, %get3A_64, %dot_general3A_65 {dimension_numbers = #tpu.dot_dimension_numbers<[1], [0], [0], [1], [0, 0, 1, 1], [], []>, transpose_lhs_hint = false} : vector<1024x128xf32>, vector<128x128xf32>, vector<1024x128xf32> -> vector<1024x128xf32>
    %get3A_67 = arith.constant 0 : index
    %get3A_68 = arith.constant 0 : index
    %get3A_69 = vector.load %arg12[%get3A_67, %get3A_68] : memref<1x128xf32, #tpu.memory_space<vmem>>, vector<1x128xf32>
    %add3A_70 = vector.broadcast %get3A_69 : vector<1x128xf32> to vector<1024x128xf32>
    %add3A_71 = arith.addf %dot_general3A_66, %add3A_70 : vector<1024x128xf32>
    %reduce_max3A = arith.constant dense<0xFF800000> : vector<1024xf32>
    %reduce_max3A_72 = vector.multi_reduction <maximumf>, %add3A_71, %reduce_max3A [1] : vector<1024x128xf32> to vector<1024xf32>
    %broadcast_in_dim3A_73 = vector.shape_cast %reduce_max3A_72 : vector<1024xf32> to vector<1024x1xf32>
    %sub3A_74 = vector.broadcast %broadcast_in_dim3A_73 : vector<1024x1xf32> to vector<1024x128xf32>
    %sub3A_75 = arith.subf %add3A_71, %sub3A_74 : vector<1024x128xf32>
    %exp3A = math.exp %sub3A_75 : vector<1024x128xf32>
    %reduce_sum3A = arith.constant dense<0.000000e+00> : vector<1024xf32>
    %reduce_sum3A_76 = vector.multi_reduction <add>, %exp3A, %reduce_sum3A [1] : vector<1024x128xf32> to vector<1024xf32>
    %broadcast_in_dim3A_77 = vector.shape_cast %reduce_sum3A_76 : vector<1024xf32> to vector<1024x1xf32>
    %div3A = vector.broadcast %broadcast_in_dim3A_77 : vector<1024x1xf32> to vector<1024x128xf32>
    %div3A_78 = arith.divf %exp3A, %div3A : vector<1024x128xf32>
    %get3A_79 = arith.constant 0 : index
    %get3A_80 = arith.constant 0 : index
    %get3A_81 = arith.constant 0 : index
    %get3A_82 = vector.load %arg13[%get3A_79, %get3A_80, %get3A_81] : memref<3x256x128xf32, #tpu.memory_space<vmem>>, vector<3x256x128xf32>
    %slice3A_83 = vector.extract_strided_slice %get3A_82 {offsets = [0, 0, 0], sizes = [1, 128, 128], strides = [1, 1, 1]} : vector<3x256x128xf32> to vector<1x128x128xf32>
    %squeeze3A_84 = vector.shape_cast %slice3A_83 : vector<1x128x128xf32> to vector<128x128xf32>
    %dot_general3A_85 = arith.constant dense<0.000000e+00> : vector<1024x128xf32>
    %dot_general3A_86 = tpu.matmul %mul3A_13, %squeeze3A_84, %dot_general3A_85 {dimension_numbers = #tpu.dot_dimension_numbers<[1], [0], [0], [1], [0, 0, 1, 1], [], []>, transpose_lhs_hint = false} : vector<1024x128xf32>, vector<128x128xf32>, vector<1024x128xf32> -> vector<1024x128xf32>
    %slice3A_87 = vector.extract_strided_slice %get3A_82 {offsets = [0, 128, 0], sizes = [1, 128, 128], strides = [1, 1, 1]} : vector<3x256x128xf32> to vector<1x128x128xf32>
    %squeeze3A_88 = vector.shape_cast %slice3A_87 : vector<1x128x128xf32> to vector<128x128xf32>
    %dot_general3A_89 = arith.constant dense<0.000000e+00> : vector<1024x128xf32>
    %dot_general3A_90 = tpu.matmul %get3A_16, %squeeze3A_88, %dot_general3A_89 {dimension_numbers = #tpu.dot_dimension_numbers<[1], [0], [0], [1], [0, 0, 1, 1], [], []>, transpose_lhs_hint = false} : vector<1024x128xf32>, vector<128x128xf32>, vector<1024x128xf32> -> vector<1024x128xf32>
    %add3A_91 = arith.addf %dot_general3A_86, %dot_general3A_90 : vector<1024x128xf32>
    %slice3A_92 = vector.extract_strided_slice %div3A_78 {offsets = [0, 0], sizes = [1024, 1], strides = [1, 1]} : vector<1024x128xf32> to vector<1024x1xf32>
    %mul3A_93 = vector.broadcast %slice3A_92 : vector<1024x1xf32> to vector<1024x128xf32>
    %mul3A_94 = arith.mulf %mul3A_93, %add3A_91 : vector<1024x128xf32>
    %add3A_95 = arith.addf %get3A_16, %mul3A_94 : vector<1024x128xf32>
    %slice3A_96 = vector.extract_strided_slice %get3A_82 {offsets = [1, 0, 0], sizes = [1, 128, 128], strides = [1, 1, 1]} : vector<3x256x128xf32> to vector<1x128x128xf32>
    %squeeze3A_97 = vector.shape_cast %slice3A_96 : vector<1x128x128xf32> to vector<128x128xf32>
    %dot_general3A_98 = arith.constant dense<0.000000e+00> : vector<1024x128xf32>
    %dot_general3A_99 = tpu.matmul %mul3A_13, %squeeze3A_97, %dot_general3A_98 {dimension_numbers = #tpu.dot_dimension_numbers<[1], [0], [0], [1], [0, 0, 1, 1], [], []>, transpose_lhs_hint = false} : vector<1024x128xf32>, vector<128x128xf32>, vector<1024x128xf32> -> vector<1024x128xf32>
    %slice3A_100 = vector.extract_strided_slice %get3A_82 {offsets = [1, 128, 0], sizes = [1, 128, 128], strides = [1, 1, 1]} : vector<3x256x128xf32> to vector<1x128x128xf32>
    %squeeze3A_101 = vector.shape_cast %slice3A_100 : vector<1x128x128xf32> to vector<128x128xf32>
    %dot_general3A_102 = arith.constant dense<0.000000e+00> : vector<1024x128xf32>
    %dot_general3A_103 = tpu.matmul %get3A_16, %squeeze3A_101, %dot_general3A_102 {dimension_numbers = #tpu.dot_dimension_numbers<[1], [0], [0], [1], [0, 0, 1, 1], [], []>, transpose_lhs_hint = false} : vector<1024x128xf32>, vector<128x128xf32>, vector<1024x128xf32> -> vector<1024x128xf32>
    %add3A_104 = arith.addf %dot_general3A_99, %dot_general3A_103 : vector<1024x128xf32>
    %slice3A_105 = vector.extract_strided_slice %div3A_78 {offsets = [0, 1], sizes = [1024, 1], strides = [1, 1]} : vector<1024x128xf32> to vector<1024x1xf32>
    %mul3A_106 = vector.broadcast %slice3A_105 : vector<1024x1xf32> to vector<1024x128xf32>
    %mul3A_107 = arith.mulf %mul3A_106, %add3A_104 : vector<1024x128xf32>
    %add3A_108 = arith.addf %add3A_95, %mul3A_107 : vector<1024x128xf32>
    %slice3A_109 = vector.extract_strided_slice %get3A_82 {offsets = [2, 0, 0], sizes = [1, 128, 128], strides = [1, 1, 1]} : vector<3x256x128xf32> to vector<1x128x128xf32>
    %squeeze3A_110 = vector.shape_cast %slice3A_109 : vector<1x128x128xf32> to vector<128x128xf32>
    %dot_general3A_111 = arith.constant dense<0.000000e+00> : vector<1024x128xf32>
    %dot_general3A_112 = tpu.matmul %mul3A_13, %squeeze3A_110, %dot_general3A_111 {dimension_numbers = #tpu.dot_dimension_numbers<[1], [0], [0], [1], [0, 0, 1, 1], [], []>, transpose_lhs_hint = false} : vector<1024x128xf32>, vector<128x128xf32>, vector<1024x128xf32> -> vector<1024x128xf32>
    %slice3A_113 = vector.extract_strided_slice %get3A_82 {offsets = [2, 128, 0], sizes = [1, 128, 128], strides = [1, 1, 1]} : vector<3x256x128xf32> to vector<1x128x128xf32>
    %squeeze3A_114 = vector.shape_cast %slice3A_113 : vector<1x128x128xf32> to vector<128x128xf32>
    %dot_general3A_115 = arith.constant dense<0.000000e+00> : vector<1024x128xf32>
    %dot_general3A_116 = tpu.matmul %get3A_16, %squeeze3A_114, %dot_general3A_115 {dimension_numbers = #tpu.dot_dimension_numbers<[1], [0], [0], [1], [0, 0, 1, 1], [], []>, transpose_lhs_hint = false} : vector<1024x128xf32>, vector<128x128xf32>, vector<1024x128xf32> -> vector<1024x128xf32>
    %add3A_117 = arith.addf %dot_general3A_112, %dot_general3A_116 : vector<1024x128xf32>
    %slice3A_118 = vector.extract_strided_slice %div3A_78 {offsets = [0, 2], sizes = [1024, 1], strides = [1, 1]} : vector<1024x128xf32> to vector<1024x1xf32>
    %mul3A_119 = vector.broadcast %slice3A_118 : vector<1024x1xf32> to vector<1024x128xf32>
    %mul3A_120 = arith.mulf %mul3A_119, %add3A_117 : vector<1024x128xf32>
    %add3A_121 = arith.addf %add3A_108, %mul3A_120 : vector<1024x128xf32>
    %max3A_122 = arith.constant 0.000000e+00 : f32
    %max3A_123 = vector.broadcast %max3A_122 : f32 to vector<1024x128xf32>
    %max3A_124 = arith.maximumf %add3A_121, %max3A_123 : vector<1024x128xf32>
    %swap3A = arith.constant 0 : index
    %swap3A_125 = arith.constant 0 : index
    %swap3A_126 = vector.load %arg16[%swap3A, %swap3A_125] : memref<1024x128xf32, #tpu.memory_space<vmem>>, vector<1024x128xf32>
    tpu.vector_store %arg16[%swap3A, %swap3A_125], %max3A_124 {strides = array<i32>} : memref<1024x128xf32, #tpu.memory_space<vmem>>, vector<1024x128xf32>,
    %mul3A_127 = vector.broadcast %slice3A : vector<1024x1xf32> to vector<1024x128xf32>
    %mul3A_128 = arith.mulf %max3A_124, %mul3A_127 : vector<1024x128xf32>
    %slice3A_129 = vector.extract_strided_slice %mul3A_128 {offsets = [0, 0], sizes = [1024, 64], strides = [1, 1]} : vector<1024x128xf32> to vector<1024x64xf32>
    %swap3A_130 = arith.constant 0 : index
    %swap3A_131 = arith.constant 0 : index
    %swap3A_132 = arith.constant 0 : index
    %swap3A_133 = vector.load %arg17[%swap3A_130, %swap3A_131, %swap3A_132] : memref<2x1024x64xf32, #tpu.memory_space<vmem>>, vector<1x1024x64xf32>
    %swap3A_134 = vector.shape_cast %swap3A_133 : vector<1x1024x64xf32> to vector<1024x64xf32>
    %swap3A_135 = vector.shape_cast %slice3A_129 : vector<1024x64xf32> to vector<1x1024x64xf32>
    tpu.vector_store %arg17[%swap3A_130, %swap3A_131, %swap3A_132], %swap3A_135 {strides = array<i32>} : memref<2x1024x64xf32, #tpu.memory_space<vmem>>, vector<1x1024x64xf32>,
    %slice3A_136 = vector.extract_strided_slice %mul3A_128 {offsets = [0, 64], sizes = [1024, 64], strides = [1, 1]} : vector<1024x128xf32> to vector<1024x64xf32>
    %swap3A_137 = arith.constant 1 : index
    %swap3A_138 = arith.constant 0 : index
    %swap3A_139 = arith.constant 0 : index
    %swap3A_140 = vector.load %arg17[%swap3A_137, %swap3A_138, %swap3A_139] : memref<2x1024x64xf32, #tpu.memory_space<vmem>>, vector<1x1024x64xf32>
    %swap3A_141 = vector.shape_cast %swap3A_140 : vector<1x1024x64xf32> to vector<1024x64xf32>
    %swap3A_142 = vector.shape_cast %slice3A_136 : vector<1024x64xf32> to vector<1x1024x64xf32>
    tpu.vector_store %arg17[%swap3A_137, %swap3A_138, %swap3A_139], %swap3A_142 {strides = array<i32>} : memref<2x1024x64xf32, #tpu.memory_space<vmem>>, vector<1x1024x64xf32>,
    %eq3A = arith.constant 0 : i32
    %eq3A_143 = arith.cmpi eq, %arg0, %eq3A : i32
    %convert_element_type3A = arith.extui %eq3A_143 : i1 to i32
    %cond3A = arith.constant 0 : i32
    %cond3A_144 = arith.cmpi ne, %convert_element_type3A, %cond3A : i32
    scf.if %cond3A_144 {
      %broadcast_in_dim3A_155 = arith.constant 0.000000e+00 : f32
      %broadcast_in_dim3A_156 = vector.broadcast %broadcast_in_dim3A_155 : f32 to vector<1x128xf32>
      %swap3A_157 = arith.constant 0 : index
      %swap3A_158 = arith.constant 0 : index
      %swap3A_159 = vector.load %arg18[%swap3A_157, %swap3A_158] : memref<1x128xf32, #tpu.memory_space<vmem>>, vector<1x128xf32>
      tpu.vector_store %arg18[%swap3A_157, %swap3A_158], %broadcast_in_dim3A_156 {strides = array<i32>} : memref<1x128xf32, #tpu.memory_space<vmem>>, vector<1x128xf32>,
    } else {
    }
    %get3A_145 = arith.constant 0 : index
    %get3A_146 = arith.constant 0 : index
    %get3A_147 = vector.load %arg18[%get3A_145, %get3A_146] : memref<1x128xf32, #tpu.memory_space<vmem>>, vector<1x128xf32>
    %reduce_sum3A_148 = arith.constant dense<0.000000e+00> : vector<128xf32>
    %reduce_sum3A_149 = vector.multi_reduction <add>, %max3A_124, %reduce_sum3A_148 [0] : vector<1024x128xf32> to vector<128xf32>
    %broadcast_in_dim3A_150 = vector.shape_cast %reduce_sum3A_149 : vector<128xf32> to vector<1x128xf32>
    %add3A_151 = arith.addf %get3A_147, %broadcast_in_dim3A_150 : vector<1x128xf32>
    %swap3A_152 = arith.constant 0 : index
    %swap3A_153 = arith.constant 0 : index
    %swap3A_154 = vector.load %arg18[%swap3A_152, %swap3A_153] : memref<1x128xf32, #tpu.memory_space<vmem>>, vector<1x128xf32>
    tpu.vector_store %arg18[%swap3A_152, %swap3A_153], %add3A_151 {strides = array<i32>} : memref<1x128xf32, #tpu.memory_space<vmem>>, vector<1x128xf32>,
    return
  }
  func.func @transform_0(%arg0: i32) -> (i32, i32, i32) {
    %c0_i32 = arith.constant 0 : i32
    %c0_i32_0 = arith.constant 0 : i32
    %c0_i32_1 = arith.constant 0 : i32
    return %c0_i32, %arg0, %c0_i32_0 : i32, i32, i32
  }
  func.func @transform_1(%arg0: i32) -> (i32, i32) {
    %c0_i32 = arith.constant 0 : i32
    %c0_i32_0 = arith.constant 0 : i32
    return %arg0, %c0_i32 : i32, i32
  }
  func.func @transform_2(%arg0: i32) -> (i32, i32) {
    %c0_i32 = arith.constant 0 : i32
    %c0_i32_0 = arith.constant 0 : i32
    return %arg0, %c0_i32 : i32, i32
  }
  func.func @transform_3(%arg0: i32) -> (i32, i32) {
    %c0_i32 = arith.constant 0 : i32
    %c0_i32_0 = arith.constant 0 : i32
    %c0_i32_1 = arith.constant 0 : i32
    return %c0_i32, %c0_i32_0 : i32, i32
  }
  func.func @transform_4(%arg0: i32) -> (i32, i32) {
    %c0_i32 = arith.constant 0 : i32
    %c0_i32_0 = arith.constant 0 : i32
    %c0_i32_1 = arith.constant 0 : i32
    return %c0_i32, %c0_i32_0 : i32, i32
  }
  func.func @transform_5(%arg0: i32) -> (i32, i32) {
    %c0_i32 = arith.constant 0 : i32
    %c0_i32_0 = arith.constant 0 : i32
    %c0_i32_1 = arith.constant 0 : i32
    return %c0_i32, %c0_i32_0 : i32, i32
  }
  func.func @transform_6(%arg0: i32) -> (i32, i32) {
    %c0_i32 = arith.constant 0 : i32
    %c0_i32_0 = arith.constant 0 : i32
    %c0_i32_1 = arith.constant 0 : i32
    return %c0_i32, %c0_i32_0 : i32, i32
  }
  func.func @transform_7(%arg0: i32) -> (i32, i32) {
    %c0_i32 = arith.constant 0 : i32
    %c0_i32_0 = arith.constant 0 : i32
    %c0_i32_1 = arith.constant 0 : i32
    return %c0_i32, %c0_i32_0 : i32, i32
  }
  func.func @transform_8(%arg0: i32) -> (i32, i32) {
    %c0_i32 = arith.constant 0 : i32
    %c0_i32_0 = arith.constant 0 : i32
    %c0_i32_1 = arith.constant 0 : i32
    return %c0_i32, %c0_i32_0 : i32, i32
  }
  func.func @transform_9(%arg0: i32) -> (i32, i32) {
    %c0_i32 = arith.constant 0 : i32
    %c0_i32_0 = arith.constant 0 : i32
    %c0_i32_1 = arith.constant 0 : i32
    return %c0_i32, %c0_i32_0 : i32, i32
  }
  func.func @transform_10(%arg0: i32) -> (i32, i32) {
    %c0_i32 = arith.constant 0 : i32
    %c0_i32_0 = arith.constant 0 : i32
    %c0_i32_1 = arith.constant 0 : i32
    return %c0_i32, %c0_i32_0 : i32, i32
  }
  func.func @transform_11(%arg0: i32) -> (i32, i32) {
    %c0_i32 = arith.constant 0 : i32
    %c0_i32_0 = arith.constant 0 : i32
    %c0_i32_1 = arith.constant 0 : i32
    return %c0_i32, %c0_i32_0 : i32, i32
  }
  func.func @transform_12(%arg0: i32) -> (i32, i32, i32) {
    %c0_i32 = arith.constant 0 : i32
    %c0_i32_0 = arith.constant 0 : i32
    %c0_i32_1 = arith.constant 0 : i32
    %c0_i32_2 = arith.constant 0 : i32
    return %c0_i32, %c0_i32_0, %c0_i32_1 : i32, i32, i32
  }
  func.func @transform_13(%arg0: i32) -> (i32, i32) {
    %c0_i32 = arith.constant 0 : i32
    %c0_i32_0 = arith.constant 0 : i32
    %c0_i32_1 = arith.constant 0 : i32
    return %c0_i32, %c0_i32_0 : i32, i32
  }
  func.func @transform_14(%arg0: i32) -> (i32, i32) {
    %c0_i32 = arith.constant 0 : i32
    %c0_i32_0 = arith.constant 0 : i32
    %c0_i32_1 = arith.constant 0 : i32
    return %c0_i32, %c0_i32_0 : i32, i32
  }
  func.func @transform_15(%arg0: i32) -> (i32, i32) {
    %c0_i32 = arith.constant 0 : i32
    %c0_i32_0 = arith.constant 0 : i32
    return %arg0, %c0_i32 : i32, i32
  }
  func.func @transform_16(%arg0: i32) -> (i32, i32, i32) {
    %c0_i32 = arith.constant 0 : i32
    %c0_i32_0 = arith.constant 0 : i32
    %c0_i32_1 = arith.constant 0 : i32
    return %c0_i32, %arg0, %c0_i32_0 : i32, i32, i32
  }
  func.func @transform_17(%arg0: i32) -> (i32, i32) {
    %c0_i32 = arith.constant 0 : i32
    %c0_i32_0 = arith.constant 0 : i32
    %c0_i32_1 = arith.constant 0 : i32
    return %c0_i32, %c0_i32_0 : i32, i32
  }
}

module attributes {stable_mosaic.version = 14 : i64} {
  func.func @_mix_body(%arg0: i32, %arg1: memref<2x1024x64xf32, #tpu.memory_space<vmem>>, %arg2: memref<1024x16xf32, #tpu.memory_space<vmem>>, %arg3: memref<1024x128xf32, #tpu.memory_space<vmem>>, %arg4: memref<1x128xf32, #tpu.memory_space<vmem>>, %arg5: memref<128x128xf32, #tpu.memory_space<vmem>>, %arg6: memref<128x128xf32, #tpu.memory_space<vmem>>, %arg7: memref<1x128xf32, #tpu.memory_space<vmem>>, %arg8: memref<128x128xf32, #tpu.memory_space<vmem>>, %arg9: memref<1x128xf32, #tpu.memory_space<vmem>>, %arg10: memref<1x128xf32, #tpu.memory_space<vmem>>, %arg11: memref<128x128xf32, #tpu.memory_space<vmem>>, %arg12: memref<1x128xf32, #tpu.memory_space<vmem>>, %arg13: memref<3x256x128xf32, #tpu.memory_space<vmem>>, %arg14: memref<128x128xf32, #tpu.memory_space<vmem>>, %arg15: memref<1x128xf32, #tpu.memory_space<vmem>>, %arg16: memref<1024x128xf32, #tpu.memory_space<vmem>>) attributes {dimension_semantics = [#tpu.dimension_semantics<arbitrary>], iteration_bounds = array<i64: 10>, scalar_prefetch = 0 : i64, scratch_operands = 0 : i64, tpu.core_type = #tpu.core_type<tc>, window_params = [{transform_indices = @transform_0, window_bounds = array<i64: 2, 1024, 64>}, {transform_indices = @transform_1, window_bounds = array<i64: 1024, 16>}, {transform_indices = @transform_2, window_bounds = array<i64: 1024, 128>}, {pipeline_mode = #tpu.pipeline_mode<synchronous>, transform_indices = @transform_3, window_bounds = array<i64: 1, 128>}, {pipeline_mode = #tpu.pipeline_mode<synchronous>, transform_indices = @transform_4, window_bounds = array<i64: 128, 128>}, {pipeline_mode = #tpu.pipeline_mode<synchronous>, transform_indices = @transform_5, window_bounds = array<i64: 128, 128>}, {pipeline_mode = #tpu.pipeline_mode<synchronous>, transform_indices = @transform_6, window_bounds = array<i64: 1, 128>}, {pipeline_mode = #tpu.pipeline_mode<synchronous>, transform_indices = @transform_7, window_bounds = array<i64: 128, 128>}, {pipeline_mode = #tpu.pipeline_mode<synchronous>, transform_indices = @transform_8, window_bounds = array<i64: 1, 128>}, {pipeline_mode = #tpu.pipeline_mode<synchronous>, transform_indices = @transform_9, window_bounds = array<i64: 1, 128>}, {pipeline_mode = #tpu.pipeline_mode<synchronous>, transform_indices = @transform_10, window_bounds = array<i64: 128, 128>}, {pipeline_mode = #tpu.pipeline_mode<synchronous>, transform_indices = @transform_11, window_bounds = array<i64: 1, 128>}, {pipeline_mode = #tpu.pipeline_mode<synchronous>, transform_indices = @transform_12, window_bounds = array<i64: 3, 256, 128>}, {pipeline_mode = #tpu.pipeline_mode<synchronous>, transform_indices = @transform_13, window_bounds = array<i64: 128, 128>}, {pipeline_mode = #tpu.pipeline_mode<synchronous>, transform_indices = @transform_14, window_bounds = array<i64: 1, 128>}, {transform_indices = @transform_15, window_bounds = array<i64: 1024, 128>}]} {
    %get3A = arith.constant 0 : index
    %get3A_0 = arith.constant 0 : index
    %get3A_1 = vector.load %arg2[%get3A, %get3A_0] : memref<1024x16xf32, #tpu.memory_space<vmem>>, vector<1024x16xf32>
    %gt3A = arith.constant 0.000000e+00 : f32
    %gt3A_2 = vector.broadcast %gt3A : f32 to vector<1024x16xf32>
    %gt3A_3 = arith.cmpf ogt, %get3A_1, %gt3A_2 : vector<1024x16xf32>
    %max3A = arith.constant 1.000000e-30 : f32
    %max3A_4 = vector.broadcast %max3A : f32 to vector<1024x16xf32>
    %max3A_5 = arith.maximumf %get3A_1, %max3A_4 : vector<1024x16xf32>
    %rsqrt3A = math.rsqrt %max3A_5 : vector<1024x16xf32>
    %jit3A = arith.constant 0.000000e+00 : f32
    %broadcast_in_dim3A = vector.broadcast %jit3A : f32 to vector<1024x16xf32>
    %select_n3A = arith.select %gt3A_3, %rsqrt3A, %broadcast_in_dim3A : vector<1024x16xi1>, vector<1024x16xf32>
    %slice3A = vector.extract_strided_slice %select_n3A {offsets = [0, 0], sizes = [1024, 1], strides = [1, 1]} : vector<1024x16xf32> to vector<1024x1xf32>
    %get3A_6 = arith.constant 0 : index
    %get3A_7 = arith.constant 0 : index
    %get3A_8 = arith.constant 0 : index
    %get3A_9 = vector.load %arg1[%get3A_6, %get3A_7, %get3A_8] : memref<2x1024x64xf32, #tpu.memory_space<vmem>>, vector<2x1024x64xf32>
    %slice3A_10 = vector.extract_strided_slice %get3A_9 {offsets = [0, 0, 0], sizes = [1, 1024, 64], strides = [1, 1, 1]} : vector<2x1024x64xf32> to vector<1x1024x64xf32>
    %squeeze3A = vector.shape_cast %slice3A_10 : vector<1x1024x64xf32> to vector<1024x64xf32>
    %slice3A_11 = vector.extract_strided_slice %get3A_9 {offsets = [1, 0, 0], sizes = [1, 1024, 64], strides = [1, 1, 1]} : vector<2x1024x64xf32> to vector<1x1024x64xf32>
    %squeeze3A_12 = vector.shape_cast %slice3A_11 : vector<1x1024x64xf32> to vector<1024x64xf32>
    %concatenate3A = tpu.concatenate %squeeze3A, %squeeze3A_12 in 1 : vector<1024x64xf32>, vector<1024x64xf32> -> vector<1024x128xf32>
    %mul3A = vector.broadcast %slice3A : vector<1024x1xf32> to vector<1024x128xf32>
    %mul3A_13 = arith.mulf %mul3A, %concatenate3A : vector<1024x128xf32>
    %get3A_14 = arith.constant 0 : index
    %get3A_15 = arith.constant 0 : index
    %get3A_16 = vector.load %arg3[%get3A_14, %get3A_15] : memref<1024x128xf32, #tpu.memory_space<vmem>>, vector<1024x128xf32>
    %get3A_17 = arith.constant 0 : index
    %get3A_18 = arith.constant 0 : index
    %get3A_19 = vector.load %arg4[%get3A_17, %get3A_18] : memref<1x128xf32, #tpu.memory_space<vmem>>, vector<1x128xf32>
    %mul3A_20 = arith.constant 9.99999974E-5 : f32
    %mul3A_21 = vector.broadcast %mul3A_20 : f32 to vector<1x128xf32>
    %mul3A_22 = arith.mulf %get3A_19, %mul3A_21 : vector<1x128xf32>
    %get3A_23 = arith.constant 0 : index
    %get3A_24 = arith.constant 0 : index
    %get3A_25 = vector.load %arg6[%get3A_23, %get3A_24] : memref<128x128xf32, #tpu.memory_space<vmem>>, vector<128x128xf32>
    %dot_general3A = arith.constant dense<0.000000e+00> : vector<1x128xf32>
    %dot_general3A_26 = tpu.matmul %mul3A_22, %get3A_25, %dot_general3A {dimension_numbers = #tpu.dot_dimension_numbers<[1], [0], [0], [1], [0, 0, 1, 1], [], []>, transpose_lhs_hint = false} : vector<1x128xf32>, vector<128x128xf32>, vector<1x128xf32> -> vector<1x128xf32>
    %get3A_27 = arith.constant 0 : index
    %get3A_28 = arith.constant 0 : index
    %get3A_29 = vector.load %arg7[%get3A_27, %get3A_28] : memref<1x128xf32, #tpu.memory_space<vmem>>, vector<1x128xf32>
    %add3A = arith.addf %dot_general3A_26, %get3A_29 : vector<1x128xf32>
    %max3A_30 = arith.constant 0.000000e+00 : f32
    %max3A_31 = vector.broadcast %max3A_30 : f32 to vector<1x128xf32>
    %max3A_32 = arith.maximumf %add3A, %max3A_31 : vector<1x128xf32>
    %get3A_33 = arith.constant 0 : index
    %get3A_34 = arith.constant 0 : index
    %get3A_35 = vector.load %arg8[%get3A_33, %get3A_34] : memref<128x128xf32, #tpu.memory_space<vmem>>, vector<128x128xf32>
    %dot_general3A_36 = arith.constant dense<0.000000e+00> : vector<1x128xf32>
    %dot_general3A_37 = tpu.matmul %max3A_32, %get3A_35, %dot_general3A_36 {dimension_numbers = #tpu.dot_dimension_numbers<[1], [0], [0], [1], [0, 0, 1, 1], [], []>, transpose_lhs_hint = false} : vector<1x128xf32>, vector<128x128xf32>, vector<1x128xf32> -> vector<1x128xf32>
    %get3A_38 = arith.constant 0 : index
    %get3A_39 = arith.constant 0 : index
    %get3A_40 = vector.load %arg9[%get3A_38, %get3A_39] : memref<1x128xf32, #tpu.memory_space<vmem>>, vector<1x128xf32>
    %add3A_41 = arith.addf %dot_general3A_37, %get3A_40 : vector<1x128xf32>
    %get3A_42 = arith.constant 0 : index
    %get3A_43 = arith.constant 0 : index
    %get3A_44 = vector.load %arg10[%get3A_42, %get3A_43] : memref<1x128xf32, #tpu.memory_space<vmem>>, vector<1x128xf32>
    %logistic3A = arith.negf %get3A_44 : vector<1x128xf32>
    %logistic3A_45 = math.exp %logistic3A : vector<1x128xf32>
    %logistic3A_46 = arith.constant 1.000000e+00 : f32
    %logistic3A_47 = vector.broadcast %logistic3A_46 : f32 to vector<1x128xf32>
    %logistic3A_48 = arith.addf %logistic3A_47, %logistic3A_45 : vector<1x128xf32>
    %logistic3A_49 = arith.divf %logistic3A_47, %logistic3A_48 : vector<1x128xf32>
    %get3A_50 = arith.constant 0 : index
    %get3A_51 = arith.constant 0 : index
    %get3A_52 = vector.load %arg5[%get3A_50, %get3A_51] : memref<128x128xf32, #tpu.memory_space<vmem>>, vector<128x128xf32>
    %dot_general3A_53 = arith.constant dense<0.000000e+00> : vector<1024x128xf32>
    %dot_general3A_54 = tpu.matmul %mul3A_13, %get3A_52, %dot_general3A_53 {dimension_numbers = #tpu.dot_dimension_numbers<[1], [0], [0], [1], [0, 0, 1, 1], [], []>, transpose_lhs_hint = false} : vector<1024x128xf32>, vector<128x128xf32>, vector<1024x128xf32> -> vector<1024x128xf32>
    %mul3A_55 = vector.broadcast %logistic3A_49 : vector<1x128xf32> to vector<1024x128xf32>
    %mul3A_56 = arith.mulf %mul3A_55, %dot_general3A_54 : vector<1024x128xf32>
    %sub3A = arith.constant 1.000000e+00 : f32
    %sub3A_57 = vector.broadcast %sub3A : f32 to vector<1x128xf32>
    %sub3A_58 = arith.subf %sub3A_57, %logistic3A_49 : vector<1x128xf32>
    %mul3A_59 = arith.mulf %sub3A_58, %add3A_41 : vector<1x128xf32>
    %add3A_60 = vector.broadcast %mul3A_59 : vector<1x128xf32> to vector<1024x128xf32>
    %add3A_61 = arith.addf %mul3A_56, %add3A_60 : vector<1024x128xf32>
    %get3A_62 = arith.constant 0 : index
    %get3A_63 = arith.constant 0 : index
    %get3A_64 = vector.load %arg11[%get3A_62, %get3A_63] : memref<128x128xf32, #tpu.memory_space<vmem>>, vector<128x128xf32>
    %dot_general3A_65 = arith.constant dense<0.000000e+00> : vector<1024x128xf32>
    %dot_general3A_66 = tpu.matmul %add3A_61, %get3A_64, %dot_general3A_65 {dimension_numbers = #tpu.dot_dimension_numbers<[1], [0], [0], [1], [0, 0, 1, 1], [], []>, transpose_lhs_hint = false} : vector<1024x128xf32>, vector<128x128xf32>, vector<1024x128xf32> -> vector<1024x128xf32>
    %get3A_67 = arith.constant 0 : index
    %get3A_68 = arith.constant 0 : index
    %get3A_69 = vector.load %arg12[%get3A_67, %get3A_68] : memref<1x128xf32, #tpu.memory_space<vmem>>, vector<1x128xf32>
    %add3A_70 = vector.broadcast %get3A_69 : vector<1x128xf32> to vector<1024x128xf32>
    %add3A_71 = arith.addf %dot_general3A_66, %add3A_70 : vector<1024x128xf32>
    %reduce_max3A = arith.constant dense<0xFF800000> : vector<1024xf32>
    %reduce_max3A_72 = vector.multi_reduction <maximumf>, %add3A_71, %reduce_max3A [1] : vector<1024x128xf32> to vector<1024xf32>
    %broadcast_in_dim3A_73 = vector.shape_cast %reduce_max3A_72 : vector<1024xf32> to vector<1024x1xf32>
    %sub3A_74 = vector.broadcast %broadcast_in_dim3A_73 : vector<1024x1xf32> to vector<1024x128xf32>
    %sub3A_75 = arith.subf %add3A_71, %sub3A_74 : vector<1024x128xf32>
    %exp3A = math.exp %sub3A_75 : vector<1024x128xf32>
    %reduce_sum3A = arith.constant dense<0.000000e+00> : vector<1024xf32>
    %reduce_sum3A_76 = vector.multi_reduction <add>, %exp3A, %reduce_sum3A [1] : vector<1024x128xf32> to vector<1024xf32>
    %broadcast_in_dim3A_77 = vector.shape_cast %reduce_sum3A_76 : vector<1024xf32> to vector<1024x1xf32>
    %div3A = vector.broadcast %broadcast_in_dim3A_77 : vector<1024x1xf32> to vector<1024x128xf32>
    %div3A_78 = arith.divf %exp3A, %div3A : vector<1024x128xf32>
    %get3A_79 = arith.constant 0 : index
    %get3A_80 = arith.constant 0 : index
    %get3A_81 = arith.constant 0 : index
    %get3A_82 = vector.load %arg13[%get3A_79, %get3A_80, %get3A_81] : memref<3x256x128xf32, #tpu.memory_space<vmem>>, vector<3x256x128xf32>
    %slice3A_83 = vector.extract_strided_slice %get3A_82 {offsets = [0, 0, 0], sizes = [1, 128, 128], strides = [1, 1, 1]} : vector<3x256x128xf32> to vector<1x128x128xf32>
    %squeeze3A_84 = vector.shape_cast %slice3A_83 : vector<1x128x128xf32> to vector<128x128xf32>
    %dot_general3A_85 = arith.constant dense<0.000000e+00> : vector<1024x128xf32>
    %dot_general3A_86 = tpu.matmul %mul3A_13, %squeeze3A_84, %dot_general3A_85 {dimension_numbers = #tpu.dot_dimension_numbers<[1], [0], [0], [1], [0, 0, 1, 1], [], []>, transpose_lhs_hint = false} : vector<1024x128xf32>, vector<128x128xf32>, vector<1024x128xf32> -> vector<1024x128xf32>
    %slice3A_87 = vector.extract_strided_slice %get3A_82 {offsets = [0, 128, 0], sizes = [1, 128, 128], strides = [1, 1, 1]} : vector<3x256x128xf32> to vector<1x128x128xf32>
    %squeeze3A_88 = vector.shape_cast %slice3A_87 : vector<1x128x128xf32> to vector<128x128xf32>
    %dot_general3A_89 = arith.constant dense<0.000000e+00> : vector<1024x128xf32>
    %dot_general3A_90 = tpu.matmul %get3A_16, %squeeze3A_88, %dot_general3A_89 {dimension_numbers = #tpu.dot_dimension_numbers<[1], [0], [0], [1], [0, 0, 1, 1], [], []>, transpose_lhs_hint = false} : vector<1024x128xf32>, vector<128x128xf32>, vector<1024x128xf32> -> vector<1024x128xf32>
    %add3A_91 = arith.addf %dot_general3A_86, %dot_general3A_90 : vector<1024x128xf32>
    %slice3A_92 = vector.extract_strided_slice %div3A_78 {offsets = [0, 0], sizes = [1024, 1], strides = [1, 1]} : vector<1024x128xf32> to vector<1024x1xf32>
    %mul3A_93 = vector.broadcast %slice3A_92 : vector<1024x1xf32> to vector<1024x128xf32>
    %mul3A_94 = arith.mulf %mul3A_93, %add3A_91 : vector<1024x128xf32>
    %add3A_95 = arith.addf %get3A_16, %mul3A_94 : vector<1024x128xf32>
    %slice3A_96 = vector.extract_strided_slice %get3A_82 {offsets = [1, 0, 0], sizes = [1, 128, 128], strides = [1, 1, 1]} : vector<3x256x128xf32> to vector<1x128x128xf32>
    %squeeze3A_97 = vector.shape_cast %slice3A_96 : vector<1x128x128xf32> to vector<128x128xf32>
    %dot_general3A_98 = arith.constant dense<0.000000e+00> : vector<1024x128xf32>
    %dot_general3A_99 = tpu.matmul %mul3A_13, %squeeze3A_97, %dot_general3A_98 {dimension_numbers = #tpu.dot_dimension_numbers<[1], [0], [0], [1], [0, 0, 1, 1], [], []>, transpose_lhs_hint = false} : vector<1024x128xf32>, vector<128x128xf32>, vector<1024x128xf32> -> vector<1024x128xf32>
    %slice3A_100 = vector.extract_strided_slice %get3A_82 {offsets = [1, 128, 0], sizes = [1, 128, 128], strides = [1, 1, 1]} : vector<3x256x128xf32> to vector<1x128x128xf32>
    %squeeze3A_101 = vector.shape_cast %slice3A_100 : vector<1x128x128xf32> to vector<128x128xf32>
    %dot_general3A_102 = arith.constant dense<0.000000e+00> : vector<1024x128xf32>
    %dot_general3A_103 = tpu.matmul %get3A_16, %squeeze3A_101, %dot_general3A_102 {dimension_numbers = #tpu.dot_dimension_numbers<[1], [0], [0], [1], [0, 0, 1, 1], [], []>, transpose_lhs_hint = false} : vector<1024x128xf32>, vector<128x128xf32>, vector<1024x128xf32> -> vector<1024x128xf32>
    %add3A_104 = arith.addf %dot_general3A_99, %dot_general3A_103 : vector<1024x128xf32>
    %slice3A_105 = vector.extract_strided_slice %div3A_78 {offsets = [0, 1], sizes = [1024, 1], strides = [1, 1]} : vector<1024x128xf32> to vector<1024x1xf32>
    %mul3A_106 = vector.broadcast %slice3A_105 : vector<1024x1xf32> to vector<1024x128xf32>
    %mul3A_107 = arith.mulf %mul3A_106, %add3A_104 : vector<1024x128xf32>
    %add3A_108 = arith.addf %add3A_95, %mul3A_107 : vector<1024x128xf32>
    %slice3A_109 = vector.extract_strided_slice %get3A_82 {offsets = [2, 0, 0], sizes = [1, 128, 128], strides = [1, 1, 1]} : vector<3x256x128xf32> to vector<1x128x128xf32>
    %squeeze3A_110 = vector.shape_cast %slice3A_109 : vector<1x128x128xf32> to vector<128x128xf32>
    %dot_general3A_111 = arith.constant dense<0.000000e+00> : vector<1024x128xf32>
    %dot_general3A_112 = tpu.matmul %mul3A_13, %squeeze3A_110, %dot_general3A_111 {dimension_numbers = #tpu.dot_dimension_numbers<[1], [0], [0], [1], [0, 0, 1, 1], [], []>, transpose_lhs_hint = false} : vector<1024x128xf32>, vector<128x128xf32>, vector<1024x128xf32> -> vector<1024x128xf32>
    %slice3A_113 = vector.extract_strided_slice %get3A_82 {offsets = [2, 128, 0], sizes = [1, 128, 128], strides = [1, 1, 1]} : vector<3x256x128xf32> to vector<1x128x128xf32>
    %squeeze3A_114 = vector.shape_cast %slice3A_113 : vector<1x128x128xf32> to vector<128x128xf32>
    %dot_general3A_115 = arith.constant dense<0.000000e+00> : vector<1024x128xf32>
    %dot_general3A_116 = tpu.matmul %get3A_16, %squeeze3A_114, %dot_general3A_115 {dimension_numbers = #tpu.dot_dimension_numbers<[1], [0], [0], [1], [0, 0, 1, 1], [], []>, transpose_lhs_hint = false} : vector<1024x128xf32>, vector<128x128xf32>, vector<1024x128xf32> -> vector<1024x128xf32>
    %add3A_117 = arith.addf %dot_general3A_112, %dot_general3A_116 : vector<1024x128xf32>
    %slice3A_118 = vector.extract_strided_slice %div3A_78 {offsets = [0, 2], sizes = [1024, 1], strides = [1, 1]} : vector<1024x128xf32> to vector<1024x1xf32>
    %mul3A_119 = vector.broadcast %slice3A_118 : vector<1024x1xf32> to vector<1024x128xf32>
    %mul3A_120 = arith.mulf %mul3A_119, %add3A_117 : vector<1024x128xf32>
    %add3A_121 = arith.addf %add3A_108, %mul3A_120 : vector<1024x128xf32>
    %max3A_122 = arith.constant 0.000000e+00 : f32
    %max3A_123 = vector.broadcast %max3A_122 : f32 to vector<1024x128xf32>
    %max3A_124 = arith.maximumf %add3A_121, %max3A_123 : vector<1024x128xf32>
    %get3A_125 = arith.constant 0 : index
    %get3A_126 = arith.constant 0 : index
    %get3A_127 = vector.load %arg14[%get3A_125, %get3A_126] : memref<128x128xf32, #tpu.memory_space<vmem>>, vector<128x128xf32>
    %dot_general3A_128 = arith.constant dense<0.000000e+00> : vector<1024x128xf32>
    %dot_general3A_129 = tpu.matmul %max3A_124, %get3A_127, %dot_general3A_128 {dimension_numbers = #tpu.dot_dimension_numbers<[1], [0], [0], [1], [0, 0, 1, 1], [], []>, transpose_lhs_hint = false} : vector<1024x128xf32>, vector<128x128xf32>, vector<1024x128xf32> -> vector<1024x128xf32>
    %get3A_130 = arith.constant 0 : index
    %get3A_131 = arith.constant 0 : index
    %get3A_132 = vector.load %arg15[%get3A_130, %get3A_131] : memref<1x128xf32, #tpu.memory_space<vmem>>, vector<1x128xf32>
    %add3A_133 = vector.broadcast %get3A_132 : vector<1x128xf32> to vector<1024x128xf32>
    %add3A_134 = arith.addf %dot_general3A_129, %add3A_133 : vector<1024x128xf32>
    %swap3A = arith.constant 0 : index
    %swap3A_135 = arith.constant 0 : index
    %swap3A_136 = vector.load %arg16[%swap3A, %swap3A_135] : memref<1024x128xf32, #tpu.memory_space<vmem>>, vector<1024x128xf32>
    tpu.vector_store %arg16[%swap3A, %swap3A_135], %add3A_134 {strides = array<i32>} : memref<1024x128xf32, #tpu.memory_space<vmem>>, vector<1024x128xf32>,
    return
  }
  func.func @transform_0(%arg0: i32) -> (i32, i32, i32) {
    %c0_i32 = arith.constant 0 : i32
    %c0_i32_0 = arith.constant 0 : i32
    %c0_i32_1 = arith.constant 0 : i32
    return %c0_i32, %arg0, %c0_i32_0 : i32, i32, i32
  }
  func.func @transform_1(%arg0: i32) -> (i32, i32) {
    %c0_i32 = arith.constant 0 : i32
    %c0_i32_0 = arith.constant 0 : i32
    return %arg0, %c0_i32 : i32, i32
  }
  func.func @transform_2(%arg0: i32) -> (i32, i32) {
    %c0_i32 = arith.constant 0 : i32
    %c0_i32_0 = arith.constant 0 : i32
    return %arg0, %c0_i32 : i32, i32
  }
  func.func @transform_3(%arg0: i32) -> (i32, i32) {
    %c0_i32 = arith.constant 0 : i32
    %c0_i32_0 = arith.constant 0 : i32
    %c0_i32_1 = arith.constant 0 : i32
    return %c0_i32, %c0_i32_0 : i32, i32
  }
  func.func @transform_4(%arg0: i32) -> (i32, i32) {
    %c0_i32 = arith.constant 0 : i32
    %c0_i32_0 = arith.constant 0 : i32
    %c0_i32_1 = arith.constant 0 : i32
    return %c0_i32, %c0_i32_0 : i32, i32
  }
  func.func @transform_5(%arg0: i32) -> (i32, i32) {
    %c0_i32 = arith.constant 0 : i32
    %c0_i32_0 = arith.constant 0 : i32
    %c0_i32_1 = arith.constant 0 : i32
    return %c0_i32, %c0_i32_0 : i32, i32
  }
  func.func @transform_6(%arg0: i32) -> (i32, i32) {
    %c0_i32 = arith.constant 0 : i32
    %c0_i32_0 = arith.constant 0 : i32
    %c0_i32_1 = arith.constant 0 : i32
    return %c0_i32, %c0_i32_0 : i32, i32
  }
  func.func @transform_7(%arg0: i32) -> (i32, i32) {
    %c0_i32 = arith.constant 0 : i32
    %c0_i32_0 = arith.constant 0 : i32
    %c0_i32_1 = arith.constant 0 : i32
    return %c0_i32, %c0_i32_0 : i32, i32
  }
  func.func @transform_8(%arg0: i32) -> (i32, i32) {
    %c0_i32 = arith.constant 0 : i32
    %c0_i32_0 = arith.constant 0 : i32
    %c0_i32_1 = arith.constant 0 : i32
    return %c0_i32, %c0_i32_0 : i32, i32
  }
  func.func @transform_9(%arg0: i32) -> (i32, i32) {
    %c0_i32 = arith.constant 0 : i32
    %c0_i32_0 = arith.constant 0 : i32
    %c0_i32_1 = arith.constant 0 : i32
    return %c0_i32, %c0_i32_0 : i32, i32
  }
  func.func @transform_10(%arg0: i32) -> (i32, i32) {
    %c0_i32 = arith.constant 0 : i32
    %c0_i32_0 = arith.constant 0 : i32
    %c0_i32_1 = arith.constant 0 : i32
    return %c0_i32, %c0_i32_0 : i32, i32
  }
  func.func @transform_11(%arg0: i32) -> (i32, i32) {
    %c0_i32 = arith.constant 0 : i32
    %c0_i32_0 = arith.constant 0 : i32
    %c0_i32_1 = arith.constant 0 : i32
    return %c0_i32, %c0_i32_0 : i32, i32
  }
  func.func @transform_12(%arg0: i32) -> (i32, i32, i32) {
    %c0_i32 = arith.constant 0 : i32
    %c0_i32_0 = arith.constant 0 : i32
    %c0_i32_1 = arith.constant 0 : i32
    %c0_i32_2 = arith.constant 0 : i32
    return %c0_i32, %c0_i32_0, %c0_i32_1 : i32, i32, i32
  }
  func.func @transform_13(%arg0: i32) -> (i32, i32) {
    %c0_i32 = arith.constant 0 : i32
    %c0_i32_0 = arith.constant 0 : i32
    %c0_i32_1 = arith.constant 0 : i32
    return %c0_i32, %c0_i32_0 : i32, i32
  }
  func.func @transform_14(%arg0: i32) -> (i32, i32) {
    %c0_i32 = arith.constant 0 : i32
    %c0_i32_0 = arith.constant 0 : i32
    %c0_i32_1 = arith.constant 0 : i32
    return %c0_i32, %c0_i32_0 : i32, i32
  }
  func.func @transform_15(%arg0: i32) -> (i32, i32) {
    %c0_i32 = arith.constant 0 : i32
    %c0_i32_0 = arith.constant 0 : i32
    return %arg0, %c0_i32 : i32, i32
  }
}

</mosaic_0001>

<sc_bundles>
// kernel: kernel.11.cloned.1.call-start
scs
__scs_entry_jumppad:
0x0: {  	(pc) =	sbr.rel $0x88, $3  }
0x1: {  	(tag) =	ssettag $0x0;
	lr =	simm.s32 $0x1  }
0x2: {  	[smem:$0x3F92] =	sst lr;
	_ =	strace $0xD0000000  }
0x3: {  	_ = 	snop  }
0x4: {  	_ = 	snop  }
0x5: {  	_ = 	snop  }
0x6: {  	_ = 	snop  }
0x7: {  	_ = 	snop  }
__scs_overlays_trampoline_lowered:
0x8: {  	[smem:$0x3FA1] =	sst s0  }
0x9: {  	[smem:$0x3FA2] =	sst s1  }
0xa: {  	[smem:$0x3FA3] =	sst s2  }
0xb: {  	[smem:$0x3FA4] =	sst s3  }
0xc: {  	[smem:$0x3FA5] =	sst s4  }
0xd: {  	[smem:$0x3FA6] =	sst s5  }
0xe: {  	[smem:$0x3FA7] =	sst s6  }
0xf: {  	[smem:$0x3FA8] =	sst s7  }
0x10: {  	[smem:$0x3FA9] =	sst s8  }
0x11: {  	[smem:$0x3FAA] =	sst s9;
	s0 =	simm.s32 @!p0 $0x0  }
0x12: {  	s1 =	sld [smem:$0x3F90];
	s0 =	simm.s32 @p0 $0x1  }
0x13: {  	[smem:$0x3FAB] =	sst s0;
	s0 =	simm.s32 @!p1 $0x0  }
0x14: {  	s2 =	sld [smem:$0x3F8F];
	s0 =	simm.s32 @p1 $0x1  }
0x15: {  	[smem:$0x3FAC] =	sst s0;
	s0 =	simm.s32 @!p2 $0x0  }
0x16: {  	s3 =	sld [smem:$0x3FDB];
	s0 =	simm.s32 @p2 $0x1  }
0x17: {  	s4 =	simm.s32 $0x1BF5;
	[smem:$0x3FAE] =	sst s0  }
0x18: {  	s0 =	sld [smem:$0x3F91];
	_ =	swait.ge [sflag:s4], $0x0  }
0x19: {  	s7 =	sld [smem:$0x3F92]  }
0x1a: {  	s8 =	sadd.s32 $0xFFFFE003, lr  }
0x1b: {  	s9 =	sadd.s32 $0xFFFFFEF7, lr;
	s5 =	simm.s32 $0xFFFFFFFF;
	p2 =	slt.u32 s8, $0xFFFFF086  }
0x1c: {  	p1 =	slt.u32 s9, $0xF7A;
	s5 =	simm.s32 @!p2 $0x0  }
0x1d: {  	s5 =	simm.s32 @p1 $0x1;
	p0 =	seq.s32 s7, s2  }
0x1e: {  	s7 =	smul.u32 @!p0 $0xF7A, s2;
	p2 =	seq.s32 @!p0 s5, $0x0  }
0x1f: {  	s9 =	smul.u32 $0xF7A, s1;
	s8 =	simm.s32 @!p0 $0x1BF5;
	p2 =	por !p2, p0  }
0x20: {  	[sflag:s8] =	ssyncset.s32 @!p0 $0xFFFFF086;
	s6 =	sadd.s32 @!p0 s3, s7;
	s7 =	simm.s32 @!p0 $0x108  }
0x21: {  	s3 =	sadd.s32 s3, s9;
	s6 =	sadd.s32 @!p0 $0x88, s6;
	s7 =	simm.s32 @p2 $0x1082  }
0x22: {  	[simem:s7], [sflag:s8] =	dma.local @!p0 [hbm:s6], $0xF7A  }
0x23: {  	s9 =	sor.u32 $0xD0000000, s2;
	s6 =	simm.s32 $0x108;
	_ =	swait.ge @!p0 [sflag:s8], $0x0  }
0x24: {  	s3 =	sadd.s32 $0x88, s3;
	s6 =	simm.s32 @!p1 $0x1082;
	[sflag:s4] =	ssyncset.s32 $0xFFFFF086  }
0x25: {  	[simem:s6], [sflag:s4] =	dma.local [hbm:s3], $0xF7A  }
0x26: {  	[smem:$0x3F92] =	sst s1;
	(tag) =	ssettag s2;
	_ =	strace s9  }
0x27: {  	s1 =	sld [smem:$0x3FA2]  }
0x28: {  	s2 =	sld [smem:$0x3FA3]  }
0x29: {  	s4 =	sld [smem:$0x3FA5]  }
0x2a: {  	p0 =	seq.s32 s5, $0x0;
	s5 =	sld [smem:$0x3FA6]  }
0x2b: {  	s6 =	sld [smem:$0x3FA7]  }
0x2c: {  	s7 =	sld [smem:$0x3FA8]  }
0x2d: {  	s3 =	simm.s32 $0x108;
	s8 =	sld [smem:$0x3FA9]  }
0x2e: {  	s3 =	simm.s32 @!p0 $0x1082;
	s9 =	sld [smem:$0x3FAA]  }
0x2f: {  	lr =	sadd.s32 s0, s3;
	s0 =	sld [smem:$0x3FA1]  }
0x30: {  	s3 =	sld [smem:$0x3FA4]  }
0x31: {  	[smem:$0x3FAD] =	sst s10  }
0x32: {  	s10 =	sld [smem:$0x3FAB];
	_ =	sdelay $0x3  }
0x33: {  	p0 =	seq.s32 s10, $0x1;
	s10 =	sld [smem:$0x3FAD];
	_ =	sdelay $0x3  }
0x34: {  	[smem:$0x3FAD] =	sst s10  }
0x35: {  	s10 =	sld [smem:$0x3FAC];
	_ =	sdelay $0x3  }
0x36: {  	p1 =	seq.s32 s10, $0x1;
	s10 =	sld [smem:$0x3FAD];
	_ =	sdelay $0x3  }
0x37: {  	[smem:$0x3FAD] =	sst s10  }
0x38: {  	s10 =	sld [smem:$0x3FAE]  }
0x39: {  	_ = 	snop;
	(pc) =	sbr.ind lr, $3  }
0x3a: {  	_ = 	snop  }
0x3b: {  	_ = 	snop  }
0x3c: {  	p2 =	seq.s32 s10, $0x1;
	s10 =	sld [smem:$0x3FAD]  }
0x3d: {  	_ =	shalt  }
0x3e: {  	_ =	shalt  }
0x3f: {  	_ =	shalt  }
0x40: {  	_ =	shalt  }
0x41: {  	_ =	shalt  }
0x42: {  	_ =	shalt  }
0x43: {  	_ =	shalt  }
0x44: {  	_ =	shalt  }
0x45: {  	_ =	shalt  }
0x46: {  	_ =	shalt  }
0x47: {  	_ =	shalt  }
0x48: {  	_ =	shalt  }
0x49: {  	_ =	shalt  }
0x4a: {  	_ =	shalt  }
0x4b: {  	_ =	shalt  }
0x4c: {  	_ =	shalt  }
0x4d: {  	_ =	shalt  }
0x4e: {  	_ =	shalt  }
0x4f: {  	_ =	shalt  }
0x50: {  	_ =	shalt  }
0x51: {  	_ =	shalt  }
0x52: {  	_ =	shalt  }
0x53: {  	_ =	shalt  }
0x54: {  	_ =	shalt  }
0x55: {  	_ =	shalt  }
0x56: {  	_ =	shalt  }
0x57: {  	_ =	shalt  }
0x58: {  	_ =	shalt  }
0x59: {  	_ =	shalt  }
0x5a: {  	_ =	shalt  }
0x5b: {  	_ =	shalt  }
0x5c: {  	_ =	shalt  }
0x5d: {  	_ =	shalt  }
0x5e: {  	_ =	shalt  }
0x5f: {  	_ =	shalt  }
0x60: {  	_ =	shalt  }
0x61: {  	_ =	shalt  }
0x62: {  	_ =	shalt  }
0x63: {  	_ =	shalt  }
0x64: {  	_ =	shalt  }
0x65: {  	_ =	shalt  }
0x66: {  	_ =	shalt  }
0x67: {  	_ =	shalt  }
0x68: {  	_ =	shalt  }
0x69: {  	_ =	shalt  }
0x6a: {  	_ =	shalt  }
0x6b: {  	_ =	shalt  }
0x6c: {  	_ =	shalt  }
0x6d: {  	_ =	shalt  }
0x6e: {  	_ =	shalt  }
0x6f: {  	_ =	shalt  }
0x70: {  	_ =	shalt  }
0x71: {  	_ =	shalt  }
0x72: {  	_ =	shalt  }
0x73: {  	_ =	shalt  }
0x74: {  	_ =	shalt  }
0x75: {  	_ =	shalt  }
0x76: {  	_ =	shalt  }
0x77: {  	_ =	shalt  }
0x78: {  	_ =	shalt  }
0x79: {  	_ =	shalt  }
0x7a: {  	_ =	shalt  }
0x7b: {  	_ =	shalt  }
0x7c: {  	_ =	shalt  }
0x7d: {  	_ =	shalt  }
0x7e: {  	_ =	shalt  }
0x7f: {  	_ =	shalt  }
0x80: {  	_ =	shalt  }
0x81: {  	_ =	shalt  }
0x82: {  	_ =	shalt  }
0x83: {  	_ =	shalt  }
0x84: {  	_ =	shalt  }
0x85: {  	_ =	shalt  }
0x86: {  	_ =	shalt  }
0x87: {  	_ =	shalt  }
.Lfunc_end0:
.L_simem_size_0:
called_computation.1_lowered:
.L_overlay_start_0:
0x88: {  	s2 =	sld [smem:$0x3FD9]  }
0x89: {  	s3 =	sld [smem:$0x3FFE];
	_ =	sdelay $0x1  }
0x8a: {  	s1 =	srdreg.scid  }
0x8b: {  	s0 =	sand.u32 $0x1, s1  }
0x8c: {  	s17 =	sshll.u32 s0, $0xA;
	s2 =	sadd.s32 s3, s2  }
0x8d: {  	s2 =	sadd.s32 s2, s17  }
0x8e: {  	[smem:$0x3FB9] =	sst s2  }
0x8f: {  	_ = 	snop  }
0x90: {  	s2 =	sld [smem:$0x3FD0];
	(tm) =	ssettm $0x1  }
0x91: {  	s18 =	sld [smem:$0x3FFB];
	_ =	sdelay $0x3  }
0x92: {  	_ =	strace s18  }
0x93: {  	s3 =	sld [smem:$0x3FFC];
	_ =	sdelay $0x3  }
0x94: {  	_ =	strace s3  }
0x95: {  	s3 =	sld [smem:$0x3FFD];
	_ =	sdelay $0x3  }
0x96: {  	_ =	strace s3  }
0x97: {  	_ =	strace $0x8FFFFFFF  }
0x98: {  	s19 =	sld [smem:$0x3FDB];
	_ =	sdelay $0x1  }
0x99: {  	s4 =	simm.s32 $_scs_section_size  }
0x9a: {  	s5 =	simm.s32 $_size__tile_overlayer_lowered;
	s6 =	simm.s32 $_tile_overlayer_lowered  }
0x9b: {  	s22 =	simm.s32 $0x1BFF;
	s21 =	sshll.u32 s6, $0x1;
	s3 =	sadd.s32 s4, s19  }
0x9c: {  	s7 =	simm.s32 $0x0;
	s20 =	sshll.u32 s5, $0x1;
	s5 =	sadd.s32 s21, s3  }
0x9d: {  	[timem:s7], [sflag:s22] =	dma.local [hbm:s5], s20  }
0x9e: {  	_ =	swait.ge [sflag:s22], s20  }
0x9f: {  	s4 =	ssub.s32 $0x0, s20;
	[sflag:s22] =	ssyncset.done $0x0  }
0xa0: {  	[sflag:s22] =	ssyncadd.s32 s4;
	_ =	sdelay $0x1  }
0xa1: {  	s23 =	simm.s32 $0x1B8B  }
0xa2: {  	_ =	swait.ge [sflag:s23], $0x1  }
0xa3: {  	[sflag:s23] =	ssyncset.done $0x0  }
0xa4: {  	s25 =	simm.s32 $0x1B8E;
	s24 =	sld [smem:$0x3FFE];
	[sflag:s23] =	ssyncadd.s32 $0xFFFFFFFF  }
0xa5: {  	s26 =	simm.s32 $execute0_lowered;
	[smem:$0x3FD2] =	sst s25  }
0xa6: {  	s5 =	sshll.u32 s26, $0x1;
	_ =	strace $0x80000049;
	[dreg:$0x1] =	wrdreg $0xFFFFFFFF  }
0xa7: {  	s28 =	simm.s32 $_size_execute0_lowered;
	s3 =	sadd.s32 s3, s5;
	[dreg:$0x0] =	wrdreg $0x0  }
0xa8: {  	s5 =	sshll.u32 s28, $0x1;
	[dreg:$0x2] =	wrdreg s3  }
0xa9: {  	[dreg:$0x3] =	wrdreg s5  }
0xaa: {  	[dreg:$0x4] =	wrdreg $0xC0  }
0xab: {  	_ =	task [dreg:s7], $0x5FFFF  }
0xac: {  	[dreg:$0x1] =	wrdreg $0xFFFFFFFF  }
0xad: {  	[dreg:$0x0] =	wrdreg $0x60  }
0xae: {  	[dreg:$0x2] =	wrdreg s24  }
0xaf: {  	[dreg:$0x3] =	wrdreg s2  }
0xb0: {  	[dreg:$0x4] =	wrdreg $0x120000  }
0xb1: {  	[dreg:$0x5] =	wrdreg $0x9  }
0xb2: {  	_ =	task.clear_ibuf [dreg:s7], $0x6FFFF;
	_ =	strace $0x90000049  }
0xb3: {  	s29 =	simm.s32 $0x9;
	_ =	strace $0x8000004B  }
0xb4: {  	_ =	swait.ge [sflag:s29], $0x1  }
0xb5: {  	[sflag:s29] =	ssyncadd.s32 $0xFFFFFFFF  }
0xb6: {  	_ =	strace $0x9000004B  }
0xb7: {  	_ =	sfence  }
0xb8: {  	s30 =	sld [smem:$0x0];
	_ =	sdelay $0x2  }
0xb9: {  	s31 =	sshll.u32 s1, $0xD;
	s1 =	sshrl.u32 s1, $0x2  }
0xba: {  	s3 =	sand.u32 $0x4000, s31;
	s1 =	sadd.s32 s1, s30  }
0xbb: {  	s0 =	sor.u32 s3, s0;
	s1 =	sshll.u32 s1, $0x11  }
0xbc: {  	s0 =	sor.u32 s1, s0  }
0xbd: {  	s0 =	sadd.s32 $0x8F2B, s0  }
0xbe: {  	[sflag:s0] =	ssyncadd.remote.s32 $0x1  }
0xbf: {  	_ =	sfence.sel $0xFFFF  }
0xc0: {  	[dreg:$0x0] =	wrdreg $0xFFFFFFFF;
	(pc) =	sbr.abs _section_cstart, $3  }
0xc1: {  	[dreg:$0x1] =	wrdreg $0xFFFFFFFF  }
0xc2: {  	_ =	task.clear_ibuf [dreg:s7], $0x2FFFF;
	_ =	strace $0x9FFFFFFF  }
0xc3: {  	(tm) =	ssettm $0x7FFFFFFF  }
tec
execute0_lowered:
.L_overlay_start_1:
0x0: {  	(tag) =	ssettag $0x1  }
0x1: {  	s0 =	rddreg [dreg:$0x0]  }
0x2: {  	s1 =	rddreg [dreg:$0x1]  }
0x3: {  	s2 =	rddreg [dreg:$0x2]  }
0x4: {  	s13 =	stileid.u32;
	s4 =	srdreg.scid  }
0x5: {  	s3 =	simm.s32 $0x0;
	s14 =	simm.s32 $0x80;
	s15 =	simm.s32 $0xA000  }
0x6: {  	s16 =	simm.s32 $0xC000;
	s18 =	simm.s32 $0xE000;
	s20 =	simm.s32 $0x10000  }
0x7: {  	s21 =	simm.s32 $0x1;
	s22 =	simm.s32 $0x2;
	s23 =	simm.s32 $0x3  }
0x8: {  	s24 =	simm.s32 $0x4;
	s25 =	simm.s32 $0x5;
	s28 =	simm.s32 $0x7  }
0x9: {  	s29 =	simm.s32 $0x8;
	s31 =	simm.s32 $0x9E80;
	s5 =	smul.u32 $0x5000, s13  }
0xa: {  	s6 =	smul.u32 $0xA000, s13;
	s7 =	sand.u32 $0x1, s4;
	[smem:$0x7FF] =	sst s3  }
0xb: {  	s4 =	sadd.s32 $0x5D000, s0;
	s30 =	sshll.u32 s13, $0x6;
	s13 =	simm.s32 $0x0  }
0xc: {  	s9 =	smul.u32 $0xA0000, s7;
	_ =	strace $0x8000004A;
	s11 =	ssub.s32 $0x2, s7  }
0xd: {  	s7 =	smul.u32 $0x50000, s7;
	s8 =	sshrl.u32 s5, $0x3;
	s10 =	sshrl.u32 s6, $0x3  }
0xe: {  	s12 =	sshrl.u32 s11, $0x1;
	s26 =	sadd.s32 s6, s2;
	s8 =	sadd.s32 s8, s0  }
0xf: {  	s9 =	sadd.s32 s6, s9;
	s10 =	sadd.s32 s10, s0;
	s11 =	ssub.s32 s11, s12  }
0x10: {  	s7 =	sadd.s32 s5, s7;
	s6 =	sor.u32 $0x1C09, s30;
	s12 =	simm.s32 $0x9  }
0x11: {  	s9 =	sshrl.u32 s9, $0x3;
	s5 =	sadd.s32 $0xD000, s10;
	s7 =	sshrl.u32 s7, $0x3  }
0x12: {  	s8 =	sadd.s32 $0x3000, s8;
	s10 =	smax.u32 s11, $0x1;
	s11 =	sshrl.u32 s26, $0x3  }
0x13: {  	s26 =	simm.s32 $0x6;
	s0 =	sadd.s32 s9, s0;
	s7 =	sadd.s32 s1, s7  }
0x14: {  	s1 =	simm.s32 $0x9F80;
	s9 =	sadd.s32 $0x21000, s0;
	s0 =	simm.s32 $0x9F00  }
.LBB2_1:
0x15: {  	[spmem:s11], [sflag:s6] =	dma.local [hbm:s5], $0x1400  }
0x16: {  	_ =	swait.ge [sflag:s12], $0x1400  }
0x17: {  	[sflag:s12] =	ssyncset.done $0x0  }
0x18: {  	[sflag:s12] =	ssyncadd.s32 $0xFFFFEC00  }
0x19: {  	[tilespmem:s3], [sflag:$0x9] =	stream.linear.gather [hbm4b:s7+s3], $0x5000, $0x38;
	[tilespmem:$0x1C000] =	vst v63  }
0x1a: {  	_ =	swait.ge [sflag:s12], $0x5000  }
0x1b: {  	[sflag:s12] =	ssyncset.done $0x0  }
0x1c: {  	s17 =	simm.s32 $0x5000;
	[sflag:s12] =	ssyncadd.s32 $0xFFFFB000  }
0x1d: {  	[tilespmem:s17], [sflag:$0x9] =	stream.linear.gather [hbm4b:s8+s3], $0x5000, $0x38;
	[tilespmem:$0x1C000] =	vst v63  }
0x1e: {  	_ =	swait.ge [sflag:s12], $0x5000  }
0x1f: {  	[sflag:s12] =	ssyncset.done $0x0  }
0x20: {  	[sflag:s12] =	ssyncadd.s32 $0xFFFFB000  }
0x21: {  	[bflag:$0x0] =	sbarrier.arrive $0xFFFF  }
0x22: {  	[tilespmem:s15], [sflag:$0x1] =	stream.indirect.gather [hbm4b:s4+s14], $0x40, s3, s14, $0xb8;
	[tilespmem:$0x1C000] =	vst v63  }
0x23: {  	_ = 	snop  }
0x24: {  	[tilespmem:s16], [sflag:$0x2] =	stream.indirect.gather [hbm4b:s4+s14], $0x40, s14, s14, $0xb8;
	[tilespmem:$0x1C000] =	vst v63  }
0x25: {  	s30 =	simm.s32 $0x100  }
0x26: {  	[tilespmem:s18], [sflag:$0x3] =	stream.indirect.gather [hbm4b:s4+s14], $0x40, s30, s14, $0xb8;
	[tilespmem:$0x1C000] =	vst v63  }
0x27: {  	s19 =	simm.s32 $0x180  }
0x28: {  	[tilespmem:s20], [sflag:$0x4] =	stream.indirect.gather [hbm4b:s4+s14], $0x40, s19, s14, $0xb8;
	[tilespmem:$0x1C000] =	vst v63  }
0x29: {  	_ =	swait.ge [sflag:s21], $0x2000  }
0x2a: {  	[sflag:s21] =	ssyncset.done $0x0  }
0x2b: {  	s30 =	simm.s32 $0x5000;
	[sflag:s21] =	ssyncadd.s32 $0xFFFFE000  }
0x2c: {  	[spmem:s2] =	stream.indirect.scatter.add.f32 [tilespmem:s15], [sflag:$0x5], $0x40, s30, s14, $0xb8;
	[tilespmem:$0x1C000] =	vst v63  }
0x2d: {  	_ =	swait.ge [sflag:s22], $0x2000  }
0x2e: {  	[sflag:s22] =	ssyncset.done $0x0  }
0x2f: {  	s19 =	simm.s32 $0x5080;
	[sflag:s22] =	ssyncadd.s32 $0xFFFFE000  }
0x30: {  	[spmem:s2] =	stream.indirect.scatter.add.f32 [tilespmem:s16], [sflag:$0x6], $0x40, s19, s14, $0xb8;
	[tilespmem:$0x1C000] =	vst v63  }
0x31: {  	_ =	swait.ge [sflag:s23], $0x2000  }
0x32: {  	[sflag:s23] =	ssyncset.done $0x0  }
0x33: {  	s30 =	simm.s32 $0x5100;
	[sflag:s23] =	ssyncadd.s32 $0xFFFFE000  }
0x34: {  	[spmem:s2] =	stream.indirect.scatter.add.f32 [tilespmem:s18], [sflag:$0x7], $0x40, s30, s14, $0xb8;
	[tilespmem:$0x1C000] =	vst v63  }
0x35: {  	_ =	swait.ge [sflag:s24], $0x2000  }
0x36: {  	[sflag:s24] =	ssyncset.done $0x0  }
0x37: {  	s19 =	simm.s32 $0x5180;
	[sflag:s24] =	ssyncadd.s32 $0xFFFFE000  }
0x38: {  	[spmem:s2] =	stream.indirect.scatter.add.f32 [tilespmem:s20], [sflag:$0x8], $0x40, s19, s14, $0xb8;
	[tilespmem:$0x1C000] =	vst v63  }
0x39: {  	_ =	swait.ge [sflag:s25], $0x2000  }
0x3a: {  	[sflag:s25] =	ssyncset.done $0x0  }
0x3b: {  	s30 =	simm.s32 $0x200;
	[sflag:s25] =	ssyncadd.s32 $0xFFFFE000  }
0x3c: {  	[tilespmem:s15], [sflag:$0x1] =	stream.indirect.gather [hbm4b:s4+s14], $0x40, s30, s14, $0xb8;
	[tilespmem:$0x1C000] =	vst v63  }
0x3d: {  	_ =	swait.ge [sflag:s26], $0x2000  }
0x3e: {  	[sflag:s26] =	ssyncset.done $0x0  }
0x3f: {  	s19 =	simm.s32 $0x280;
	[sflag:s26] =	ssyncadd.s32 $0xFFFFE000  }
0x40: {  	[tilespmem:s16], [sflag:$0x2] =	stream.indirect.gather [hbm4b:s4+s14], $0x40, s19, s14, $0xb8;
	[tilespmem:$0x1C000] =	vst v63  }
0x41: {  	_ =	swait.ge [sflag:s28], $0x2000  }
0x42: {  	[sflag:s28] =	ssyncset.done $0x0  }
0x43: {  	s30 =	simm.s32 $0x300;
	[sflag:s28] =	ssyncadd.s32 $0xFFFFE000  }
0x44: {  	[tilespmem:s18], [sflag:$0x3] =	stream.indirect.gather [hbm4b:s4+s14], $0x40, s30, s14, $0xb8;
	[tilespmem:$0x1C000] =	vst v63  }
0x45: {  	_ =	swait.ge [sflag:s29], $0x2000  }
0x46: {  	[sflag:s29] =	ssyncset.done $0x0  }
0x47: {  	s17 =	simm.s32 $0x800;
	s19 =	simm.s32 $0x380;
	[sflag:s29] =	ssyncadd.s32 $0xFFFFE000  }
.LBB2_2:
0x48: {  	[tilespmem:s20], [sflag:$0x4] =	stream.indirect.gather [hbm4b:s4+s14], $0x40, s19, s14, $0xb8;
	[tilespmem:$0x1C000] =	vst v63  }
0x49: {  	s19 =	smov.u32 s17  }
0x4a: {  	p0 =	sne.s32 s17, $0x13000;
	s17 =	sadd.s32 $0x800, s17;
	_ =	swait.ge [sflag:s21], $0x2000  }
0x4b: {  	s19 =	sshra.s32 s19, $0x2;
	[sflag:s21] =	ssyncset.done $0x0  }
0x4c: {  	s30 =	sadd.s32 $0x5000, s19;
	[sflag:s21] =	ssyncadd.s32 $0xFFFFE000  }
0x4d: {  	[spmem:s2] =	stream.indirect.scatter.add.f32 [tilespmem:s15], [sflag:$0x5], $0x40, s30, s14, $0xb8;
	[tilespmem:$0x1C000] =	vst v63  }
0x4e: {  	_ =	swait.ge [sflag:s22], $0x2000  }
0x4f: {  	[sflag:s22] =	ssyncset.done $0x0  }
0x50: {  	s30 =	sadd.s32 $0x5080, s19;
	[sflag:s22] =	ssyncadd.s32 $0xFFFFE000  }
0x51: {  	[spmem:s2] =	stream.indirect.scatter.add.f32 [tilespmem:s16], [sflag:$0x6], $0x40, s30, s14, $0xb8;
	[tilespmem:$0x1C000] =	vst v63  }
0x52: {  	_ =	swait.ge [sflag:s23], $0x2000  }
0x53: {  	[sflag:s23] =	ssyncset.done $0x0  }
0x54: {  	s30 =	sadd.s32 $0x5100, s19;
	[sflag:s23] =	ssyncadd.s32 $0xFFFFE000  }
0x55: {  	[spmem:s2] =	stream.indirect.scatter.add.f32 [tilespmem:s18], [sflag:$0x7], $0x40, s30, s14, $0xb8;
	[tilespmem:$0x1C000] =	vst v63  }
0x56: {  	_ =	swait.ge [sflag:s24], $0x2000  }
0x57: {  	[sflag:s24] =	ssyncset.done $0x0  }
0x58: {  	s30 =	sadd.s32 $0x5180, s19;
	[sflag:s24] =	ssyncadd.s32 $0xFFFFE000  }
0x59: {  	[spmem:s2] =	stream.indirect.scatter.add.f32 [tilespmem:s20], [sflag:$0x8], $0x40, s30, s14, $0xb8;
	[tilespmem:$0x1C000] =	vst v63  }
0x5a: {  	_ =	swait.ge [sflag:s25], $0x2000  }
0x5b: {  	[sflag:s25] =	ssyncset.done $0x0  }
0x5c: {  	s30 =	sadd.s32 $0x200, s19;
	[sflag:s25] =	ssyncadd.s32 $0xFFFFE000  }
0x5d: {  	[tilespmem:s15], [sflag:$0x1] =	stream.indirect.gather [hbm4b:s4+s14], $0x40, s30, s14, $0xb8;
	[tilespmem:$0x1C000] =	vst v63  }
0x5e: {  	_ =	swait.ge [sflag:s26], $0x2000  }
0x5f: {  	[sflag:s26] =	ssyncset.done $0x0  }
0x60: {  	s30 =	sadd.s32 $0x280, s19;
	[sflag:s26] =	ssyncadd.s32 $0xFFFFE000  }
0x61: {  	[tilespmem:s16], [sflag:$0x2] =	stream.indirect.gather [hbm4b:s4+s14], $0x40, s30, s14, $0xb8;
	[tilespmem:$0x1C000] =	vst v63  }
0x62: {  	_ =	swait.ge [sflag:s28], $0x2000  }
0x63: {  	[sflag:s28] =	ssyncset.done $0x0  }
.Ltmp0:
0x64: {  	s30 =	sadd.s32 $0x300, s19;
	[sflag:s28] =	ssyncadd.s32 $0xFFFFE000;
	(pc) =	sbr.rel @p0 .LBB2_2-.Ltmp0, $4  }
0x65: {  	[tilespmem:s18], [sflag:$0x3] =	stream.indirect.gather [hbm4b:s4+s14], $0x40, s30, s14, $0xb8;
	[tilespmem:$0x1C000] =	vst v63  }
0x66: {  	_ =	swait.ge [sflag:s29], $0x2000  }
0x67: {  	[sflag:s29] =	ssyncset.done $0x0  }
0x68: {  	s19 =	sadd.s32 $0x380, s19;
	[sflag:s29] =	ssyncadd.s32 $0xFFFFE000  }
0x69: {  	[tilespmem:s20], [sflag:$0x4] =	stream.indirect.gather [hbm4b:s4+s14], $0x40, s19, s14, $0xb8;
	[tilespmem:$0x1C000] =	vst v63  }
0x6a: {  	_ =	swait.ge [sflag:s21], $0x2000  }
0x6b: {  	[sflag:s21] =	ssyncset.done $0x0  }
0x6c: {  	s17 =	simm.s32 $0x9E00;
	[sflag:s21] =	ssyncadd.s32 $0xFFFFE000  }
0x6d: {  	[spmem:s2] =	stream.indirect.scatter.add.f32 [tilespmem:s15], [sflag:$0x5], $0x40, s17, s14, $0xb8;
	[tilespmem:$0x1C000] =	vst v63  }
0x6e: {  	_ =	swait.ge [sflag:s22], $0x2000  }
0x6f: {  	[sflag:s22] =	ssyncset.done $0x0  }
0x70: {  	[sflag:s22] =	ssyncadd.s32 $0xFFFFE000  }
0x71: {  	[spmem:s2] =	stream.indirect.scatter.add.f32 [tilespmem:s16], [sflag:$0x6], $0x40, s31, s14, $0xb8;
	[tilespmem:$0x1C000] =	vst v63  }
0x72: {  	_ =	swait.ge [sflag:s23], $0x2000  }
0x73: {  	[sflag:s23] =	ssyncset.done $0x0  }
0x74: {  	[sflag:s23] =	ssyncadd.s32 $0xFFFFE000  }
0x75: {  	[spmem:s2] =	stream.indirect.scatter.add.f32 [tilespmem:s18], [sflag:$0x7], $0x40, s0, s14, $0xb8;
	[tilespmem:$0x1C000] =	vst v63  }
0x76: {  	_ =	swait.ge [sflag:s24], $0x2000  }
0x77: {  	[sflag:s24] =	ssyncset.done $0x0  }
0x78: {  	[sflag:s24] =	ssyncadd.s32 $0xFFFFE000  }
0x79: {  	[spmem:s2] =	stream.indirect.scatter.add.f32 [tilespmem:s20], [sflag:$0x8], $0x40, s1, s14, $0xb8;
	[tilespmem:$0x1C000] =	vst v63  }
0x7a: {  	_ =	swait.ge [sflag:s25], $0x2000  }
0x7b: {  	[sflag:s25] =	ssyncset.done $0x0  }
0x7c: {  	[sflag:s25] =	ssyncadd.s32 $0xFFFFE000  }
0x7d: {  	_ =	swait.ge [sflag:s26], $0x2000  }
0x7e: {  	[sflag:s26] =	ssyncset.done $0x0  }
0x7f: {  	[sflag:s26] =	ssyncadd.s32 $0xFFFFE000  }
0x80: {  	_ =	swait.ge [sflag:s28], $0x2000  }
0x81: {  	[sflag:s28] =	ssyncset.done $0x0  }
0x82: {  	[sflag:s28] =	ssyncadd.s32 $0xFFFFE000  }
0x83: {  	_ =	swait.ge [sflag:s29], $0x2000  }
0x84: {  	s13 =	sadd.s32 $0x1, s13;
	[sflag:s29] =	ssyncset.done $0x0  }
0x85: {  	p0 =	sne.s32 s13, s10;
	[sflag:s29] =	ssyncadd.s32 $0xFFFFE000  }
.Ltmp1:
0x86: {  	[bflag:$0x0] =	sbarrier.arrive $0xFFFF;
	(pc) =	sbr.rel @p0 .LBB2_1-.Ltmp1, $4  }
0x87: {  	[hbm:s9], [sflag:s6] =	dma.local [spmem:s11], $0x1400  }
0x88: {  	_ =	swait.ge [sflag:s12], $0x1400  }
0x89: {  	[sflag:s12] =	ssyncset.done $0x0  }
0x8a: {  	[sflag:s12] =	ssyncadd.s32 $0xFFFFEC00  }
0x8b: {  	_ =	sfence.sel $0x180000  }
0x8c: {  	[bflag:$0x0] =	sbarrier.arrive $0xFFFF  }
0x8d: {  	_ =	strace $0x9000004A  }
0x8e: {  	s0 =	stileid.u32;
	[bflag:$0x2] =	sbarrier.arrive $0xFFFF  }
0x8f: {  	p0 =	sne.s32 s0, $0x0;
	s0 =	rddreg [dreg:$0x3]  }
0x90: {  	s0 =	sadd.s32 @!p0 $0x100000, s0  }
0x91: {  	[sflag:s0] =	ssyncadd.tile.s32 @!p0 $0x1;
	_ =	shalt  }
.Lfunc_end2:
_tile_overlayer_lowered:
.L_overlay_start_2:
0x92: {  	(tag) =	ssettag $0x2  }
0x93: {  	s0 =	rddreg [dreg:$0x0];
	s2 =	stileid.u32  }
0x94: {  	s1 =	rddreg [dreg:$0x1];
	p0 =	sne.s32 s2, $0x0  }
0x95: {  	s3 =	rddreg [dreg:$0x2];
	[bflag:$0x3] =	sbarrier.arrive $0xFFFF;
	s2 =	simm.s32 @!p0 $0x1C09  }
0x96: {  	[timem:s3], [sflag:s2] =	dma.local @!p0 [hbm:s0], s1  }
0x97: {  	s0 =	simm.s32 @!p0 $0x9  }
0x98: {  	_ =	swait.ge @!p0 [sflag:s0], s1  }
0x99: {  	s1 =	ssub.s32 @!p0 $0x0, s1;
	[sflag:s0] =	ssyncset.done @!p0 $0x0  }
0x9a: {  	[sflag:s0] =	ssyncadd.s32 @!p0 s1  }
0x9b: {  	[bflag:$0x3] =	sbarrier.arrive $0xFFFF  }
0x9c: {  	_ =	shalt  }

// kernel: kernel.14.cloned.1.call-start
scs
__scs_entry_jumppad:
0x0: {  	(pc) =	sbr.rel $0x88, $3  }
0x1: {  	(tag) =	ssettag $0x0;
	lr =	simm.s32 $0x1  }
0x2: {  	[smem:$0x3F92] =	sst lr;
	_ =	strace $0xD0000000  }
0x3: {  	_ = 	snop  }
0x4: {  	_ = 	snop  }
0x5: {  	_ = 	snop  }
0x6: {  	_ = 	snop  }
0x7: {  	_ = 	snop  }
__scs_overlays_trampoline_lowered:
0x8: {  	[smem:$0x3FA1] =	sst s0  }
0x9: {  	[smem:$0x3FA2] =	sst s1  }
0xa: {  	[smem:$0x3FA3] =	sst s2  }
0xb: {  	[smem:$0x3FA4] =	sst s3  }
0xc: {  	[smem:$0x3FA5] =	sst s4  }
0xd: {  	[smem:$0x3FA6] =	sst s5  }
0xe: {  	[smem:$0x3FA7] =	sst s6  }
0xf: {  	[smem:$0x3FA8] =	sst s7  }
0x10: {  	[smem:$0x3FA9] =	sst s8  }
0x11: {  	[smem:$0x3FAA] =	sst s9;
	s0 =	simm.s32 @!p0 $0x0  }
0x12: {  	s1 =	sld [smem:$0x3F90];
	s0 =	simm.s32 @p0 $0x1  }
0x13: {  	[smem:$0x3FAB] =	sst s0;
	s0 =	simm.s32 @!p1 $0x0  }
0x14: {  	s2 =	sld [smem:$0x3F8F];
	s0 =	simm.s32 @p1 $0x1  }
0x15: {  	[smem:$0x3FAC] =	sst s0;
	s0 =	simm.s32 @!p2 $0x0  }
0x16: {  	s3 =	sld [smem:$0x3FDB];
	s0 =	simm.s32 @p2 $0x1  }
0x17: {  	s4 =	simm.s32 $0x1BF5;
	[smem:$0x3FAE] =	sst s0  }
0x18: {  	s0 =	sld [smem:$0x3F91];
	_ =	swait.ge [sflag:s4], $0x0  }
0x19: {  	s7 =	sld [smem:$0x3F92]  }
0x1a: {  	s8 =	sadd.s32 $0xFFFFE003, lr  }
0x1b: {  	s9 =	sadd.s32 $0xFFFFFEF7, lr;
	s5 =	simm.s32 $0xFFFFFFFF;
	p2 =	slt.u32 s8, $0xFFFFF086  }
0x1c: {  	p1 =	slt.u32 s9, $0xF7A;
	s5 =	simm.s32 @!p2 $0x0  }
0x1d: {  	s5 =	simm.s32 @p1 $0x1;
	p0 =	seq.s32 s7, s2  }
0x1e: {  	s7 =	smul.u32 @!p0 $0xF7A, s2;
	p2 =	seq.s32 @!p0 s5, $0x0  }
0x1f: {  	s9 =	smul.u32 $0xF7A, s1;
	s8 =	simm.s32 @!p0 $0x1BF5;
	p2 =	por !p2, p0  }
0x20: {  	[sflag:s8] =	ssyncset.s32 @!p0 $0xFFFFF086;
	s6 =	sadd.s32 @!p0 s3, s7;
	s7 =	simm.s32 @!p0 $0x108  }
0x21: {  	s3 =	sadd.s32 s3, s9;
	s6 =	sadd.s32 @!p0 $0x88, s6;
	s7 =	simm.s32 @p2 $0x1082  }
0x22: {  	[simem:s7], [sflag:s8] =	dma.local @!p0 [hbm:s6], $0xF7A  }
0x23: {  	s9 =	sor.u32 $0xD0000000, s2;
	s6 =	simm.s32 $0x108;
	_ =	swait.ge @!p0 [sflag:s8], $0x0  }
0x24: {  	s3 =	sadd.s32 $0x88, s3;
	s6 =	simm.s32 @!p1 $0x1082;
	[sflag:s4] =	ssyncset.s32 $0xFFFFF086  }
0x25: {  	[simem:s6], [sflag:s4] =	dma.local [hbm:s3], $0xF7A  }
0x26: {  	[smem:$0x3F92] =	sst s1;
	(tag) =	ssettag s2;
	_ =	strace s9  }
0x27: {  	s1 =	sld [smem:$0x3FA2]  }
0x28: {  	s2 =	sld [smem:$0x3FA3]  }
0x29: {  	s4 =	sld [smem:$0x3FA5]  }
0x2a: {  	p0 =	seq.s32 s5, $0x0;
	s5 =	sld [smem:$0x3FA6]  }
0x2b: {  	s6 =	sld [smem:$0x3FA7]  }
0x2c: {  	s7 =	sld [smem:$0x3FA8]  }
0x2d: {  	s3 =	simm.s32 $0x108;
	s8 =	sld [smem:$0x3FA9]  }
0x2e: {  	s3 =	simm.s32 @!p0 $0x1082;
	s9 =	sld [smem:$0x3FAA]  }
0x2f: {  	lr =	sadd.s32 s0, s3;
	s0 =	sld [smem:$0x3FA1]  }
0x30: {  	s3 =	sld [smem:$0x3FA4]  }
0x31: {  	[smem:$0x3FAD] =	sst s10  }
0x32: {  	s10 =	sld [smem:$0x3FAB];
	_ =	sdelay $0x3  }
0x33: {  	p0 =	seq.s32 s10, $0x1;
	s10 =	sld [smem:$0x3FAD];
	_ =	sdelay $0x3  }
0x34: {  	[smem:$0x3FAD] =	sst s10  }
0x35: {  	s10 =	sld [smem:$0x3FAC];
	_ =	sdelay $0x3  }
0x36: {  	p1 =	seq.s32 s10, $0x1;
	s10 =	sld [smem:$0x3FAD];
	_ =	sdelay $0x3  }
0x37: {  	[smem:$0x3FAD] =	sst s10  }
0x38: {  	s10 =	sld [smem:$0x3FAE]  }
0x39: {  	_ = 	snop;
	(pc) =	sbr.ind lr, $3  }
0x3a: {  	_ = 	snop  }
0x3b: {  	_ = 	snop  }
0x3c: {  	p2 =	seq.s32 s10, $0x1;
	s10 =	sld [smem:$0x3FAD]  }
0x3d: {  	_ =	shalt  }
0x3e: {  	_ =	shalt  }
0x3f: {  	_ =	shalt  }
0x40: {  	_ =	shalt  }
0x41: {  	_ =	shalt  }
0x42: {  	_ =	shalt  }
0x43: {  	_ =	shalt  }
0x44: {  	_ =	shalt  }
0x45: {  	_ =	shalt  }
0x46: {  	_ =	shalt  }
0x47: {  	_ =	shalt  }
0x48: {  	_ =	shalt  }
0x49: {  	_ =	shalt  }
0x4a: {  	_ =	shalt  }
0x4b: {  	_ =	shalt  }
0x4c: {  	_ =	shalt  }
0x4d: {  	_ =	shalt  }
0x4e: {  	_ =	shalt  }
0x4f: {  	_ =	shalt  }
0x50: {  	_ =	shalt  }
0x51: {  	_ =	shalt  }
0x52: {  	_ =	shalt  }
0x53: {  	_ =	shalt  }
0x54: {  	_ =	shalt  }
0x55: {  	_ =	shalt  }
0x56: {  	_ =	shalt  }
0x57: {  	_ =	shalt  }
0x58: {  	_ =	shalt  }
0x59: {  	_ =	shalt  }
0x5a: {  	_ =	shalt  }
0x5b: {  	_ =	shalt  }
0x5c: {  	_ =	shalt  }
0x5d: {  	_ =	shalt  }
0x5e: {  	_ =	shalt  }
0x5f: {  	_ =	shalt  }
0x60: {  	_ =	shalt  }
0x61: {  	_ =	shalt  }
0x62: {  	_ =	shalt  }
0x63: {  	_ =	shalt  }
0x64: {  	_ =	shalt  }
0x65: {  	_ =	shalt  }
0x66: {  	_ =	shalt  }
0x67: {  	_ =	shalt  }
0x68: {  	_ =	shalt  }
0x69: {  	_ =	shalt  }
0x6a: {  	_ =	shalt  }
0x6b: {  	_ =	shalt  }
0x6c: {  	_ =	shalt  }
0x6d: {  	_ =	shalt  }
0x6e: {  	_ =	shalt  }
0x6f: {  	_ =	shalt  }
0x70: {  	_ =	shalt  }
0x71: {  	_ =	shalt  }
0x72: {  	_ =	shalt  }
0x73: {  	_ =	shalt  }
0x74: {  	_ =	shalt  }
0x75: {  	_ =	shalt  }
0x76: {  	_ =	shalt  }
0x77: {  	_ =	shalt  }
0x78: {  	_ =	shalt  }
0x79: {  	_ =	shalt  }
0x7a: {  	_ =	shalt  }
0x7b: {  	_ =	shalt  }
0x7c: {  	_ =	shalt  }
0x7d: {  	_ =	shalt  }
0x7e: {  	_ =	shalt  }
0x7f: {  	_ =	shalt  }
0x80: {  	_ =	shalt  }
0x81: {  	_ =	shalt  }
0x82: {  	_ =	shalt  }
0x83: {  	_ =	shalt  }
0x84: {  	_ =	shalt  }
0x85: {  	_ =	shalt  }
0x86: {  	_ =	shalt  }
0x87: {  	_ =	shalt  }
.Lfunc_end0:
.L_simem_size_0:
called_computation.2_lowered:
.L_overlay_start_0:
0x88: {  	s2 =	sld [smem:$0x3FD9]  }
0x89: {  	s3 =	sld [smem:$0x3FFE];
	_ =	sdelay $0x1  }
0x8a: {  	s1 =	srdreg.scid  }
0x8b: {  	s0 =	sand.u32 $0x1, s1  }
0x8c: {  	s17 =	sshll.u32 s0, $0xA;
	s2 =	sadd.s32 s3, s2  }
0x8d: {  	s2 =	sadd.s32 s2, s17  }
0x8e: {  	[smem:$0x3FB9] =	sst s2  }
0x8f: {  	_ = 	snop  }
0x90: {  	s2 =	sld [smem:$0x3FD0];
	(tm) =	ssettm $0x1  }
0x91: {  	s18 =	sld [smem:$0x3FFB];
	_ =	sdelay $0x3  }
0x92: {  	_ =	strace s18  }
0x93: {  	s3 =	sld [smem:$0x3FFC];
	_ =	sdelay $0x3  }
0x94: {  	_ =	strace s3  }
0x95: {  	s3 =	sld [smem:$0x3FFD];
	_ =	sdelay $0x3  }
0x96: {  	_ =	strace s3  }
0x97: {  	_ =	strace $0x8FFFFFFF  }
0x98: {  	s19 =	sld [smem:$0x3FDB];
	_ =	sdelay $0x1  }
0x99: {  	s4 =	simm.s32 $_scs_section_size  }
0x9a: {  	s5 =	simm.s32 $_size__tile_overlayer_lowered;
	s6 =	simm.s32 $_tile_overlayer_lowered  }
0x9b: {  	s22 =	simm.s32 $0x1BFF;
	s21 =	sshll.u32 s6, $0x1;
	s3 =	sadd.s32 s4, s19  }
0x9c: {  	s7 =	simm.s32 $0x0;
	s20 =	sshll.u32 s5, $0x1;
	s5 =	sadd.s32 s21, s3  }
0x9d: {  	[timem:s7], [sflag:s22] =	dma.local [hbm:s5], s20  }
0x9e: {  	_ =	swait.ge [sflag:s22], s20  }
0x9f: {  	s4 =	ssub.s32 $0x0, s20;
	[sflag:s22] =	ssyncset.done $0x0  }
0xa0: {  	[sflag:s22] =	ssyncadd.s32 s4;
	_ =	sdelay $0x1  }
0xa1: {  	s23 =	simm.s32 $0x1B8B  }
0xa2: {  	_ =	swait.ge [sflag:s23], $0x1  }
0xa3: {  	[sflag:s23] =	ssyncset.done $0x0  }
0xa4: {  	s25 =	simm.s32 $0x1B8E;
	s24 =	sld [smem:$0x3FFE];
	[sflag:s23] =	ssyncadd.s32 $0xFFFFFFFF  }
0xa5: {  	s26 =	simm.s32 $execute0_lowered;
	[smem:$0x3FD2] =	sst s25  }
0xa6: {  	s5 =	sshll.u32 s26, $0x1;
	_ =	strace $0x8000004C;
	[dreg:$0x1] =	wrdreg $0xFFFFFFFF  }
0xa7: {  	s28 =	simm.s32 $_size_execute0_lowered;
	s3 =	sadd.s32 s3, s5;
	[dreg:$0x0] =	wrdreg $0x0  }
0xa8: {  	s5 =	sshll.u32 s28, $0x1;
	[dreg:$0x2] =	wrdreg s3  }
0xa9: {  	[dreg:$0x3] =	wrdreg s5  }
0xaa: {  	[dreg:$0x4] =	wrdreg $0xC0  }
0xab: {  	_ =	task [dreg:s7], $0x5FFFF  }
0xac: {  	[dreg:$0x1] =	wrdreg $0xFFFFFFFF  }
0xad: {  	[dreg:$0x0] =	wrdreg $0x60  }
0xae: {  	[dreg:$0x2] =	wrdreg s24  }
0xaf: {  	[dreg:$0x3] =	wrdreg s2  }
0xb0: {  	[dreg:$0x4] =	wrdreg $0x120000  }
0xb1: {  	[dreg:$0x5] =	wrdreg $0x9  }
0xb2: {  	_ =	task.clear_ibuf [dreg:s7], $0x6FFFF;
	_ =	strace $0x9000004C  }
0xb3: {  	s29 =	simm.s32 $0x9;
	_ =	strace $0x8000004E  }
0xb4: {  	_ =	swait.ge [sflag:s29], $0x1  }
0xb5: {  	[sflag:s29] =	ssyncadd.s32 $0xFFFFFFFF  }
0xb6: {  	_ =	strace $0x9000004E  }
0xb7: {  	_ =	sfence  }
0xb8: {  	s30 =	sld [smem:$0x0];
	_ =	sdelay $0x2  }
0xb9: {  	s31 =	sshll.u32 s1, $0xD;
	s1 =	sshrl.u32 s1, $0x2  }
0xba: {  	s3 =	sand.u32 $0x4000, s31;
	s1 =	sadd.s32 s1, s30  }
0xbb: {  	s0 =	sor.u32 s3, s0;
	s1 =	sshll.u32 s1, $0x11  }
0xbc: {  	s0 =	sor.u32 s1, s0  }
0xbd: {  	s0 =	sadd.s32 $0x8F2B, s0  }
0xbe: {  	[sflag:s0] =	ssyncadd.remote.s32 $0x1  }
0xbf: {  	_ =	sfence.sel $0xFFFF  }
0xc0: {  	[dreg:$0x0] =	wrdreg $0xFFFFFFFF;
	(pc) =	sbr.abs _section_cstart, $3  }
0xc1: {  	[dreg:$0x1] =	wrdreg $0xFFFFFFFF  }
0xc2: {  	_ =	task.clear_ibuf [dreg:s7], $0x2FFFF;
	_ =	strace $0x9FFFFFFF  }
0xc3: {  	(tm) =	ssettm $0x7FFFFFFF  }
tec
execute0_lowered:
.L_overlay_start_1:
0x0: {  	(tag) =	ssettag $0x1  }
0x1: {  	s0 =	rddreg [dreg:$0x0]  }
0x2: {  	s1 =	rddreg [dreg:$0x1]  }
0x3: {  	s2 =	rddreg [dreg:$0x2]  }
0x4: {  	s13 =	stileid.u32;
	s4 =	srdreg.scid  }
0x5: {  	s3 =	simm.s32 $0x0;
	s14 =	simm.s32 $0x80;
	s15 =	simm.s32 $0xA000  }
0x6: {  	s16 =	simm.s32 $0xC000;
	s18 =	simm.s32 $0xE000;
	s20 =	simm.s32 $0x10000  }
0x7: {  	s21 =	simm.s32 $0x1;
	s22 =	simm.s32 $0x2;
	s23 =	simm.s32 $0x3  }
0x8: {  	s24 =	simm.s32 $0x4;
	s25 =	simm.s32 $0x5;
	s28 =	simm.s32 $0x7  }
0x9: {  	s29 =	simm.s32 $0x8;
	s31 =	simm.s32 $0x9E80;
	s5 =	smul.u32 $0x5000, s13  }
0xa: {  	s6 =	smul.u32 $0xA000, s13;
	s7 =	sand.u32 $0x1, s4;
	[smem:$0x7FF] =	sst s3  }
0xb: {  	s4 =	sadd.s32 $0x21000, s0;
	s30 =	sshll.u32 s13, $0x6;
	s13 =	simm.s32 $0x0  }
0xc: {  	s9 =	smul.u32 $0xA0000, s7;
	_ =	strace $0x8000004D;
	s11 =	ssub.s32 $0x2, s7  }
0xd: {  	s7 =	smul.u32 $0x50000, s7;
	s8 =	sshrl.u32 s5, $0x3;
	s10 =	sshrl.u32 s6, $0x3  }
0xe: {  	s12 =	sshrl.u32 s11, $0x1;
	s26 =	sadd.s32 s6, s2;
	s8 =	sadd.s32 s8, s0  }
0xf: {  	s9 =	sadd.s32 s6, s9;
	s10 =	sadd.s32 s10, s0;
	s11 =	ssub.s32 s11, s12  }
0x10: {  	s7 =	sadd.s32 s5, s7;
	s6 =	sor.u32 $0x1C09, s30;
	s12 =	simm.s32 $0x9  }
0x11: {  	s9 =	sshrl.u32 s9, $0x3;
	s5 =	sadd.s32 $0xD000, s10;
	s7 =	sshrl.u32 s7, $0x3  }
0x12: {  	s8 =	sadd.s32 $0x3000, s8;
	s10 =	smax.u32 s11, $0x1;
	s11 =	sshrl.u32 s26, $0x3  }
0x13: {  	s26 =	simm.s32 $0x6;
	s0 =	sadd.s32 s9, s0;
	s7 =	sadd.s32 s1, s7  }
0x14: {  	s1 =	simm.s32 $0x9F80;
	s9 =	sadd.s32 $0x49400, s0;
	s0 =	simm.s32 $0x9F00  }
.LBB2_1:
0x15: {  	[spmem:s11], [sflag:s6] =	dma.local [hbm:s5], $0x1400  }
0x16: {  	_ =	swait.ge [sflag:s12], $0x1400  }
0x17: {  	[sflag:s12] =	ssyncset.done $0x0  }
0x18: {  	[sflag:s12] =	ssyncadd.s32 $0xFFFFEC00  }
0x19: {  	[tilespmem:s3], [sflag:$0x9] =	stream.linear.gather [hbm4b:s7+s3], $0x5000, $0x38;
	[tilespmem:$0x1C000] =	vst v63  }
0x1a: {  	_ =	swait.ge [sflag:s12], $0x5000  }
0x1b: {  	[sflag:s12] =	ssyncset.done $0x0  }
0x1c: {  	s17 =	simm.s32 $0x5000;
	[sflag:s12] =	ssyncadd.s32 $0xFFFFB000  }
0x1d: {  	[tilespmem:s17], [sflag:$0x9] =	stream.linear.gather [hbm4b:s8+s3], $0x5000, $0x38;
	[tilespmem:$0x1C000] =	vst v63  }
0x1e: {  	_ =	swait.ge [sflag:s12], $0x5000  }
0x1f: {  	[sflag:s12] =	ssyncset.done $0x0  }
0x20: {  	[sflag:s12] =	ssyncadd.s32 $0xFFFFB000  }
0x21: {  	[bflag:$0x0] =	sbarrier.arrive $0xFFFF  }
0x22: {  	[tilespmem:s15], [sflag:$0x1] =	stream.indirect.gather [hbm4b:s4+s14], $0x40, s3, s14, $0xb8;
	[tilespmem:$0x1C000] =	vst v63  }
0x23: {  	_ = 	snop  }
0x24: {  	[tilespmem:s16], [sflag:$0x2] =	stream.indirect.gather [hbm4b:s4+s14], $0x40, s14, s14, $0xb8;
	[tilespmem:$0x1C000] =	vst v63  }
0x25: {  	s30 =	simm.s32 $0x100  }
0x26: {  	[tilespmem:s18], [sflag:$0x3] =	stream.indirect.gather [hbm4b:s4+s14], $0x40, s30, s14, $0xb8;
	[tilespmem:$0x1C000] =	vst v63  }
0x27: {  	s19 =	simm.s32 $0x180  }
0x28: {  	[tilespmem:s20], [sflag:$0x4] =	stream.indirect.gather [hbm4b:s4+s14], $0x40, s19, s14, $0xb8;
	[tilespmem:$0x1C000] =	vst v63  }
0x29: {  	_ =	swait.ge [sflag:s21], $0x2000  }
0x2a: {  	[sflag:s21] =	ssyncset.done $0x0  }
0x2b: {  	s30 =	simm.s32 $0x5000;
	[sflag:s21] =	ssyncadd.s32 $0xFFFFE000  }
0x2c: {  	[spmem:s2] =	stream.indirect.scatter.add.f32 [tilespmem:s15], [sflag:$0x5], $0x40, s30, s14, $0xb8;
	[tilespmem:$0x1C000] =	vst v63  }
0x2d: {  	_ =	swait.ge [sflag:s22], $0x2000  }
0x2e: {  	[sflag:s22] =	ssyncset.done $0x0  }
0x2f: {  	s19 =	simm.s32 $0x5080;
	[sflag:s22] =	ssyncadd.s32 $0xFFFFE000  }
0x30: {  	[spmem:s2] =	stream.indirect.scatter.add.f32 [tilespmem:s16], [sflag:$0x6], $0x40, s19, s14, $0xb8;
	[tilespmem:$0x1C000] =	vst v63  }
0x31: {  	_ =	swait.ge [sflag:s23], $0x2000  }
0x32: {  	[sflag:s23] =	ssyncset.done $0x0  }
0x33: {  	s30 =	simm.s32 $0x5100;
	[sflag:s23] =	ssyncadd.s32 $0xFFFFE000  }
0x34: {  	[spmem:s2] =	stream.indirect.scatter.add.f32 [tilespmem:s18], [sflag:$0x7], $0x40, s30, s14, $0xb8;
	[tilespmem:$0x1C000] =	vst v63  }
0x35: {  	_ =	swait.ge [sflag:s24], $0x2000  }
0x36: {  	[sflag:s24] =	ssyncset.done $0x0  }
0x37: {  	s19 =	simm.s32 $0x5180;
	[sflag:s24] =	ssyncadd.s32 $0xFFFFE000  }
0x38: {  	[spmem:s2] =	stream.indirect.scatter.add.f32 [tilespmem:s20], [sflag:$0x8], $0x40, s19, s14, $0xb8;
	[tilespmem:$0x1C000] =	vst v63  }
0x39: {  	_ =	swait.ge [sflag:s25], $0x2000  }
0x3a: {  	[sflag:s25] =	ssyncset.done $0x0  }
0x3b: {  	s30 =	simm.s32 $0x200;
	[sflag:s25] =	ssyncadd.s32 $0xFFFFE000  }
0x3c: {  	[tilespmem:s15], [sflag:$0x1] =	stream.indirect.gather [hbm4b:s4+s14], $0x40, s30, s14, $0xb8;
	[tilespmem:$0x1C000] =	vst v63  }
0x3d: {  	_ =	swait.ge [sflag:s26], $0x2000  }
0x3e: {  	[sflag:s26] =	ssyncset.done $0x0  }
0x3f: {  	s19 =	simm.s32 $0x280;
	[sflag:s26] =	ssyncadd.s32 $0xFFFFE000  }
0x40: {  	[tilespmem:s16], [sflag:$0x2] =	stream.indirect.gather [hbm4b:s4+s14], $0x40, s19, s14, $0xb8;
	[tilespmem:$0x1C000] =	vst v63  }
0x41: {  	_ =	swait.ge [sflag:s28], $0x2000  }
0x42: {  	[sflag:s28] =	ssyncset.done $0x0  }
0x43: {  	s30 =	simm.s32 $0x300;
	[sflag:s28] =	ssyncadd.s32 $0xFFFFE000  }
0x44: {  	[tilespmem:s18], [sflag:$0x3] =	stream.indirect.gather [hbm4b:s4+s14], $0x40, s30, s14, $0xb8;
	[tilespmem:$0x1C000] =	vst v63  }
0x45: {  	_ =	swait.ge [sflag:s29], $0x2000  }
0x46: {  	[sflag:s29] =	ssyncset.done $0x0  }
0x47: {  	s17 =	simm.s32 $0x800;
	s19 =	simm.s32 $0x380;
	[sflag:s29] =	ssyncadd.s32 $0xFFFFE000  }
.LBB2_2:
0x48: {  	[tilespmem:s20], [sflag:$0x4] =	stream.indirect.gather [hbm4b:s4+s14], $0x40, s19, s14, $0xb8;
	[tilespmem:$0x1C000] =	vst v63  }
0x49: {  	s19 =	smov.u32 s17  }
0x4a: {  	p0 =	sne.s32 s17, $0x13000;
	s17 =	sadd.s32 $0x800, s17;
	_ =	swait.ge [sflag:s21], $0x2000  }
0x4b: {  	s19 =	sshra.s32 s19, $0x2;
	[sflag:s21] =	ssyncset.done $0x0  }
0x4c: {  	s30 =	sadd.s32 $0x5000, s19;
	[sflag:s21] =	ssyncadd.s32 $0xFFFFE000  }
0x4d: {  	[spmem:s2] =	stream.indirect.scatter.add.f32 [tilespmem:s15], [sflag:$0x5], $0x40, s30, s14, $0xb8;
	[tilespmem:$0x1C000] =	vst v63  }
0x4e: {  	_ =	swait.ge [sflag:s22], $0x2000  }
0x4f: {  	[sflag:s22] =	ssyncset.done $0x0  }
0x50: {  	s30 =	sadd.s32 $0x5080, s19;
	[sflag:s22] =	ssyncadd.s32 $0xFFFFE000  }
0x51: {  	[spmem:s2] =	stream.indirect.scatter.add.f32 [tilespmem:s16], [sflag:$0x6], $0x40, s30, s14, $0xb8;
	[tilespmem:$0x1C000] =	vst v63  }
0x52: {  	_ =	swait.ge [sflag:s23], $0x2000  }
0x53: {  	[sflag:s23] =	ssyncset.done $0x0  }
0x54: {  	s30 =	sadd.s32 $0x5100, s19;
	[sflag:s23] =	ssyncadd.s32 $0xFFFFE000  }
0x55: {  	[spmem:s2] =	stream.indirect.scatter.add.f32 [tilespmem:s18], [sflag:$0x7], $0x40, s30, s14, $0xb8;
	[tilespmem:$0x1C000] =	vst v63  }
0x56: {  	_ =	swait.ge [sflag:s24], $0x2000  }
0x57: {  	[sflag:s24] =	ssyncset.done $0x0  }
0x58: {  	s30 =	sadd.s32 $0x5180, s19;
	[sflag:s24] =	ssyncadd.s32 $0xFFFFE000  }
0x59: {  	[spmem:s2] =	stream.indirect.scatter.add.f32 [tilespmem:s20], [sflag:$0x8], $0x40, s30, s14, $0xb8;
	[tilespmem:$0x1C000] =	vst v63  }
0x5a: {  	_ =	swait.ge [sflag:s25], $0x2000  }
0x5b: {  	[sflag:s25] =	ssyncset.done $0x0  }
0x5c: {  	s30 =	sadd.s32 $0x200, s19;
	[sflag:s25] =	ssyncadd.s32 $0xFFFFE000  }
0x5d: {  	[tilespmem:s15], [sflag:$0x1] =	stream.indirect.gather [hbm4b:s4+s14], $0x40, s30, s14, $0xb8;
	[tilespmem:$0x1C000] =	vst v63  }
0x5e: {  	_ =	swait.ge [sflag:s26], $0x2000  }
0x5f: {  	[sflag:s26] =	ssyncset.done $0x0  }
0x60: {  	s30 =	sadd.s32 $0x280, s19;
	[sflag:s26] =	ssyncadd.s32 $0xFFFFE000  }
0x61: {  	[tilespmem:s16], [sflag:$0x2] =	stream.indirect.gather [hbm4b:s4+s14], $0x40, s30, s14, $0xb8;
	[tilespmem:$0x1C000] =	vst v63  }
0x62: {  	_ =	swait.ge [sflag:s28], $0x2000  }
0x63: {  	[sflag:s28] =	ssyncset.done $0x0  }
.Ltmp0:
0x64: {  	s30 =	sadd.s32 $0x300, s19;
	[sflag:s28] =	ssyncadd.s32 $0xFFFFE000;
	(pc) =	sbr.rel @p0 .LBB2_2-.Ltmp0, $4  }
0x65: {  	[tilespmem:s18], [sflag:$0x3] =	stream.indirect.gather [hbm4b:s4+s14], $0x40, s30, s14, $0xb8;
	[tilespmem:$0x1C000] =	vst v63  }
0x66: {  	_ =	swait.ge [sflag:s29], $0x2000  }
0x67: {  	[sflag:s29] =	ssyncset.done $0x0  }
0x68: {  	s19 =	sadd.s32 $0x380, s19;
	[sflag:s29] =	ssyncadd.s32 $0xFFFFE000  }
0x69: {  	[tilespmem:s20], [sflag:$0x4] =	stream.indirect.gather [hbm4b:s4+s14], $0x40, s19, s14, $0xb8;
	[tilespmem:$0x1C000] =	vst v63  }
0x6a: {  	_ =	swait.ge [sflag:s21], $0x2000  }
0x6b: {  	[sflag:s21] =	ssyncset.done $0x0  }
0x6c: {  	s17 =	simm.s32 $0x9E00;
	[sflag:s21] =	ssyncadd.s32 $0xFFFFE000  }
0x6d: {  	[spmem:s2] =	stream.indirect.scatter.add.f32 [tilespmem:s15], [sflag:$0x5], $0x40, s17, s14, $0xb8;
	[tilespmem:$0x1C000] =	vst v63  }
0x6e: {  	_ =	swait.ge [sflag:s22], $0x2000  }
0x6f: {  	[sflag:s22] =	ssyncset.done $0x0  }
0x70: {  	[sflag:s22] =	ssyncadd.s32 $0xFFFFE000  }
0x71: {  	[spmem:s2] =	stream.indirect.scatter.add.f32 [tilespmem:s16], [sflag:$0x6], $0x40, s31, s14, $0xb8;
	[tilespmem:$0x1C000] =	vst v63  }
0x72: {  	_ =	swait.ge [sflag:s23], $0x2000  }
0x73: {  	[sflag:s23] =	ssyncset.done $0x0  }
0x74: {  	[sflag:s23] =	ssyncadd.s32 $0xFFFFE000  }
0x75: {  	[spmem:s2] =	stream.indirect.scatter.add.f32 [tilespmem:s18], [sflag:$0x7], $0x40, s0, s14, $0xb8;
	[tilespmem:$0x1C000] =	vst v63  }
0x76: {  	_ =	swait.ge [sflag:s24], $0x2000  }
0x77: {  	[sflag:s24] =	ssyncset.done $0x0  }
0x78: {  	[sflag:s24] =	ssyncadd.s32 $0xFFFFE000  }
0x79: {  	[spmem:s2] =	stream.indirect.scatter.add.f32 [tilespmem:s20], [sflag:$0x8], $0x40, s1, s14, $0xb8;
	[tilespmem:$0x1C000] =	vst v63  }
0x7a: {  	_ =	swait.ge [sflag:s25], $0x2000  }
0x7b: {  	[sflag:s25] =	ssyncset.done $0x0  }
0x7c: {  	[sflag:s25] =	ssyncadd.s32 $0xFFFFE000  }
0x7d: {  	_ =	swait.ge [sflag:s26], $0x2000  }
0x7e: {  	[sflag:s26] =	ssyncset.done $0x0  }
0x7f: {  	[sflag:s26] =	ssyncadd.s32 $0xFFFFE000  }
0x80: {  	_ =	swait.ge [sflag:s28], $0x2000  }
0x81: {  	[sflag:s28] =	ssyncset.done $0x0  }
0x82: {  	[sflag:s28] =	ssyncadd.s32 $0xFFFFE000  }
0x83: {  	_ =	swait.ge [sflag:s29], $0x2000  }
0x84: {  	s13 =	sadd.s32 $0x1, s13;
	[sflag:s29] =	ssyncset.done $0x0  }
0x85: {  	p0 =	sne.s32 s13, s10;
	[sflag:s29] =	ssyncadd.s32 $0xFFFFE000  }
.Ltmp1:
0x86: {  	[bflag:$0x0] =	sbarrier.arrive $0xFFFF;
	(pc) =	sbr.rel @p0 .LBB2_1-.Ltmp1, $4  }
0x87: {  	[hbm:s9], [sflag:s6] =	dma.local [spmem:s11], $0x1400  }
0x88: {  	_ =	swait.ge [sflag:s12], $0x1400  }
0x89: {  	[sflag:s12] =	ssyncset.done $0x0  }
0x8a: {  	[sflag:s12] =	ssyncadd.s32 $0xFFFFEC00  }
0x8b: {  	_ =	sfence.sel $0x180000  }
0x8c: {  	[bflag:$0x0] =	sbarrier.arrive $0xFFFF  }
0x8d: {  	_ =	strace $0x9000004D  }
0x8e: {  	s0 =	stileid.u32;
	[bflag:$0x2] =	sbarrier.arrive $0xFFFF  }
0x8f: {  	p0 =	sne.s32 s0, $0x0;
	s0 =	rddreg [dreg:$0x3]  }
0x90: {  	s0 =	sadd.s32 @!p0 $0x100000, s0  }
0x91: {  	[sflag:s0] =	ssyncadd.tile.s32 @!p0 $0x1;
	_ =	shalt  }
.Lfunc_end2:
_tile_overlayer_lowered:
.L_overlay_start_2:
0x92: {  	(tag) =	ssettag $0x2  }
0x93: {  	s0 =	rddreg [dreg:$0x0];
	s2 =	stileid.u32  }
0x94: {  	s1 =	rddreg [dreg:$0x1];
	p0 =	sne.s32 s2, $0x0  }
0x95: {  	s3 =	rddreg [dreg:$0x2];
	[bflag:$0x3] =	sbarrier.arrive $0xFFFF;
	s2 =	simm.s32 @!p0 $0x1C09  }
0x96: {  	[timem:s3], [sflag:s2] =	dma.local @!p0 [hbm:s0], s1  }
0x97: {  	s0 =	simm.s32 @!p0 $0x9  }
0x98: {  	_ =	swait.ge @!p0 [sflag:s0], s1  }
0x99: {  	s1 =	ssub.s32 @!p0 $0x0, s1;
	[sflag:s0] =	ssyncset.done @!p0 $0x0  }
0x9a: {  	[sflag:s0] =	ssyncadd.s32 @!p0 s1  }
0x9b: {  	[bflag:$0x3] =	sbarrier.arrive $0xFFFF  }
0x9c: {  	_ =	shalt  }

// kernel: kernel.8.cloned.1.call-start
scs
__scs_entry_jumppad:
0x0: {  	(pc) =	sbr.rel $0x88, $3  }
0x1: {  	(tag) =	ssettag $0x0;
	lr =	simm.s32 $0x1  }
0x2: {  	[smem:$0x3F92] =	sst lr;
	_ =	strace $0xD0000000  }
0x3: {  	_ = 	snop  }
0x4: {  	_ = 	snop  }
0x5: {  	_ = 	snop  }
0x6: {  	_ = 	snop  }
0x7: {  	_ = 	snop  }
__scs_overlays_trampoline_lowered:
0x8: {  	[smem:$0x3FA1] =	sst s0  }
0x9: {  	[smem:$0x3FA2] =	sst s1  }
0xa: {  	[smem:$0x3FA3] =	sst s2  }
0xb: {  	[smem:$0x3FA4] =	sst s3  }
0xc: {  	[smem:$0x3FA5] =	sst s4  }
0xd: {  	[smem:$0x3FA6] =	sst s5  }
0xe: {  	[smem:$0x3FA7] =	sst s6  }
0xf: {  	[smem:$0x3FA8] =	sst s7  }
0x10: {  	[smem:$0x3FA9] =	sst s8  }
0x11: {  	[smem:$0x3FAA] =	sst s9;
	s0 =	simm.s32 @!p0 $0x0  }
0x12: {  	s1 =	sld [smem:$0x3F90];
	s0 =	simm.s32 @p0 $0x1  }
0x13: {  	[smem:$0x3FAB] =	sst s0;
	s0 =	simm.s32 @!p1 $0x0  }
0x14: {  	s2 =	sld [smem:$0x3F8F];
	s0 =	simm.s32 @p1 $0x1  }
0x15: {  	[smem:$0x3FAC] =	sst s0;
	s0 =	simm.s32 @!p2 $0x0  }
0x16: {  	s3 =	sld [smem:$0x3FDB];
	s0 =	simm.s32 @p2 $0x1  }
0x17: {  	s4 =	simm.s32 $0x1BF5;
	[smem:$0x3FAE] =	sst s0  }
0x18: {  	s0 =	sld [smem:$0x3F91];
	_ =	swait.ge [sflag:s4], $0x0  }
0x19: {  	s7 =	sld [smem:$0x3F92]  }
0x1a: {  	s8 =	sadd.s32 $0xFFFFE003, lr  }
0x1b: {  	s9 =	sadd.s32 $0xFFFFFEF7, lr;
	s5 =	simm.s32 $0xFFFFFFFF;
	p2 =	slt.u32 s8, $0xFFFFF086  }
0x1c: {  	p1 =	slt.u32 s9, $0xF7A;
	s5 =	simm.s32 @!p2 $0x0  }
0x1d: {  	s5 =	simm.s32 @p1 $0x1;
	p0 =	seq.s32 s7, s2  }
0x1e: {  	s7 =	smul.u32 @!p0 $0xF7A, s2;
	p2 =	seq.s32 @!p0 s5, $0x0  }
0x1f: {  	s9 =	smul.u32 $0xF7A, s1;
	s8 =	simm.s32 @!p0 $0x1BF5;
	p2 =	por !p2, p0  }
0x20: {  	[sflag:s8] =	ssyncset.s32 @!p0 $0xFFFFF086;
	s6 =	sadd.s32 @!p0 s3, s7;
	s7 =	simm.s32 @!p0 $0x108  }
0x21: {  	s3 =	sadd.s32 s3, s9;
	s6 =	sadd.s32 @!p0 $0x88, s6;
	s7 =	simm.s32 @p2 $0x1082  }
0x22: {  	[simem:s7], [sflag:s8] =	dma.local @!p0 [hbm:s6], $0xF7A  }
0x23: {  	s9 =	sor.u32 $0xD0000000, s2;
	s6 =	simm.s32 $0x108;
	_ =	swait.ge @!p0 [sflag:s8], $0x0  }
0x24: {  	s3 =	sadd.s32 $0x88, s3;
	s6 =	simm.s32 @!p1 $0x1082;
	[sflag:s4] =	ssyncset.s32 $0xFFFFF086  }
0x25: {  	[simem:s6], [sflag:s4] =	dma.local [hbm:s3], $0xF7A  }
0x26: {  	[smem:$0x3F92] =	sst s1;
	(tag) =	ssettag s2;
	_ =	strace s9  }
0x27: {  	s1 =	sld [smem:$0x3FA2]  }
0x28: {  	s2 =	sld [smem:$0x3FA3]  }
0x29: {  	s4 =	sld [smem:$0x3FA5]  }
0x2a: {  	p0 =	seq.s32 s5, $0x0;
	s5 =	sld [smem:$0x3FA6]  }
0x2b: {  	s6 =	sld [smem:$0x3FA7]  }
0x2c: {  	s7 =	sld [smem:$0x3FA8]  }
0x2d: {  	s3 =	simm.s32 $0x108;
	s8 =	sld [smem:$0x3FA9]  }
0x2e: {  	s3 =	simm.s32 @!p0 $0x1082;
	s9 =	sld [smem:$0x3FAA]  }
0x2f: {  	lr =	sadd.s32 s0, s3;
	s0 =	sld [smem:$0x3FA1]  }
0x30: {  	s3 =	sld [smem:$0x3FA4]  }
0x31: {  	[smem:$0x3FAD] =	sst s10  }
0x32: {  	s10 =	sld [smem:$0x3FAB];
	_ =	sdelay $0x3  }
0x33: {  	p0 =	seq.s32 s10, $0x1;
	s10 =	sld [smem:$0x3FAD];
	_ =	sdelay $0x3  }
0x34: {  	[smem:$0x3FAD] =	sst s10  }
0x35: {  	s10 =	sld [smem:$0x3FAC];
	_ =	sdelay $0x3  }
0x36: {  	p1 =	seq.s32 s10, $0x1;
	s10 =	sld [smem:$0x3FAD];
	_ =	sdelay $0x3  }
0x37: {  	[smem:$0x3FAD] =	sst s10  }
0x38: {  	s10 =	sld [smem:$0x3FAE]  }
0x39: {  	_ = 	snop;
	(pc) =	sbr.ind lr, $3  }
0x3a: {  	_ = 	snop  }
0x3b: {  	_ = 	snop  }
0x3c: {  	p2 =	seq.s32 s10, $0x1;
	s10 =	sld [smem:$0x3FAD]  }
0x3d: {  	_ =	shalt  }
0x3e: {  	_ =	shalt  }
0x3f: {  	_ =	shalt  }
0x40: {  	_ =	shalt  }
0x41: {  	_ =	shalt  }
0x42: {  	_ =	shalt  }
0x43: {  	_ =	shalt  }
0x44: {  	_ =	shalt  }
0x45: {  	_ =	shalt  }
0x46: {  	_ =	shalt  }
0x47: {  	_ =	shalt  }
0x48: {  	_ =	shalt  }
0x49: {  	_ =	shalt  }
0x4a: {  	_ =	shalt  }
0x4b: {  	_ =	shalt  }
0x4c: {  	_ =	shalt  }
0x4d: {  	_ =	shalt  }
0x4e: {  	_ =	shalt  }
0x4f: {  	_ =	shalt  }
0x50: {  	_ =	shalt  }
0x51: {  	_ =	shalt  }
0x52: {  	_ =	shalt  }
0x53: {  	_ =	shalt  }
0x54: {  	_ =	shalt  }
0x55: {  	_ =	shalt  }
0x56: {  	_ =	shalt  }
0x57: {  	_ =	shalt  }
0x58: {  	_ =	shalt  }
0x59: {  	_ =	shalt  }
0x5a: {  	_ =	shalt  }
0x5b: {  	_ =	shalt  }
0x5c: {  	_ =	shalt  }
0x5d: {  	_ =	shalt  }
0x5e: {  	_ =	shalt  }
0x5f: {  	_ =	shalt  }
0x60: {  	_ =	shalt  }
0x61: {  	_ =	shalt  }
0x62: {  	_ =	shalt  }
0x63: {  	_ =	shalt  }
0x64: {  	_ =	shalt  }
0x65: {  	_ =	shalt  }
0x66: {  	_ =	shalt  }
0x67: {  	_ =	shalt  }
0x68: {  	_ =	shalt  }
0x69: {  	_ =	shalt  }
0x6a: {  	_ =	shalt  }
0x6b: {  	_ =	shalt  }
0x6c: {  	_ =	shalt  }
0x6d: {  	_ =	shalt  }
0x6e: {  	_ =	shalt  }
0x6f: {  	_ =	shalt  }
0x70: {  	_ =	shalt  }
0x71: {  	_ =	shalt  }
0x72: {  	_ =	shalt  }
0x73: {  	_ =	shalt  }
0x74: {  	_ =	shalt  }
0x75: {  	_ =	shalt  }
0x76: {  	_ =	shalt  }
0x77: {  	_ =	shalt  }
0x78: {  	_ =	shalt  }
0x79: {  	_ =	shalt  }
0x7a: {  	_ =	shalt  }
0x7b: {  	_ =	shalt  }
0x7c: {  	_ =	shalt  }
0x7d: {  	_ =	shalt  }
0x7e: {  	_ =	shalt  }
0x7f: {  	_ =	shalt  }
0x80: {  	_ =	shalt  }
0x81: {  	_ =	shalt  }
0x82: {  	_ =	shalt  }
0x83: {  	_ =	shalt  }
0x84: {  	_ =	shalt  }
0x85: {  	_ =	shalt  }
0x86: {  	_ =	shalt  }
0x87: {  	_ =	shalt  }
.Lfunc_end0:
.L_simem_size_0:
called_computation_lowered:
.L_overlay_start_0:
0x88: {  	s2 =	sld [smem:$0x3FD9]  }
0x89: {  	s3 =	sld [smem:$0x3FFE];
	_ =	sdelay $0x1  }
0x8a: {  	s1 =	srdreg.scid  }
0x8b: {  	s0 =	sand.u32 $0x1, s1  }
0x8c: {  	s16 =	sshll.u32 s0, $0xA;
	s2 =	sadd.s32 s3, s2  }
0x8d: {  	s2 =	sadd.s32 s2, s16  }
0x8e: {  	[smem:$0x3FB9] =	sst s2  }
0x8f: {  	_ = 	snop  }
0x90: {  	(tm) =	ssettm $0x1  }
0x91: {  	s17 =	sld [smem:$0x3FFB];
	_ =	sdelay $0x3  }
0x92: {  	_ =	strace s17  }
0x93: {  	s2 =	sld [smem:$0x3FFC];
	_ =	sdelay $0x3  }
0x94: {  	_ =	strace s2  }
0x95: {  	s2 =	sld [smem:$0x3FFD];
	_ =	sdelay $0x3  }
0x96: {  	_ =	strace s2  }
0x97: {  	_ =	strace $0x8FFFFFFF  }
0x98: {  	s18 =	sld [smem:$0x3FDB];
	_ =	sdelay $0x1  }
0x99: {  	s19 =	simm.s32 $_scs_section_size  }
0x9a: {  	s4 =	simm.s32 $_size__tile_overlayer_lowered;
	s5 =	simm.s32 $_tile_overlayer_lowered  }
0x9b: {  	s22 =	simm.s32 $0x1BFF;
	s21 =	sshll.u32 s5, $0x1;
	s2 =	sadd.s32 s19, s18  }
0x9c: {  	s6 =	simm.s32 $0x0;
	s20 =	sshll.u32 s4, $0x1;
	s4 =	sadd.s32 s21, s2  }
0x9d: {  	[timem:s6], [sflag:s22] =	dma.local [hbm:s4], s20  }
0x9e: {  	_ =	swait.ge [sflag:s22], s20  }
0x9f: {  	s3 =	ssub.s32 $0x0, s20;
	[sflag:s22] =	ssyncset.done $0x0  }
0xa0: {  	[sflag:s22] =	ssyncadd.s32 s3;
	_ =	sdelay $0x1  }
0xa1: {  	s23 =	simm.s32 $0x1B8B  }
0xa2: {  	_ =	swait.ge [sflag:s23], $0x1  }
0xa3: {  	[sflag:s23] =	ssyncset.done $0x0  }
0xa4: {  	s25 =	simm.s32 $0x1B8E;
	s24 =	sld [smem:$0x3FFE];
	[sflag:s23] =	ssyncadd.s32 $0xFFFFFFFF  }
0xa5: {  	s26 =	simm.s32 $execute0_lowered;
	[smem:$0x3FD2] =	sst s25  }
0xa6: {  	s4 =	sshll.u32 s26, $0x1;
	_ =	strace $0x80000046;
	[dreg:$0x1] =	wrdreg $0xFFFFFFFF  }
0xa7: {  	s28 =	simm.s32 $_size_execute0_lowered;
	s2 =	sadd.s32 s2, s4;
	[dreg:$0x0] =	wrdreg $0x0  }
0xa8: {  	s4 =	sshll.u32 s28, $0x1;
	[dreg:$0x2] =	wrdreg s2  }
0xa9: {  	[dreg:$0x3] =	wrdreg s4  }
0xaa: {  	[dreg:$0x4] =	wrdreg $0xC0  }
0xab: {  	_ =	task [dreg:s6], $0x5FFFF  }
0xac: {  	[dreg:$0x1] =	wrdreg $0xFFFFFFFF  }
0xad: {  	[dreg:$0x0] =	wrdreg $0x60  }
0xae: {  	[dreg:$0x2] =	wrdreg s24  }
0xaf: {  	[dreg:$0x3] =	wrdreg $0x9  }
0xb0: {  	_ =	task.clear_ibuf [dreg:s6], $0x4FFFF;
	_ =	strace $0x90000046  }
0xb1: {  	s29 =	simm.s32 $0x9;
	_ =	strace $0x80000048  }
0xb2: {  	_ =	swait.ge [sflag:s29], $0x1  }
0xb3: {  	[sflag:s29] =	ssyncadd.s32 $0xFFFFFFFF  }
0xb4: {  	_ =	strace $0x90000048  }
0xb5: {  	_ =	sfence  }
0xb6: {  	s30 =	sld [smem:$0x0];
	_ =	sdelay $0x2  }
0xb7: {  	s31 =	sshll.u32 s1, $0xD;
	s1 =	sshrl.u32 s1, $0x2  }
0xb8: {  	s3 =	sand.u32 $0x4000, s31;
	s1 =	sadd.s32 s1, s30  }
0xb9: {  	s0 =	sor.u32 s3, s0;
	s1 =	sshll.u32 s1, $0x11  }
0xba: {  	s0 =	sor.u32 s1, s0  }
0xbb: {  	s0 =	sadd.s32 $0x8F2B, s0  }
0xbc: {  	[sflag:s0] =	ssyncadd.remote.s32 $0x1  }
0xbd: {  	_ =	sfence.sel $0xFFFF  }
0xbe: {  	[dreg:$0x0] =	wrdreg $0xFFFFFFFF;
	(pc) =	sbr.abs _section_cstart, $3  }
0xbf: {  	[dreg:$0x1] =	wrdreg $0xFFFFFFFF  }
0xc0: {  	_ =	task.clear_ibuf [dreg:s6], $0x2FFFF;
	_ =	strace $0x9FFFFFFF  }
0xc1: {  	(tm) =	ssettm $0x7FFFFFFF  }
tec
execute0_lowered:
.L_overlay_start_1:
0x0: {  	(tag) =	ssettag $0x1  }
0x1: {  	s0 =	srdreg.scid  }
0x2: {  	s4 =	rddreg [dreg:$0x0];
	s3 =	sand.u32 $0x1, s0  }
0x3: {  	s1 =	stileid.u32;
	s7 =	simm.s32 $0x2800;
	s2 =	sshll.u32 s3, $0x4  }
0x4: {  	s0 =	rddreg [dreg:$0x1];
	s3 =	ssub.s32 $0x2, s3;
	s5 =	sor.u32 s1, s2  }
0x5: {  	s2 =	simm.s32 $0x0;
	s6 =	sshrl.u32 s3, $0x1;
	s5 =	smul.u32 $0x500, s5  }
0x6: {  	s8 =	simm.s32 $0x0;
	[smem:$0x7FF] =	sst s2;
	s31 =	ssub.s32 s3, s6  }
0x7: {  	s6 =	simm.s32 $0x1;
	_ =	strace $0x80000047;
	s4 =	sadd.s32 s5, s4  }
0x8: {  	v0 =	vimm.f32 $0.0e+00;
	v1 =	vimm.f32 $1.000000000e+00;
	s5 =	smax.u32 s31, $0x1;
	s3 =	sadd.s32 $0x3000, s4;
	s4 =	sadd.s32 $0xD000, s4  }
.LBB2_1:
0x9: {  	[tilespmem:s2], [sflag:$0x1] =	stream.linear.gather [hbm4b:s3+s2], $0x2800, $0x38;
	[tilespmem:$0x5000] =	vst v63  }
0xa: {  	_ =	swait.ge [sflag:s6], $0x2800  }
0xb: {  	[sflag:s6] =	ssyncset.done $0x0  }
0xc: {  	s9 =	simm.s32 $0x0;
	[sflag:s6] =	ssyncadd.s32 $0xFFFFD800  }
.LBB2_2:
0xd: {  	p0 =	sne.s32 s9, $0x9FC0  }
.Ltmp0:
0xe: {  	_ = 	snop;
	(pc) =	sbr.rel @p0 .LBB2_2-.Ltmp0, $3  }
0xf: {  	_ =	sdelay $0x1  }
0x10: {  	s10 =	sshra.s32 s9, $0x2  }
0x11: {  	s9 =	sadd.s32 $0x40, s9;
	[tilespmem:s10+$0x2800] =	vst v0  }
0x12: {  	s10 =	simm.s32 $0x0;
	s9 =	simm.s32 $0x40  }
.LBB2_4:
0x13: {  	p0 =	sne.s32 s9, $0x9FC0;
	v2 =	vld [tilespmem:s10+$0x0];
	_ =	sdelay $0x3  }
.Ltmp1:
0x14: {  	(pc) =	sbr.rel @p0 .LBB2_4-.Ltmp1, $2  }
0x15: {  	_ =	sdelay $0x2  }
0x16: {  	s10 =	sshra.s32 s9, $0x2;
	s9 =	sadd.s32 $0x40, s9;
	[tilespmem:v2+s7+$0x0] =	vst.idx.add.f32.msk $0xffff, v1  }
0x17: {  	v2 =	vld [tilespmem:s10+$0x0];
	_ =	sdelay $0x5  }
0x18: {  	s8 =	sadd.s32 $0x1, s8  }
0x19: {  	p0 =	sne.s32 s8, s5  }
.Ltmp2:
0x1a: {  	[tilespmem:v2+s7+$0x0] =	vst.idx.add.f32.msk $0xffff, v1;
	(pc) =	sbr.rel @p0 .LBB2_1-.Ltmp2, $4  }
0x1b: {  	[hbm4b:s4+s2] =	stream.linear.scatter [tilespmem:s7], [sflag:$0x1], $0x2800, $0x38;
	[tilespmem:$0x5000] =	vst v63  }
0x1c: {  	_ =	swait.ge [sflag:s6], $0x2800  }
0x1d: {  	[sflag:s6] =	ssyncset.done $0x0  }
0x1e: {  	[sflag:s6] =	ssyncadd.s32 $0xFFFFD800  }
0x1f: {  	_ =	sfence.sel $0x180000  }
0x20: {  	[bflag:$0x0] =	sbarrier.arrive $0xFFFF  }
0x21: {  	p0 =	sne.s32 s1, $0x0;
	_ =	strace $0x90000047  }
0x22: {  	s0 =	sadd.s32 @!p0 $0x100000, s0;
	[bflag:$0x2] =	sbarrier.arrive $0xFFFF  }
0x23: {  	[sflag:s0] =	ssyncadd.tile.s32 @!p0 $0x1;
	_ =	shalt  }
.Lfunc_end2:
_tile_overlayer_lowered:
.L_overlay_start_2:
0x24: {  	(tag) =	ssettag $0x2  }
0x25: {  	s0 =	rddreg [dreg:$0x0];
	s2 =	stileid.u32  }
0x26: {  	s1 =	rddreg [dreg:$0x1];
	p0 =	sne.s32 s2, $0x0  }
0x27: {  	s3 =	rddreg [dreg:$0x2];
	[bflag:$0x3] =	sbarrier.arrive $0xFFFF;
	s2 =	simm.s32 @!p0 $0x1C01  }
0x28: {  	[timem:s3], [sflag:s2] =	dma.local @!p0 [hbm:s0], s1  }
0x29: {  	s0 =	simm.s32 @!p0 $0x1  }
0x2a: {  	_ =	swait.ge @!p0 [sflag:s0], s1  }
0x2b: {  	s1 =	ssub.s32 @!p0 $0x0, s1;
	[sflag:s0] =	ssyncset.done @!p0 $0x0  }
0x2c: {  	[sflag:s0] =	ssyncadd.s32 @!p0 s1  }
0x2d: {  	[bflag:$0x3] =	sbarrier.arrive $0xFFFF  }
0x2e: {  	_ =	shalt  }

</sc_bundles>
